<compile_context>
chip_gen: v7x
topology: tpu7x:2x2x1
jax: 0.10.2.dev20260603
libtpu: 0.0.44.dev20260713+nightly
codegen_flags: <defaults>
</compile_context>

<pallas_src>
import functools

import jax
import jax.numpy as jnp
from jax import lax
from jax.experimental import pallas as pl
from jax.experimental.pallas import tpu as pltpu
from jax.experimental.pallas import tpu_sc as plsc

_NUM_CORES = 2
_NUM_SUBCORES = 16
_NUM_WORKERS = _NUM_CORES * _NUM_SUBCORES
_LANES = 16
_CHUNK = 128

_TILE = 128
_PAIRS_PER_STEP = 128


def _transpose_body(x_ref, o_ref):
    dim = x_ref.shape[0]
    for t in range(_PAIRS_PER_STEP):
        xe = x_ref[:, (2 * t) * _TILE : (2 * t + 1) * _TILE]
        xo = x_ref[:, (2 * t + 1) * _TILE : (2 * t + 2) * _TILE]
        o_ref[t * _TILE : (t + 1) * _TILE, 0:dim] = xe.T
        o_ref[t * _TILE : (t + 1) * _TILE, dim : 2 * dim] = xo.T


def _gather_body(idx_hbm, w2_hbm, out_hbm, idx_v, pairs, cols, rows, stage, sem):
    bpw = idx_v.shape[0]
    dim = stage.shape[0]
    wid = lax.axis_index("s") * _NUM_CORES + lax.axis_index("c")
    base = wid * bpw

    pltpu.sync_copy(idx_hbm.at[pl.ds(base, bpw)], idx_v)

    def prep(cj, carry):
        vec = idx_v[pl.ds(cj * _LANES, _LANES)]
        pairs[pl.ds(cj * _LANES, _LANES)] = lax.shift_left(
            lax.shift_right_logical(vec, 8), 7
        ) + lax.bitwise_and(vec, _TILE - 1)
        cols[pl.ds(cj * _LANES, _LANES)] = lax.shift_left(
            lax.bitwise_and(lax.shift_right_logical(vec, 7), 1), 6
        )
        return carry

    lax.fori_loop(0, bpw // _LANES, prep, 0, unroll=8)

    for q in range(bpw // _CHUNK):
        pltpu.async_copy(
            w2_hbm.at[pairs.at[pl.ds(q * _CHUNK, _CHUNK)]],
            rows.at[pl.ds(q * _CHUNK, _CHUNK)],
            sem,
        )
    pltpu.make_async_copy(w2_hbm.at[pl.ds(0, bpw)], rows, sem).wait()

    lane = lax.iota(jnp.int32, _LANES)

    def select(cj, carry):
        j0 = cj * _LANES
        row_idx = j0 + lane
        col_base = cols[pl.ds(j0, _LANES)]
        for d in range(dim):
            vals = plsc.load_gather(rows, [row_idx, col_base + d])
            stage[d, pl.ds(j0, _LANES)] = vals
        return carry

    lax.fori_loop(0, bpw // _LANES, select, 0)

    pltpu.sync_copy(stage, out_hbm.at[:, pl.ds(base, bpw)])


@jax.jit
def kernel(input_, weight):
    batch = input_.shape[0]
    vocab = weight.shape[0]
    dim = weight.shape[1]
    bpw = batch // _NUM_WORKERS

    cols_per_step = 2 * _PAIRS_PER_STEP * _TILE
    steps = -(-vocab // cols_per_step)
    n_pairs = steps * _PAIRS_PER_STEP * _TILE

    wt = weight.T
    w2 = pl.pallas_call(
        _transpose_body,
        grid=(steps,),
        in_specs=[
            pl.BlockSpec((dim, cols_per_step), lambda i: (0, i)),
        ],
        out_specs=pl.BlockSpec(
            (_PAIRS_PER_STEP * _TILE, 2 * dim), lambda i: (i, 0)
        ),
        out_shape=jax.ShapeDtypeStruct((n_pairs, 2 * dim), weight.dtype),
        compiler_params=pltpu.CompilerParams(
            dimension_semantics=("parallel",),
            vmem_limit_bytes=100 * 1024 * 1024,
        ),
    )(wt)

    mesh = plsc.VectorSubcoreMesh(
        core_axis_name="c",
        subcore_axis_name="s",
        num_cores=_NUM_CORES,
        num_subcores=_NUM_SUBCORES,
    )
    run = pl.kernel(
        _gather_body,
        out_type=jax.ShapeDtypeStruct((dim, batch), weight.dtype),
        mesh=mesh,
        scratch_types=[
            pltpu.VMEM((bpw,), jnp.int32),
            pltpu.VMEM((bpw,), jnp.int32),
            pltpu.VMEM((bpw,), jnp.int32),
            pltpu.VMEM((bpw, 2 * dim), weight.dtype),
            pltpu.VMEM((dim, bpw), weight.dtype),
            pltpu.SemaphoreType.DMA,
        ],
        compiler_params=pltpu.CompilerParams(
            use_tc_tiling_on_sc=True, needs_layout_passes=False
        ),
    )
    return run(input_, w2).T

# --- scband reference (transcript-rebuilt; emitter-appended) ---
"""Pipeline reference for scband-vocab-parallel-embedding-51419348468158 (READ-ONLY COPY).

The authoritative reference and input builder live on the scoring server;
editing this copy changes nothing except your own understanding.
"""

import jax, jax.numpy as jnp
import numpy as np

NUM_EMBEDDINGS = 1000000
EMBEDDING_DIM = 64
BATCH = 16384

def setup_inputs(seed: int = 0) -> dict:
    key = jax.random.key(seed)
    k1, k2 = jax.random.split(key)
    input_ = jax.random.randint(k1, (BATCH,), 0, NUM_EMBEDDINGS, dtype=jnp.int64 if jax.config.jax_enable_x64 else jnp.int32).astype(jnp.int32)
    # learned parameter: embedding table (xavier-normal-ish init)
    std = (2.0 / (NUM_EMBEDDINGS + EMBEDDING_DIM)) ** 0.5
    weight = jax.random.normal(k2, (NUM_EMBEDDINGS, EMBEDDING_DIM), dtype=jnp.float32) * std
    return {"input_": input_, "weight": weight}

def reference(input_, weight):
    # tensor_model_parallel_size == 1 reference: full-vocab embedding lookup.
    # (With tp>1, out-of-partition indices are masked to 0 and rows zeroed,
    #  then all-reduced; with the full table this reduces to a plain gather.)
    output = jnp.take(weight, input_, axis=0)
    return output

if __name__ == "__main__":
    import jax
    _d = setup_inputs()
    print(jax.jit(kernel)(*tuple(_d.values())))

</pallas_src>

<mosaic_0001>
#map = affine_map<(d0, d1) -> (0)>
#map1 = affine_map<(d0, d1) -> (0, 0)>
module attributes {stable_mosaic.version = 14 : i64} {
  func.func @_gather_body(%arg0: i32, %arg1: i32, %arg2: memref<16384xi32, #tpu.memory_space<hbm>>, %arg3: memref<507904x128xf32, #tpu.memory_space<hbm>>, %arg4: memref<64x16384xf32, #tpu.memory_space<hbm>>, %arg5: memref<512xi32, #tpu.memory_space<vmem>>, %arg6: memref<512xi32, #tpu.memory_space<vmem>>, %arg7: memref<512xi32, #tpu.memory_space<vmem>>, %arg8: memref<512x128xf32, #tpu.memory_space<vmem>>, %arg9: memref<64x512xf32, #tpu.memory_space<vmem>>, %arg10: memref<!tpu.dma_semaphore, #tpu.memory_space<semaphore_mem>>) attributes {dimension_semantics = [#tpu.dimension_semantics<core_parallel>, #tpu.dimension_semantics<subcore_parallel>], iteration_bounds = array<i64: 2, 16>, scalar_prefetch = 0 : i64, scratch_operands = 6 : i64, tpu.core_type = #tpu.core_type<sc_vector_subcore>, window_params = [{transform_indices = #map}, {transform_indices = #map1}, {transform_indices = #map1}]} {
    %mul3A = arith.constant 2 : i32
    %mul3A_0 = arith.muli %arg1, %mul3A : i32
    %add3A = arith.addi %mul3A_0, %arg0 : i32
    %mul3A_1 = arith.constant 512 : i32
    %mul3A_2 = arith.muli %add3A, %mul3A_1 : i32
    "tpu.region"() ({
      %run_scoped3A = tpu.sem_alloc : memref<!tpu.dma_semaphore, #tpu.memory_space<semaphore_mem>>
      %dma_start3A_50 = tpu.memref_slice %arg2[%mul3A_2] : memref<16384xi32, #tpu.memory_space<hbm>> -> memref<512xi32, #tpu.memory_space<hbm>>
      %dma_start3A_51 = tpu.memref_slice %arg2[%mul3A_2] : memref<16384xi32, #tpu.memory_space<hbm>> -> memref<512xi32, #tpu.memory_space<hbm>>
      tpu.enqueue_dma source(%dma_start3A_51 : memref<512xi32, #tpu.memory_space<hbm>>) target(%arg5 : memref<512xi32, #tpu.memory_space<vmem>>) target_semaphore(%run_scoped3A : memref<!tpu.dma_semaphore, #tpu.memory_space<semaphore_mem>>)
      %dma_wait3A_52 = tpu.memref_slice %arg2[%mul3A_2] : memref<16384xi32, #tpu.memory_space<hbm>> -> memref<512xi32, #tpu.memory_space<hbm>>
      %dma_wait3A_53 = tpu.memref_slice %arg2[%mul3A_2] : memref<16384xi32, #tpu.memory_space<hbm>> -> memref<512xi32, #tpu.memory_space<hbm>>
      tpu.wait_dma2 semaphore(%run_scoped3A : memref<!tpu.dma_semaphore, #tpu.memory_space<semaphore_mem>>) src(%dma_wait3A_53 : memref<512xi32, #tpu.memory_space<hbm>>) dst(%arg5 : memref<512xi32, #tpu.memory_space<vmem>>)
      tpu.yield
    }) : () -> ()
    %scan3A = arith.constant 0 : i32
    %scan3A_3 = arith.constant 0 : i32
    %scan3A_4 = arith.constant 32 : i32
    %scan3A_5 = arith.addi %scan3A_3, %scan3A_4 : i32
    %scan3A_6 = arith.constant 8 : i32
    scf.for %scan3A_50 = %scan3A_3 to %scan3A_5 step %scan3A_6  : i32 {
      %mul3A_51 = arith.constant 16 : i32
      %mul3A_52 = arith.muli %scan3A_50, %mul3A_51 : i32
      %get3A = arith.index_cast %mul3A_52 : i32 to index
      %get3A_53 = tpu.vector_load %arg5[%get3A] {strides = array<i32>} : memref<512xi32, #tpu.memory_space<vmem>>, vector<16xi32>,
      %shift_right_logical3A = arith.constant 8 : i32
      %shift_right_logical3A_54 = vector.broadcast %shift_right_logical3A : i32 to vector<16xi32>
      %shift_right_logical3A_55 = arith.shrui %get3A_53, %shift_right_logical3A_54 : vector<16xi32>
      %shift_left3A = arith.constant 7 : i32
      %shift_left3A_56 = vector.broadcast %shift_left3A : i32 to vector<16xi32>
      %shift_left3A_57 = arith.shli %shift_right_logical3A_55, %shift_left3A_56 : vector<16xi32>
      %and3A = arith.constant 127 : i32
      %and3A_58 = vector.broadcast %and3A : i32 to vector<16xi32>
      %and3A_59 = arith.andi %get3A_53, %and3A_58 : vector<16xi32>
      %add3A_60 = arith.addi %shift_left3A_57, %and3A_59 : vector<16xi32>
      %mul3A_61 = arith.constant 16 : i32
      %mul3A_62 = arith.muli %scan3A_50, %mul3A_61 : i32
      %swap3A = arith.index_cast %mul3A_62 : i32 to index
      %swap3A_63 = tpu.vector_load %arg6[%swap3A] {strides = array<i32>} : memref<512xi32, #tpu.memory_space<vmem>>, vector<16xi32>,
      tpu.vector_store %arg6[%swap3A], %add3A_60 {strides = array<i32>} : memref<512xi32, #tpu.memory_space<vmem>>, vector<16xi32>,
      %shift_right_logical3A_64 = arith.constant 7 : i32
      %shift_right_logical3A_65 = vector.broadcast %shift_right_logical3A_64 : i32 to vector<16xi32>
      %shift_right_logical3A_66 = arith.shrui %get3A_53, %shift_right_logical3A_65 : vector<16xi32>
      %and3A_67 = arith.constant 1 : i32
      %and3A_68 = vector.broadcast %and3A_67 : i32 to vector<16xi32>
      %and3A_69 = arith.andi %shift_right_logical3A_66, %and3A_68 : vector<16xi32>
      %shift_left3A_70 = arith.constant 6 : i32
      %shift_left3A_71 = vector.broadcast %shift_left3A_70 : i32 to vector<16xi32>
      %shift_left3A_72 = arith.shli %and3A_69, %shift_left3A_71 : vector<16xi32>
      %mul3A_73 = arith.constant 16 : i32
      %mul3A_74 = arith.muli %scan3A_50, %mul3A_73 : i32
      %swap3A_75 = arith.index_cast %mul3A_74 : i32 to index
      %swap3A_76 = tpu.vector_load %arg7[%swap3A_75] {strides = array<i32>} : memref<512xi32, #tpu.memory_space<vmem>>, vector<16xi32>,
      tpu.vector_store %arg7[%swap3A_75], %shift_left3A_72 {strides = array<i32>} : memref<512xi32, #tpu.memory_space<vmem>>, vector<16xi32>,
      %scan3A_77 = arith.constant 1 : i32
      %scan3A_78 = arith.addi %scan3A_50, %scan3A_77 : i32
      %mul3A_79 = arith.constant 16 : i32
      %mul3A_80 = arith.muli %scan3A_78, %mul3A_79 : i32
      %get3A_81 = arith.index_cast %mul3A_80 : i32 to index
      %get3A_82 = tpu.vector_load %arg5[%get3A_81] {strides = array<i32>} : memref<512xi32, #tpu.memory_space<vmem>>, vector<16xi32>,
      %shift_right_logical3A_83 = arith.constant 8 : i32
      %shift_right_logical3A_84 = vector.broadcast %shift_right_logical3A_83 : i32 to vector<16xi32>
      %shift_right_logical3A_85 = arith.shrui %get3A_82, %shift_right_logical3A_84 : vector<16xi32>
      %shift_left3A_86 = arith.constant 7 : i32
      %shift_left3A_87 = vector.broadcast %shift_left3A_86 : i32 to vector<16xi32>
      %shift_left3A_88 = arith.shli %shift_right_logical3A_85, %shift_left3A_87 : vector<16xi32>
      %and3A_89 = arith.constant 127 : i32
      %and3A_90 = vector.broadcast %and3A_89 : i32 to vector<16xi32>
      %and3A_91 = arith.andi %get3A_82, %and3A_90 : vector<16xi32>
      %add3A_92 = arith.addi %shift_left3A_88, %and3A_91 : vector<16xi32>
      %mul3A_93 = arith.constant 16 : i32
      %mul3A_94 = arith.muli %scan3A_78, %mul3A_93 : i32
      %swap3A_95 = arith.index_cast %mul3A_94 : i32 to index
      %swap3A_96 = tpu.vector_load %arg6[%swap3A_95] {strides = array<i32>} : memref<512xi32, #tpu.memory_space<vmem>>, vector<16xi32>,
      tpu.vector_store %arg6[%swap3A_95], %add3A_92 {strides = array<i32>} : memref<512xi32, #tpu.memory_space<vmem>>, vector<16xi32>,
      %shift_right_logical3A_97 = arith.constant 7 : i32
      %shift_right_logical3A_98 = vector.broadcast %shift_right_logical3A_97 : i32 to vector<16xi32>
      %shift_right_logical3A_99 = arith.shrui %get3A_82, %shift_right_logical3A_98 : vector<16xi32>
      %and3A_100 = arith.constant 1 : i32
      %and3A_101 = vector.broadcast %and3A_100 : i32 to vector<16xi32>
      %and3A_102 = arith.andi %shift_right_logical3A_99, %and3A_101 : vector<16xi32>
      %shift_left3A_103 = arith.constant 6 : i32
      %shift_left3A_104 = vector.broadcast %shift_left3A_103 : i32 to vector<16xi32>
      %shift_left3A_105 = arith.shli %and3A_102, %shift_left3A_104 : vector<16xi32>
      %mul3A_106 = arith.constant 16 : i32
      %mul3A_107 = arith.muli %scan3A_78, %mul3A_106 : i32
      %swap3A_108 = arith.index_cast %mul3A_107 : i32 to index
      %swap3A_109 = tpu.vector_load %arg7[%swap3A_108] {strides = array<i32>} : memref<512xi32, #tpu.memory_space<vmem>>, vector<16xi32>,
      tpu.vector_store %arg7[%swap3A_108], %shift_left3A_105 {strides = array<i32>} : memref<512xi32, #tpu.memory_space<vmem>>, vector<16xi32>,
      %scan3A_110 = arith.constant 2 : i32
      %scan3A_111 = arith.addi %scan3A_50, %scan3A_110 : i32
      %mul3A_112 = arith.constant 16 : i32
      %mul3A_113 = arith.muli %scan3A_111, %mul3A_112 : i32
      %get3A_114 = arith.index_cast %mul3A_113 : i32 to index
      %get3A_115 = tpu.vector_load %arg5[%get3A_114] {strides = array<i32>} : memref<512xi32, #tpu.memory_space<vmem>>, vector<16xi32>,
      %shift_right_logical3A_116 = arith.constant 8 : i32
      %shift_right_logical3A_117 = vector.broadcast %shift_right_logical3A_116 : i32 to vector<16xi32>
      %shift_right_logical3A_118 = arith.shrui %get3A_115, %shift_right_logical3A_117 : vector<16xi32>
      %shift_left3A_119 = arith.constant 7 : i32
      %shift_left3A_120 = vector.broadcast %shift_left3A_119 : i32 to vector<16xi32>
      %shift_left3A_121 = arith.shli %shift_right_logical3A_118, %shift_left3A_120 : vector<16xi32>
      %and3A_122 = arith.constant 127 : i32
      %and3A_123 = vector.broadcast %and3A_122 : i32 to vector<16xi32>
      %and3A_124 = arith.andi %get3A_115, %and3A_123 : vector<16xi32>
      %add3A_125 = arith.addi %shift_left3A_121, %and3A_124 : vector<16xi32>
      %mul3A_126 = arith.constant 16 : i32
      %mul3A_127 = arith.muli %scan3A_111, %mul3A_126 : i32
      %swap3A_128 = arith.index_cast %mul3A_127 : i32 to index
      %swap3A_129 = tpu.vector_load %arg6[%swap3A_128] {strides = array<i32>} : memref<512xi32, #tpu.memory_space<vmem>>, vector<16xi32>,
      tpu.vector_store %arg6[%swap3A_128], %add3A_125 {strides = array<i32>} : memref<512xi32, #tpu.memory_space<vmem>>, vector<16xi32>,
      %shift_right_logical3A_130 = arith.constant 7 : i32
      %shift_right_logical3A_131 = vector.broadcast %shift_right_logical3A_130 : i32 to vector<16xi32>
      %shift_right_logical3A_132 = arith.shrui %get3A_115, %shift_right_logical3A_131 : vector<16xi32>
      %and3A_133 = arith.constant 1 : i32
      %and3A_134 = vector.broadcast %and3A_133 : i32 to vector<16xi32>
      %and3A_135 = arith.andi %shift_right_logical3A_132, %and3A_134 : vector<16xi32>
      %shift_left3A_136 = arith.constant 6 : i32
      %shift_left3A_137 = vector.broadcast %shift_left3A_136 : i32 to vector<16xi32>
      %shift_left3A_138 = arith.shli %and3A_135, %shift_left3A_137 : vector<16xi32>
      %mul3A_139 = arith.constant 16 : i32
      %mul3A_140 = arith.muli %scan3A_111, %mul3A_139 : i32
      %swap3A_141 = arith.index_cast %mul3A_140 : i32 to index
      %swap3A_142 = tpu.vector_load %arg7[%swap3A_141] {strides = array<i32>} : memref<512xi32, #tpu.memory_space<vmem>>, vector<16xi32>,
      tpu.vector_store %arg7[%swap3A_141], %shift_left3A_138 {strides = array<i32>} : memref<512xi32, #tpu.memory_space<vmem>>, vector<16xi32>,
      %scan3A_143 = arith.constant 3 : i32
      %scan3A_144 = arith.addi %scan3A_50, %scan3A_143 : i32
      %mul3A_145 = arith.constant 16 : i32
      %mul3A_146 = arith.muli %scan3A_144, %mul3A_145 : i32
      %get3A_147 = arith.index_cast %mul3A_146 : i32 to index
      %get3A_148 = tpu.vector_load %arg5[%get3A_147] {strides = array<i32>} : memref<512xi32, #tpu.memory_space<vmem>>, vector<16xi32>,
      %shift_right_logical3A_149 = arith.constant 8 : i32
      %shift_right_logical3A_150 = vector.broadcast %shift_right_logical3A_149 : i32 to vector<16xi32>
      %shift_right_logical3A_151 = arith.shrui %get3A_148, %shift_right_logical3A_150 : vector<16xi32>
      %shift_left3A_152 = arith.constant 7 : i32
      %shift_left3A_153 = vector.broadcast %shift_left3A_152 : i32 to vector<16xi32>
      %shift_left3A_154 = arith.shli %shift_right_logical3A_151, %shift_left3A_153 : vector<16xi32>
      %and3A_155 = arith.constant 127 : i32
      %and3A_156 = vector.broadcast %and3A_155 : i32 to vector<16xi32>
      %and3A_157 = arith.andi %get3A_148, %and3A_156 : vector<16xi32>
      %add3A_158 = arith.addi %shift_left3A_154, %and3A_157 : vector<16xi32>
      %mul3A_159 = arith.constant 16 : i32
      %mul3A_160 = arith.muli %scan3A_144, %mul3A_159 : i32
      %swap3A_161 = arith.index_cast %mul3A_160 : i32 to index
      %swap3A_162 = tpu.vector_load %arg6[%swap3A_161] {strides = array<i32>} : memref<512xi32, #tpu.memory_space<vmem>>, vector<16xi32>,
      tpu.vector_store %arg6[%swap3A_161], %add3A_158 {strides = array<i32>} : memref<512xi32, #tpu.memory_space<vmem>>, vector<16xi32>,
      %shift_right_logical3A_163 = arith.constant 7 : i32
      %shift_right_logical3A_164 = vector.broadcast %shift_right_logical3A_163 : i32 to vector<16xi32>
      %shift_right_logical3A_165 = arith.shrui %get3A_148, %shift_right_logical3A_164 : vector<16xi32>
      %and3A_166 = arith.constant 1 : i32
      %and3A_167 = vector.broadcast %and3A_166 : i32 to vector<16xi32>
      %and3A_168 = arith.andi %shift_right_logical3A_165, %and3A_167 : vector<16xi32>
      %shift_left3A_169 = arith.constant 6 : i32
      %shift_left3A_170 = vector.broadcast %shift_left3A_169 : i32 to vector<16xi32>
      %shift_left3A_171 = arith.shli %and3A_168, %shift_left3A_170 : vector<16xi32>
      %mul3A_172 = arith.constant 16 : i32
      %mul3A_173 = arith.muli %scan3A_144, %mul3A_172 : i32
      %swap3A_174 = arith.index_cast %mul3A_173 : i32 to index
      %swap3A_175 = tpu.vector_load %arg7[%swap3A_174] {strides = array<i32>} : memref<512xi32, #tpu.memory_space<vmem>>, vector<16xi32>,
      tpu.vector_store %arg7[%swap3A_174], %shift_left3A_171 {strides = array<i32>} : memref<512xi32, #tpu.memory_space<vmem>>, vector<16xi32>,
      %scan3A_176 = arith.constant 4 : i32
      %scan3A_177 = arith.addi %scan3A_50, %scan3A_176 : i32
      %mul3A_178 = arith.constant 16 : i32
      %mul3A_179 = arith.muli %scan3A_177, %mul3A_178 : i32
      %get3A_180 = arith.index_cast %mul3A_179 : i32 to index
      %get3A_181 = tpu.vector_load %arg5[%get3A_180] {strides = array<i32>} : memref<512xi32, #tpu.memory_space<vmem>>, vector<16xi32>,
      %shift_right_logical3A_182 = arith.constant 8 : i32
      %shift_right_logical3A_183 = vector.broadcast %shift_right_logical3A_182 : i32 to vector<16xi32>
      %shift_right_logical3A_184 = arith.shrui %get3A_181, %shift_right_logical3A_183 : vector<16xi32>
      %shift_left3A_185 = arith.constant 7 : i32
      %shift_left3A_186 = vector.broadcast %shift_left3A_185 : i32 to vector<16xi32>
      %shift_left3A_187 = arith.shli %shift_right_logical3A_184, %shift_left3A_186 : vector<16xi32>
      %and3A_188 = arith.constant 127 : i32
      %and3A_189 = vector.broadcast %and3A_188 : i32 to vector<16xi32>
      %and3A_190 = arith.andi %get3A_181, %and3A_189 : vector<16xi32>
      %add3A_191 = arith.addi %shift_left3A_187, %and3A_190 : vector<16xi32>
      %mul3A_192 = arith.constant 16 : i32
      %mul3A_193 = arith.muli %scan3A_177, %mul3A_192 : i32
      %swap3A_194 = arith.index_cast %mul3A_193 : i32 to index
      %swap3A_195 = tpu.vector_load %arg6[%swap3A_194] {strides = array<i32>} : memref<512xi32, #tpu.memory_space<vmem>>, vector<16xi32>,
      tpu.vector_store %arg6[%swap3A_194], %add3A_191 {strides = array<i32>} : memref<512xi32, #tpu.memory_space<vmem>>, vector<16xi32>,
      %shift_right_logical3A_196 = arith.constant 7 : i32
      %shift_right_logical3A_197 = vector.broadcast %shift_right_logical3A_196 : i32 to vector<16xi32>
      %shift_right_logical3A_198 = arith.shrui %get3A_181, %shift_right_logical3A_197 : vector<16xi32>
      %and3A_199 = arith.constant 1 : i32
      %and3A_200 = vector.broadcast %and3A_199 : i32 to vector<16xi32>
      %and3A_201 = arith.andi %shift_right_logical3A_198, %and3A_200 : vector<16xi32>
      %shift_left3A_202 = arith.constant 6 : i32
      %shift_left3A_203 = vector.broadcast %shift_left3A_202 : i32 to vector<16xi32>
      %shift_left3A_204 = arith.shli %and3A_201, %shift_left3A_203 : vector<16xi32>
      %mul3A_205 = arith.constant 16 : i32
      %mul3A_206 = arith.muli %scan3A_177, %mul3A_205 : i32
      %swap3A_207 = arith.index_cast %mul3A_206 : i32 to index
      %swap3A_208 = tpu.vector_load %arg7[%swap3A_207] {strides = array<i32>} : memref<512xi32, #tpu.memory_space<vmem>>, vector<16xi32>,
      tpu.vector_store %arg7[%swap3A_207], %shift_left3A_204 {strides = array<i32>} : memref<512xi32, #tpu.memory_space<vmem>>, vector<16xi32>,
      %scan3A_209 = arith.constant 5 : i32
      %scan3A_210 = arith.addi %scan3A_50, %scan3A_209 : i32
      %mul3A_211 = arith.constant 16 : i32
      %mul3A_212 = arith.muli %scan3A_210, %mul3A_211 : i32
      %get3A_213 = arith.index_cast %mul3A_212 : i32 to index
      %get3A_214 = tpu.vector_load %arg5[%get3A_213] {strides = array<i32>} : memref<512xi32, #tpu.memory_space<vmem>>, vector<16xi32>,
      %shift_right_logical3A_215 = arith.constant 8 : i32
      %shift_right_logical3A_216 = vector.broadcast %shift_right_logical3A_215 : i32 to vector<16xi32>
      %shift_right_logical3A_217 = arith.shrui %get3A_214, %shift_right_logical3A_216 : vector<16xi32>
      %shift_left3A_218 = arith.constant 7 : i32
      %shift_left3A_219 = vector.broadcast %shift_left3A_218 : i32 to vector<16xi32>
      %shift_left3A_220 = arith.shli %shift_right_logical3A_217, %shift_left3A_219 : vector<16xi32>
      %and3A_221 = arith.constant 127 : i32
      %and3A_222 = vector.broadcast %and3A_221 : i32 to vector<16xi32>
      %and3A_223 = arith.andi %get3A_214, %and3A_222 : vector<16xi32>
      %add3A_224 = arith.addi %shift_left3A_220, %and3A_223 : vector<16xi32>
      %mul3A_225 = arith.constant 16 : i32
      %mul3A_226 = arith.muli %scan3A_210, %mul3A_225 : i32
      %swap3A_227 = arith.index_cast %mul3A_226 : i32 to index
      %swap3A_228 = tpu.vector_load %arg6[%swap3A_227] {strides = array<i32>} : memref<512xi32, #tpu.memory_space<vmem>>, vector<16xi32>,
      tpu.vector_store %arg6[%swap3A_227], %add3A_224 {strides = array<i32>} : memref<512xi32, #tpu.memory_space<vmem>>, vector<16xi32>,
      %shift_right_logical3A_229 = arith.constant 7 : i32
      %shift_right_logical3A_230 = vector.broadcast %shift_right_logical3A_229 : i32 to vector<16xi32>
      %shift_right_logical3A_231 = arith.shrui %get3A_214, %shift_right_logical3A_230 : vector<16xi32>
      %and3A_232 = arith.constant 1 : i32
      %and3A_233 = vector.broadcast %and3A_232 : i32 to vector<16xi32>
      %and3A_234 = arith.andi %shift_right_logical3A_231, %and3A_233 : vector<16xi32>
      %shift_left3A_235 = arith.constant 6 : i32
      %shift_left3A_236 = vector.broadcast %shift_left3A_235 : i32 to vector<16xi32>
      %shift_left3A_237 = arith.shli %and3A_234, %shift_left3A_236 : vector<16xi32>
      %mul3A_238 = arith.constant 16 : i32
      %mul3A_239 = arith.muli %scan3A_210, %mul3A_238 : i32
      %swap3A_240 = arith.index_cast %mul3A_239 : i32 to index
      %swap3A_241 = tpu.vector_load %arg7[%swap3A_240] {strides = array<i32>} : memref<512xi32, #tpu.memory_space<vmem>>, vector<16xi32>,
      tpu.vector_store %arg7[%swap3A_240], %shift_left3A_237 {strides = array<i32>} : memref<512xi32, #tpu.memory_space<vmem>>, vector<16xi32>,
      %scan3A_242 = arith.constant 6 : i32
      %scan3A_243 = arith.addi %scan3A_50, %scan3A_242 : i32
      %mul3A_244 = arith.constant 16 : i32
      %mul3A_245 = arith.muli %scan3A_243, %mul3A_244 : i32
      %get3A_246 = arith.index_cast %mul3A_245 : i32 to index
      %get3A_247 = tpu.vector_load %arg5[%get3A_246] {strides = array<i32>} : memref<512xi32, #tpu.memory_space<vmem>>, vector<16xi32>,
      %shift_right_logical3A_248 = arith.constant 8 : i32
      %shift_right_logical3A_249 = vector.broadcast %shift_right_logical3A_248 : i32 to vector<16xi32>
      %shift_right_logical3A_250 = arith.shrui %get3A_247, %shift_right_logical3A_249 : vector<16xi32>
      %shift_left3A_251 = arith.constant 7 : i32
      %shift_left3A_252 = vector.broadcast %shift_left3A_251 : i32 to vector<16xi32>
      %shift_left3A_253 = arith.shli %shift_right_logical3A_250, %shift_left3A_252 : vector<16xi32>
      %and3A_254 = arith.constant 127 : i32
      %and3A_255 = vector.broadcast %and3A_254 : i32 to vector<16xi32>
      %and3A_256 = arith.andi %get3A_247, %and3A_255 : vector<16xi32>
      %add3A_257 = arith.addi %shift_left3A_253, %and3A_256 : vector<16xi32>
      %mul3A_258 = arith.constant 16 : i32
      %mul3A_259 = arith.muli %scan3A_243, %mul3A_258 : i32
      %swap3A_260 = arith.index_cast %mul3A_259 : i32 to index
      %swap3A_261 = tpu.vector_load %arg6[%swap3A_260] {strides = array<i32>} : memref<512xi32, #tpu.memory_space<vmem>>, vector<16xi32>,
      tpu.vector_store %arg6[%swap3A_260], %add3A_257 {strides = array<i32>} : memref<512xi32, #tpu.memory_space<vmem>>, vector<16xi32>,
      %shift_right_logical3A_262 = arith.constant 7 : i32
      %shift_right_logical3A_263 = vector.broadcast %shift_right_logical3A_262 : i32 to vector<16xi32>
      %shift_right_logical3A_264 = arith.shrui %get3A_247, %shift_right_logical3A_263 : vector<16xi32>
      %and3A_265 = arith.constant 1 : i32
      %and3A_266 = vector.broadcast %and3A_265 : i32 to vector<16xi32>
      %and3A_267 = arith.andi %shift_right_logical3A_264, %and3A_266 : vector<16xi32>
      %shift_left3A_268 = arith.constant 6 : i32
      %shift_left3A_269 = vector.broadcast %shift_left3A_268 : i32 to vector<16xi32>
      %shift_left3A_270 = arith.shli %and3A_267, %shift_left3A_269 : vector<16xi32>
      %mul3A_271 = arith.constant 16 : i32
      %mul3A_272 = arith.muli %scan3A_243, %mul3A_271 : i32
      %swap3A_273 = arith.index_cast %mul3A_272 : i32 to index
      %swap3A_274 = tpu.vector_load %arg7[%swap3A_273] {strides = array<i32>} : memref<512xi32, #tpu.memory_space<vmem>>, vector<16xi32>,
      tpu.vector_store %arg7[%swap3A_273], %shift_left3A_270 {strides = array<i32>} : memref<512xi32, #tpu.memory_space<vmem>>, vector<16xi32>,
      %scan3A_275 = arith.constant 7 : i32
      %scan3A_276 = arith.addi %scan3A_50, %scan3A_275 : i32
      %mul3A_277 = arith.constant 16 : i32
      %mul3A_278 = arith.muli %scan3A_276, %mul3A_277 : i32
      %get3A_279 = arith.index_cast %mul3A_278 : i32 to index
      %get3A_280 = tpu.vector_load %arg5[%get3A_279] {strides = array<i32>} : memref<512xi32, #tpu.memory_space<vmem>>, vector<16xi32>,
      %shift_right_logical3A_281 = arith.constant 8 : i32
      %shift_right_logical3A_282 = vector.broadcast %shift_right_logical3A_281 : i32 to vector<16xi32>
      %shift_right_logical3A_283 = arith.shrui %get3A_280, %shift_right_logical3A_282 : vector<16xi32>
      %shift_left3A_284 = arith.constant 7 : i32
      %shift_left3A_285 = vector.broadcast %shift_left3A_284 : i32 to vector<16xi32>
      %shift_left3A_286 = arith.shli %shift_right_logical3A_283, %shift_left3A_285 : vector<16xi32>
      %and3A_287 = arith.constant 127 : i32
      %and3A_288 = vector.broadcast %and3A_287 : i32 to vector<16xi32>
      %and3A_289 = arith.andi %get3A_280, %and3A_288 : vector<16xi32>
      %add3A_290 = arith.addi %shift_left3A_286, %and3A_289 : vector<16xi32>
      %mul3A_291 = arith.constant 16 : i32
      %mul3A_292 = arith.muli %scan3A_276, %mul3A_291 : i32
      %swap3A_293 = arith.index_cast %mul3A_292 : i32 to index
      %swap3A_294 = tpu.vector_load %arg6[%swap3A_293] {strides = array<i32>} : memref<512xi32, #tpu.memory_space<vmem>>, vector<16xi32>,
      tpu.vector_store %arg6[%swap3A_293], %add3A_290 {strides = array<i32>} : memref<512xi32, #tpu.memory_space<vmem>>, vector<16xi32>,
      %shift_right_logical3A_295 = arith.constant 7 : i32
      %shift_right_logical3A_296 = vector.broadcast %shift_right_logical3A_295 : i32 to vector<16xi32>
      %shift_right_logical3A_297 = arith.shrui %get3A_280, %shift_right_logical3A_296 : vector<16xi32>
      %and3A_298 = arith.constant 1 : i32
      %and3A_299 = vector.broadcast %and3A_298 : i32 to vector<16xi32>
      %and3A_300 = arith.andi %shift_right_logical3A_297, %and3A_299 : vector<16xi32>
      %shift_left3A_301 = arith.constant 6 : i32
      %shift_left3A_302 = vector.broadcast %shift_left3A_301 : i32 to vector<16xi32>
      %shift_left3A_303 = arith.shli %and3A_300, %shift_left3A_302 : vector<16xi32>
      %mul3A_304 = arith.constant 16 : i32
      %mul3A_305 = arith.muli %scan3A_276, %mul3A_304 : i32
      %swap3A_306 = arith.index_cast %mul3A_305 : i32 to index
      %swap3A_307 = tpu.vector_load %arg7[%swap3A_306] {strides = array<i32>} : memref<512xi32, #tpu.memory_space<vmem>>, vector<16xi32>,
      tpu.vector_store %arg7[%swap3A_306], %shift_left3A_303 {strides = array<i32>} : memref<512xi32, #tpu.memory_space<vmem>>, vector<16xi32>,
    }
    %scan3A_7 = arith.constant 32 : i32
    %dma_start3A = arith.constant 0 : i32
    %dma_start3A_8 = arith.constant 0 : i32
    %dma_start3A_9 = tpu.memref_slice %arg8[%dma_start3A, %dma_start3A_8] : memref<512x128xf32, #tpu.memory_space<vmem>> -> memref<128x128xf32, #tpu.memory_space<vmem>>
    %dma_start3A_10 = arith.constant 0 : i32
    %dma_start3A_11 = tpu.memref_slice %arg6[%dma_start3A_10] : memref<512xi32, #tpu.memory_space<vmem>> -> memref<128xi32, #tpu.memory_space<vmem>>
    %dma_start3A_12 = arith.constant 0 : i32
    %dma_start3A_13 = arith.constant 0 : i32
    %dma_start3A_14 = tpu.memref_slice %arg3[%dma_start3A_12, %dma_start3A_13] : memref<507904x128xf32, #tpu.memory_space<hbm>> -> memref<507904x128xf32, #tpu.memory_space<hbm>>
    tpu.enqueue_indirect_dma source(%dma_start3A_14 : memref<507904x128xf32, #tpu.memory_space<hbm>>) target(%dma_start3A_9 : memref<128x128xf32, #tpu.memory_space<vmem>>) offsets(%dma_start3A_11 : memref<128xi32, #tpu.memory_space<vmem>>) semaphore(%arg10 : memref<!tpu.dma_semaphore, #tpu.memory_space<semaphore_mem>>)
    %dma_start3A_15 = arith.constant 128 : i32
    %dma_start3A_16 = arith.constant 0 : i32
    %dma_start3A_17 = tpu.memref_slice %arg8[%dma_start3A_15, %dma_start3A_16] : memref<512x128xf32, #tpu.memory_space<vmem>> -> memref<128x128xf32, #tpu.memory_space<vmem>>
    %dma_start3A_18 = arith.constant 128 : i32
    %dma_start3A_19 = tpu.memref_slice %arg6[%dma_start3A_18] : memref<512xi32, #tpu.memory_space<vmem>> -> memref<128xi32, #tpu.memory_space<vmem>>
    %dma_start3A_20 = arith.constant 0 : i32
    %dma_start3A_21 = arith.constant 0 : i32
    %dma_start3A_22 = tpu.memref_slice %arg3[%dma_start3A_20, %dma_start3A_21] : memref<507904x128xf32, #tpu.memory_space<hbm>> -> memref<507904x128xf32, #tpu.memory_space<hbm>>
    tpu.enqueue_indirect_dma source(%dma_start3A_22 : memref<507904x128xf32, #tpu.memory_space<hbm>>) target(%dma_start3A_17 : memref<128x128xf32, #tpu.memory_space<vmem>>) offsets(%dma_start3A_19 : memref<128xi32, #tpu.memory_space<vmem>>) semaphore(%arg10 : memref<!tpu.dma_semaphore, #tpu.memory_space<semaphore_mem>>)
    %dma_start3A_23 = arith.constant 256 : i32
    %dma_start3A_24 = arith.constant 0 : i32
    %dma_start3A_25 = tpu.memref_slice %arg8[%dma_start3A_23, %dma_start3A_24] : memref<512x128xf32, #tpu.memory_space<vmem>> -> memref<128x128xf32, #tpu.memory_space<vmem>>
    %dma_start3A_26 = arith.constant 256 : i32
    %dma_start3A_27 = tpu.memref_slice %arg6[%dma_start3A_26] : memref<512xi32, #tpu.memory_space<vmem>> -> memref<128xi32, #tpu.memory_space<vmem>>
    %dma_start3A_28 = arith.constant 0 : i32
    %dma_start3A_29 = arith.constant 0 : i32
    %dma_start3A_30 = tpu.memref_slice %arg3[%dma_start3A_28, %dma_start3A_29] : memref<507904x128xf32, #tpu.memory_space<hbm>> -> memref<507904x128xf32, #tpu.memory_space<hbm>>
    tpu.enqueue_indirect_dma source(%dma_start3A_30 : memref<507904x128xf32, #tpu.memory_space<hbm>>) target(%dma_start3A_25 : memref<128x128xf32, #tpu.memory_space<vmem>>) offsets(%dma_start3A_27 : memref<128xi32, #tpu.memory_space<vmem>>) semaphore(%arg10 : memref<!tpu.dma_semaphore, #tpu.memory_space<semaphore_mem>>)
    %dma_start3A_31 = arith.constant 384 : i32
    %dma_start3A_32 = arith.constant 0 : i32
    %dma_start3A_33 = tpu.memref_slice %arg8[%dma_start3A_31, %dma_start3A_32] : memref<512x128xf32, #tpu.memory_space<vmem>> -> memref<128x128xf32, #tpu.memory_space<vmem>>
    %dma_start3A_34 = arith.constant 384 : i32
    %dma_start3A_35 = tpu.memref_slice %arg6[%dma_start3A_34] : memref<512xi32, #tpu.memory_space<vmem>> -> memref<128xi32, #tpu.memory_space<vmem>>
    %dma_start3A_36 = arith.constant 0 : i32
    %dma_start3A_37 = arith.constant 0 : i32
    %dma_start3A_38 = tpu.memref_slice %arg3[%dma_start3A_36, %dma_start3A_37] : memref<507904x128xf32, #tpu.memory_space<hbm>> -> memref<507904x128xf32, #tpu.memory_space<hbm>>
    tpu.enqueue_indirect_dma source(%dma_start3A_38 : memref<507904x128xf32, #tpu.memory_space<hbm>>) target(%dma_start3A_33 : memref<128x128xf32, #tpu.memory_space<vmem>>) offsets(%dma_start3A_35 : memref<128xi32, #tpu.memory_space<vmem>>) semaphore(%arg10 : memref<!tpu.dma_semaphore, #tpu.memory_space<semaphore_mem>>)
    %dma_wait3A = arith.constant 0 : i32
    %dma_wait3A_39 = arith.constant 0 : i32
    %dma_wait3A_40 = tpu.memref_slice %arg3[%dma_wait3A, %dma_wait3A_39] : memref<507904x128xf32, #tpu.memory_space<hbm>> -> memref<512x128xf32, #tpu.memory_space<hbm>>
    %dma_wait3A_41 = arith.constant 0 : i32
    %dma_wait3A_42 = arith.constant 0 : i32
    %dma_wait3A_43 = tpu.memref_slice %arg3[%dma_wait3A_41, %dma_wait3A_42] : memref<507904x128xf32, #tpu.memory_space<hbm>> -> memref<512x128xf32, #tpu.memory_space<hbm>>
    tpu.wait_dma2 semaphore(%arg10 : memref<!tpu.dma_semaphore, #tpu.memory_space<semaphore_mem>>) src(%dma_wait3A_43 : memref<512x128xf32, #tpu.memory_space<hbm>>) dst(%arg8 : memref<512x128xf32, #tpu.memory_space<vmem>>)
    %iota3A = tpu.iota {dimensions = array<i32: 0>} : vector<16xi32>
    %scan3A_44 = arith.constant 0 : i32
    %scan3A_45 = arith.constant 0 : i32
    %scan3A_46 = arith.constant 32 : i32
    %scan3A_47 = arith.addi %scan3A_45, %scan3A_46 : i32
    %scan3A_48 = arith.constant 1 : i32
    scf.for %scan3A_50 = %scan3A_45 to %scan3A_47 step %scan3A_48  : i32 {
      %mul3A_51 = arith.constant 16 : i32
      %mul3A_52 = arith.muli %scan3A_50, %mul3A_51 : i32
      %add3A_53 = vector.broadcast %mul3A_52 : i32 to vector<16xi32>
      %add3A_54 = arith.addi %add3A_53, %iota3A : vector<16xi32>
      %get3A = arith.index_cast %mul3A_52 : i32 to index
      %get3A_55 = tpu.vector_load %arg7[%get3A] {strides = array<i32>} : memref<512xi32, #tpu.memory_space<vmem>>, vector<16xi32>,
      %add3A_56 = arith.constant 0 : i32
      %add3A_57 = vector.broadcast %add3A_56 : i32 to vector<16xi32>
      %add3A_58 = arith.addi %get3A_55, %add3A_57 : vector<16xi32>
      %gather3A = tpu.vector_load_idx %arg8[%add3A_54, %add3A_58] : memref<512x128xf32, #tpu.memory_space<vmem>>[vector<16xi32>, vector<16xi32>], vector<16xf32>,
      %swap3A = arith.constant 0 : i32
      %swap3A_59 = arith.index_cast %swap3A : i32 to index
      %swap3A_60 = arith.index_cast %mul3A_52 : i32 to index
      %swap3A_61 = tpu.vector_load %arg9[%swap3A_59, %swap3A_60] {strides = array<i32>} : memref<64x512xf32, #tpu.memory_space<vmem>>, vector<16xf32>,
      tpu.vector_store %arg9[%swap3A_59, %swap3A_60], %gather3A {strides = array<i32>} : memref<64x512xf32, #tpu.memory_space<vmem>>, vector<16xf32>,
      %add3A_62 = arith.constant 1 : i32
      %add3A_63 = vector.broadcast %add3A_62 : i32 to vector<16xi32>
      %add3A_64 = arith.addi %get3A_55, %add3A_63 : vector<16xi32>
      %gather3A_65 = tpu.vector_load_idx %arg8[%add3A_54, %add3A_64] : memref<512x128xf32, #tpu.memory_space<vmem>>[vector<16xi32>, vector<16xi32>], vector<16xf32>,
      %swap3A_66 = arith.constant 1 : i32
      %swap3A_67 = arith.index_cast %swap3A_66 : i32 to index
      %swap3A_68 = arith.index_cast %mul3A_52 : i32 to index
      %swap3A_69 = tpu.vector_load %arg9[%swap3A_67, %swap3A_68] {strides = array<i32>} : memref<64x512xf32, #tpu.memory_space<vmem>>, vector<16xf32>,
      tpu.vector_store %arg9[%swap3A_67, %swap3A_68], %gather3A_65 {strides = array<i32>} : memref<64x512xf32, #tpu.memory_space<vmem>>, vector<16xf32>,
      %add3A_70 = arith.constant 2 : i32
      %add3A_71 = vector.broadcast %add3A_70 : i32 to vector<16xi32>
      %add3A_72 = arith.addi %get3A_55, %add3A_71 : vector<16xi32>
      %gather3A_73 = tpu.vector_load_idx %arg8[%add3A_54, %add3A_72] : memref<512x128xf32, #tpu.memory_space<vmem>>[vector<16xi32>, vector<16xi32>], vector<16xf32>,
      %swap3A_74 = arith.constant 2 : i32
      %swap3A_75 = arith.index_cast %swap3A_74 : i32 to index
      %swap3A_76 = arith.index_cast %mul3A_52 : i32 to index
      %swap3A_77 = tpu.vector_load %arg9[%swap3A_75, %swap3A_76] {strides = array<i32>} : memref<64x512xf32, #tpu.memory_space<vmem>>, vector<16xf32>,
      tpu.vector_store %arg9[%swap3A_75, %swap3A_76], %gather3A_73 {strides = array<i32>} : memref<64x512xf32, #tpu.memory_space<vmem>>, vector<16xf32>,
      %add3A_78 = arith.constant 3 : i32
      %add3A_79 = vector.broadcast %add3A_78 : i32 to vector<16xi32>
      %add3A_80 = arith.addi %get3A_55, %add3A_79 : vector<16xi32>
      %gather3A_81 = tpu.vector_load_idx %arg8[%add3A_54, %add3A_80] : memref<512x128xf32, #tpu.memory_space<vmem>>[vector<16xi32>, vector<16xi32>], vector<16xf32>,
      %swap3A_82 = arith.constant 3 : i32
      %swap3A_83 = arith.index_cast %swap3A_82 : i32 to index
      %swap3A_84 = arith.index_cast %mul3A_52 : i32 to index
      %swap3A_85 = tpu.vector_load %arg9[%swap3A_83, %swap3A_84] {strides = array<i32>} : memref<64x512xf32, #tpu.memory_space<vmem>>, vector<16xf32>,
      tpu.vector_store %arg9[%swap3A_83, %swap3A_84], %gather3A_81 {strides = array<i32>} : memref<64x512xf32, #tpu.memory_space<vmem>>, vector<16xf32>,
      %add3A_86 = arith.constant 4 : i32
      %add3A_87 = vector.broadcast %add3A_86 : i32 to vector<16xi32>
      %add3A_88 = arith.addi %get3A_55, %add3A_87 : vector<16xi32>
      %gather3A_89 = tpu.vector_load_idx %arg8[%add3A_54, %add3A_88] : memref<512x128xf32, #tpu.memory_space<vmem>>[vector<16xi32>, vector<16xi32>], vector<16xf32>,
      %swap3A_90 = arith.constant 4 : i32
      %swap3A_91 = arith.index_cast %swap3A_90 : i32 to index
      %swap3A_92 = arith.index_cast %mul3A_52 : i32 to index
      %swap3A_93 = tpu.vector_load %arg9[%swap3A_91, %swap3A_92] {strides = array<i32>} : memref<64x512xf32, #tpu.memory_space<vmem>>, vector<16xf32>,
      tpu.vector_store %arg9[%swap3A_91, %swap3A_92], %gather3A_89 {strides = array<i32>} : memref<64x512xf32, #tpu.memory_space<vmem>>, vector<16xf32>,
      %add3A_94 = arith.constant 5 : i32
      %add3A_95 = vector.broadcast %add3A_94 : i32 to vector<16xi32>
      %add3A_96 = arith.addi %get3A_55, %add3A_95 : vector<16xi32>
      %gather3A_97 = tpu.vector_load_idx %arg8[%add3A_54, %add3A_96] : memref<512x128xf32, #tpu.memory_space<vmem>>[vector<16xi32>, vector<16xi32>], vector<16xf32>,
      %swap3A_98 = arith.constant 5 : i32
      %swap3A_99 = arith.index_cast %swap3A_98 : i32 to index
      %swap3A_100 = arith.index_cast %mul3A_52 : i32 to index
      %swap3A_101 = tpu.vector_load %arg9[%swap3A_99, %swap3A_100] {strides = array<i32>} : memref<64x512xf32, #tpu.memory_space<vmem>>, vector<16xf32>,
      tpu.vector_store %arg9[%swap3A_99, %swap3A_100], %gather3A_97 {strides = array<i32>} : memref<64x512xf32, #tpu.memory_space<vmem>>, vector<16xf32>,
      %add3A_102 = arith.constant 6 : i32
      %add3A_103 = vector.broadcast %add3A_102 : i32 to vector<16xi32>
      %add3A_104 = arith.addi %get3A_55, %add3A_103 : vector<16xi32>
      %gather3A_105 = tpu.vector_load_idx %arg8[%add3A_54, %add3A_104] : memref<512x128xf32, #tpu.memory_space<vmem>>[vector<16xi32>, vector<16xi32>], vector<16xf32>,
      %swap3A_106 = arith.constant 6 : i32
      %swap3A_107 = arith.index_cast %swap3A_106 : i32 to index
      %swap3A_108 = arith.index_cast %mul3A_52 : i32 to index
      %swap3A_109 = tpu.vector_load %arg9[%swap3A_107, %swap3A_108] {strides = array<i32>} : memref<64x512xf32, #tpu.memory_space<vmem>>, vector<16xf32>,
      tpu.vector_store %arg9[%swap3A_107, %swap3A_108], %gather3A_105 {strides = array<i32>} : memref<64x512xf32, #tpu.memory_space<vmem>>, vector<16xf32>,
      %add3A_110 = arith.constant 7 : i32
      %add3A_111 = vector.broadcast %add3A_110 : i32 to vector<16xi32>
      %add3A_112 = arith.addi %get3A_55, %add3A_111 : vector<16xi32>
      %gather3A_113 = tpu.vector_load_idx %arg8[%add3A_54, %add3A_112] : memref<512x128xf32, #tpu.memory_space<vmem>>[vector<16xi32>, vector<16xi32>], vector<16xf32>,
      %swap3A_114 = arith.constant 7 : i32
      %swap3A_115 = arith.index_cast %swap3A_114 : i32 to index
      %swap3A_116 = arith.index_cast %mul3A_52 : i32 to index
      %swap3A_117 = tpu.vector_load %arg9[%swap3A_115, %swap3A_116] {strides = array<i32>} : memref<64x512xf32, #tpu.memory_space<vmem>>, vector<16xf32>,
      tpu.vector_store %arg9[%swap3A_115, %swap3A_116], %gather3A_113 {strides = array<i32>} : memref<64x512xf32, #tpu.memory_space<vmem>>, vector<16xf32>,
      %add3A_118 = arith.constant 8 : i32
      %add3A_119 = vector.broadcast %add3A_118 : i32 to vector<16xi32>
      %add3A_120 = arith.addi %get3A_55, %add3A_119 : vector<16xi32>
      %gather3A_121 = tpu.vector_load_idx %arg8[%add3A_54, %add3A_120] : memref<512x128xf32, #tpu.memory_space<vmem>>[vector<16xi32>, vector<16xi32>], vector<16xf32>,
      %swap3A_122 = arith.constant 8 : i32
      %swap3A_123 = arith.index_cast %swap3A_122 : i32 to index
      %swap3A_124 = arith.index_cast %mul3A_52 : i32 to index
      %swap3A_125 = tpu.vector_load %arg9[%swap3A_123, %swap3A_124] {strides = array<i32>} : memref<64x512xf32, #tpu.memory_space<vmem>>, vector<16xf32>,
      tpu.vector_store %arg9[%swap3A_123, %swap3A_124], %gather3A_121 {strides = array<i32>} : memref<64x512xf32, #tpu.memory_space<vmem>>, vector<16xf32>,
      %add3A_126 = arith.constant 9 : i32
      %add3A_127 = vector.broadcast %add3A_126 : i32 to vector<16xi32>
      %add3A_128 = arith.addi %get3A_55, %add3A_127 : vector<16xi32>
      %gather3A_129 = tpu.vector_load_idx %arg8[%add3A_54, %add3A_128] : memref<512x128xf32, #tpu.memory_space<vmem>>[vector<16xi32>, vector<16xi32>], vector<16xf32>,
      %swap3A_130 = arith.constant 9 : i32
      %swap3A_131 = arith.index_cast %swap3A_130 : i32 to index
      %swap3A_132 = arith.index_cast %mul3A_52 : i32 to index
      %swap3A_133 = tpu.vector_load %arg9[%swap3A_131, %swap3A_132] {strides = array<i32>} : memref<64x512xf32, #tpu.memory_space<vmem>>, vector<16xf32>,
      tpu.vector_store %arg9[%swap3A_131, %swap3A_132], %gather3A_129 {strides = array<i32>} : memref<64x512xf32, #tpu.memory_space<vmem>>, vector<16xf32>,
      %add3A_134 = arith.constant 10 : i32
      %add3A_135 = vector.broadcast %add3A_134 : i32 to vector<16xi32>
      %add3A_136 = arith.addi %get3A_55, %add3A_135 : vector<16xi32>
      %gather3A_137 = tpu.vector_load_idx %arg8[%add3A_54, %add3A_136] : memref<512x128xf32, #tpu.memory_space<vmem>>[vector<16xi32>, vector<16xi32>], vector<16xf32>,
      %swap3A_138 = arith.constant 10 : i32
      %swap3A_139 = arith.index_cast %swap3A_138 : i32 to index
      %swap3A_140 = arith.index_cast %mul3A_52 : i32 to index
      %swap3A_141 = tpu.vector_load %arg9[%swap3A_139, %swap3A_140] {strides = array<i32>} : memref<64x512xf32, #tpu.memory_space<vmem>>, vector<16xf32>,
      tpu.vector_store %arg9[%swap3A_139, %swap3A_140], %gather3A_137 {strides = array<i32>} : memref<64x512xf32, #tpu.memory_space<vmem>>, vector<16xf32>,
      %add3A_142 = arith.constant 11 : i32
      %add3A_143 = vector.broadcast %add3A_142 : i32 to vector<16xi32>
      %add3A_144 = arith.addi %get3A_55, %add3A_143 : vector<16xi32>
      %gather3A_145 = tpu.vector_load_idx %arg8[%add3A_54, %add3A_144] : memref<512x128xf32, #tpu.memory_space<vmem>>[vector<16xi32>, vector<16xi32>], vector<16xf32>,
      %swap3A_146 = arith.constant 11 : i32
      %swap3A_147 = arith.index_cast %swap3A_146 : i32 to index
      %swap3A_148 = arith.index_cast %mul3A_52 : i32 to index
      %swap3A_149 = tpu.vector_load %arg9[%swap3A_147, %swap3A_148] {strides = array<i32>} : memref<64x512xf32, #tpu.memory_space<vmem>>, vector<16xf32>,
      tpu.vector_store %arg9[%swap3A_147, %swap3A_148], %gather3A_145 {strides = array<i32>} : memref<64x512xf32, #tpu.memory_space<vmem>>, vector<16xf32>,
      %add3A_150 = arith.constant 12 : i32
      %add3A_151 = vector.broadcast %add3A_150 : i32 to vector<16xi32>
      %add3A_152 = arith.addi %get3A_55, %add3A_151 : vector<16xi32>
      %gather3A_153 = tpu.vector_load_idx %arg8[%add3A_54, %add3A_152] : memref<512x128xf32, #tpu.memory_space<vmem>>[vector<16xi32>, vector<16xi32>], vector<16xf32>,
      %swap3A_154 = arith.constant 12 : i32
      %swap3A_155 = arith.index_cast %swap3A_154 : i32 to index
      %swap3A_156 = arith.index_cast %mul3A_52 : i32 to index
      %swap3A_157 = tpu.vector_load %arg9[%swap3A_155, %swap3A_156] {strides = array<i32>} : memref<64x512xf32, #tpu.memory_space<vmem>>, vector<16xf32>,
      tpu.vector_store %arg9[%swap3A_155, %swap3A_156], %gather3A_153 {strides = array<i32>} : memref<64x512xf32, #tpu.memory_space<vmem>>, vector<16xf32>,
      %add3A_158 = arith.constant 13 : i32
      %add3A_159 = vector.broadcast %add3A_158 : i32 to vector<16xi32>
      %add3A_160 = arith.addi %get3A_55, %add3A_159 : vector<16xi32>
      %gather3A_161 = tpu.vector_load_idx %arg8[%add3A_54, %add3A_160] : memref<512x128xf32, #tpu.memory_space<vmem>>[vector<16xi32>, vector<16xi32>], vector<16xf32>,
      %swap3A_162 = arith.constant 13 : i32
      %swap3A_163 = arith.index_cast %swap3A_162 : i32 to index
      %swap3A_164 = arith.index_cast %mul3A_52 : i32 to index
      %swap3A_165 = tpu.vector_load %arg9[%swap3A_163, %swap3A_164] {strides = array<i32>} : memref<64x512xf32, #tpu.memory_space<vmem>>, vector<16xf32>,
      tpu.vector_store %arg9[%swap3A_163, %swap3A_164], %gather3A_161 {strides = array<i32>} : memref<64x512xf32, #tpu.memory_space<vmem>>, vector<16xf32>,
      %add3A_166 = arith.constant 14 : i32
      %add3A_167 = vector.broadcast %add3A_166 : i32 to vector<16xi32>
      %add3A_168 = arith.addi %get3A_55, %add3A_167 : vector<16xi32>
      %gather3A_169 = tpu.vector_load_idx %arg8[%add3A_54, %add3A_168] : memref<512x128xf32, #tpu.memory_space<vmem>>[vector<16xi32>, vector<16xi32>], vector<16xf32>,
      %swap3A_170 = arith.constant 14 : i32
      %swap3A_171 = arith.index_cast %swap3A_170 : i32 to index
      %swap3A_172 = arith.index_cast %mul3A_52 : i32 to index
      %swap3A_173 = tpu.vector_load %arg9[%swap3A_171, %swap3A_172] {strides = array<i32>} : memref<64x512xf32, #tpu.memory_space<vmem>>, vector<16xf32>,
      tpu.vector_store %arg9[%swap3A_171, %swap3A_172], %gather3A_169 {strides = array<i32>} : memref<64x512xf32, #tpu.memory_space<vmem>>, vector<16xf32>,
      %add3A_174 = arith.constant 15 : i32
      %add3A_175 = vector.broadcast %add3A_174 : i32 to vector<16xi32>
      %add3A_176 = arith.addi %get3A_55, %add3A_175 : vector<16xi32>
      %gather3A_177 = tpu.vector_load_idx %arg8[%add3A_54, %add3A_176] : memref<512x128xf32, #tpu.memory_space<vmem>>[vector<16xi32>, vector<16xi32>], vector<16xf32>,
      %swap3A_178 = arith.constant 15 : i32
      %swap3A_179 = arith.index_cast %swap3A_178 : i32 to index
      %swap3A_180 = arith.index_cast %mul3A_52 : i32 to index
      %swap3A_181 = tpu.vector_load %arg9[%swap3A_179, %swap3A_180] {strides = array<i32>} : memref<64x512xf32, #tpu.memory_space<vmem>>, vector<16xf32>,
      tpu.vector_store %arg9[%swap3A_179, %swap3A_180], %gather3A_177 {strides = array<i32>} : memref<64x512xf32, #tpu.memory_space<vmem>>, vector<16xf32>,
      %add3A_182 = arith.constant 16 : i32
      %add3A_183 = vector.broadcast %add3A_182 : i32 to vector<16xi32>
      %add3A_184 = arith.addi %get3A_55, %add3A_183 : vector<16xi32>
      %gather3A_185 = tpu.vector_load_idx %arg8[%add3A_54, %add3A_184] : memref<512x128xf32, #tpu.memory_space<vmem>>[vector<16xi32>, vector<16xi32>], vector<16xf32>,
      %swap3A_186 = arith.constant 16 : i32
      %swap3A_187 = arith.index_cast %swap3A_186 : i32 to index
      %swap3A_188 = arith.index_cast %mul3A_52 : i32 to index
      %swap3A_189 = tpu.vector_load %arg9[%swap3A_187, %swap3A_188] {strides = array<i32>} : memref<64x512xf32, #tpu.memory_space<vmem>>, vector<16xf32>,
      tpu.vector_store %arg9[%swap3A_187, %swap3A_188], %gather3A_185 {strides = array<i32>} : memref<64x512xf32, #tpu.memory_space<vmem>>, vector<16xf32>,
      %add3A_190 = arith.constant 17 : i32
      %add3A_191 = vector.broadcast %add3A_190 : i32 to vector<16xi32>
      %add3A_192 = arith.addi %get3A_55, %add3A_191 : vector<16xi32>
      %gather3A_193 = tpu.vector_load_idx %arg8[%add3A_54, %add3A_192] : memref<512x128xf32, #tpu.memory_space<vmem>>[vector<16xi32>, vector<16xi32>], vector<16xf32>,
      %swap3A_194 = arith.constant 17 : i32
      %swap3A_195 = arith.index_cast %swap3A_194 : i32 to index
      %swap3A_196 = arith.index_cast %mul3A_52 : i32 to index
      %swap3A_197 = tpu.vector_load %arg9[%swap3A_195, %swap3A_196] {strides = array<i32>} : memref<64x512xf32, #tpu.memory_space<vmem>>, vector<16xf32>,
      tpu.vector_store %arg9[%swap3A_195, %swap3A_196], %gather3A_193 {strides = array<i32>} : memref<64x512xf32, #tpu.memory_space<vmem>>, vector<16xf32>,
      %add3A_198 = arith.constant 18 : i32
      %add3A_199 = vector.broadcast %add3A_198 : i32 to vector<16xi32>
      %add3A_200 = arith.addi %get3A_55, %add3A_199 : vector<16xi32>
      %gather3A_201 = tpu.vector_load_idx %arg8[%add3A_54, %add3A_200] : memref<512x128xf32, #tpu.memory_space<vmem>>[vector<16xi32>, vector<16xi32>], vector<16xf32>,
      %swap3A_202 = arith.constant 18 : i32
      %swap3A_203 = arith.index_cast %swap3A_202 : i32 to index
      %swap3A_204 = arith.index_cast %mul3A_52 : i32 to index
      %swap3A_205 = tpu.vector_load %arg9[%swap3A_203, %swap3A_204] {strides = array<i32>} : memref<64x512xf32, #tpu.memory_space<vmem>>, vector<16xf32>,
      tpu.vector_store %arg9[%swap3A_203, %swap3A_204], %gather3A_201 {strides = array<i32>} : memref<64x512xf32, #tpu.memory_space<vmem>>, vector<16xf32>,
      %add3A_206 = arith.constant 19 : i32
      %add3A_207 = vector.broadcast %add3A_206 : i32 to vector<16xi32>
      %add3A_208 = arith.addi %get3A_55, %add3A_207 : vector<16xi32>
      %gather3A_209 = tpu.vector_load_idx %arg8[%add3A_54, %add3A_208] : memref<512x128xf32, #tpu.memory_space<vmem>>[vector<16xi32>, vector<16xi32>], vector<16xf32>,
      %swap3A_210 = arith.constant 19 : i32
      %swap3A_211 = arith.index_cast %swap3A_210 : i32 to index
      %swap3A_212 = arith.index_cast %mul3A_52 : i32 to index
      %swap3A_213 = tpu.vector_load %arg9[%swap3A_211, %swap3A_212] {strides = array<i32>} : memref<64x512xf32, #tpu.memory_space<vmem>>, vector<16xf32>,
      tpu.vector_store %arg9[%swap3A_211, %swap3A_212], %gather3A_209 {strides = array<i32>} : memref<64x512xf32, #tpu.memory_space<vmem>>, vector<16xf32>,
      %add3A_214 = arith.constant 20 : i32
      %add3A_215 = vector.broadcast %add3A_214 : i32 to vector<16xi32>
      %add3A_216 = arith.addi %get3A_55, %add3A_215 : vector<16xi32>
      %gather3A_217 = tpu.vector_load_idx %arg8[%add3A_54, %add3A_216] : memref<512x128xf32, #tpu.memory_space<vmem>>[vector<16xi32>, vector<16xi32>], vector<16xf32>,
      %swap3A_218 = arith.constant 20 : i32
      %swap3A_219 = arith.index_cast %swap3A_218 : i32 to index
      %swap3A_220 = arith.index_cast %mul3A_52 : i32 to index
      %swap3A_221 = tpu.vector_load %arg9[%swap3A_219, %swap3A_220] {strides = array<i32>} : memref<64x512xf32, #tpu.memory_space<vmem>>, vector<16xf32>,
      tpu.vector_store %arg9[%swap3A_219, %swap3A_220], %gather3A_217 {strides = array<i32>} : memref<64x512xf32, #tpu.memory_space<vmem>>, vector<16xf32>,
      %add3A_222 = arith.constant 21 : i32
      %add3A_223 = vector.broadcast %add3A_222 : i32 to vector<16xi32>
      %add3A_224 = arith.addi %get3A_55, %add3A_223 : vector<16xi32>
      %gather3A_225 = tpu.vector_load_idx %arg8[%add3A_54, %add3A_224] : memref<512x128xf32, #tpu.memory_space<vmem>>[vector<16xi32>, vector<16xi32>], vector<16xf32>,
      %swap3A_226 = arith.constant 21 : i32
      %swap3A_227 = arith.index_cast %swap3A_226 : i32 to index
      %swap3A_228 = arith.index_cast %mul3A_52 : i32 to index
      %swap3A_229 = tpu.vector_load %arg9[%swap3A_227, %swap3A_228] {strides = array<i32>} : memref<64x512xf32, #tpu.memory_space<vmem>>, vector<16xf32>,
      tpu.vector_store %arg9[%swap3A_227, %swap3A_228], %gather3A_225 {strides = array<i32>} : memref<64x512xf32, #tpu.memory_space<vmem>>, vector<16xf32>,
      %add3A_230 = arith.constant 22 : i32
      %add3A_231 = vector.broadcast %add3A_230 : i32 to vector<16xi32>
      %add3A_232 = arith.addi %get3A_55, %add3A_231 : vector<16xi32>
      %gather3A_233 = tpu.vector_load_idx %arg8[%add3A_54, %add3A_232] : memref<512x128xf32, #tpu.memory_space<vmem>>[vector<16xi32>, vector<16xi32>], vector<16xf32>,
      %swap3A_234 = arith.constant 22 : i32
      %swap3A_235 = arith.index_cast %swap3A_234 : i32 to index
      %swap3A_236 = arith.index_cast %mul3A_52 : i32 to index
      %swap3A_237 = tpu.vector_load %arg9[%swap3A_235, %swap3A_236] {strides = array<i32>} : memref<64x512xf32, #tpu.memory_space<vmem>>, vector<16xf32>,
      tpu.vector_store %arg9[%swap3A_235, %swap3A_236], %gather3A_233 {strides = array<i32>} : memref<64x512xf32, #tpu.memory_space<vmem>>, vector<16xf32>,
      %add3A_238 = arith.constant 23 : i32
      %add3A_239 = vector.broadcast %add3A_238 : i32 to vector<16xi32>
      %add3A_240 = arith.addi %get3A_55, %add3A_239 : vector<16xi32>
      %gather3A_241 = tpu.vector_load_idx %arg8[%add3A_54, %add3A_240] : memref<512x128xf32, #tpu.memory_space<vmem>>[vector<16xi32>, vector<16xi32>], vector<16xf32>,
      %swap3A_242 = arith.constant 23 : i32
      %swap3A_243 = arith.index_cast %swap3A_242 : i32 to index
      %swap3A_244 = arith.index_cast %mul3A_52 : i32 to index
      %swap3A_245 = tpu.vector_load %arg9[%swap3A_243, %swap3A_244] {strides = array<i32>} : memref<64x512xf32, #tpu.memory_space<vmem>>, vector<16xf32>,
      tpu.vector_store %arg9[%swap3A_243, %swap3A_244], %gather3A_241 {strides = array<i32>} : memref<64x512xf32, #tpu.memory_space<vmem>>, vector<16xf32>,
      %add3A_246 = arith.constant 24 : i32
      %add3A_247 = vector.broadcast %add3A_246 : i32 to vector<16xi32>
      %add3A_248 = arith.addi %get3A_55, %add3A_247 : vector<16xi32>
      %gather3A_249 = tpu.vector_load_idx %arg8[%add3A_54, %add3A_248] : memref<512x128xf32, #tpu.memory_space<vmem>>[vector<16xi32>, vector<16xi32>], vector<16xf32>,
      %swap3A_250 = arith.constant 24 : i32
      %swap3A_251 = arith.index_cast %swap3A_250 : i32 to index
      %swap3A_252 = arith.index_cast %mul3A_52 : i32 to index
      %swap3A_253 = tpu.vector_load %arg9[%swap3A_251, %swap3A_252] {strides = array<i32>} : memref<64x512xf32, #tpu.memory_space<vmem>>, vector<16xf32>,
      tpu.vector_store %arg9[%swap3A_251, %swap3A_252], %gather3A_249 {strides = array<i32>} : memref<64x512xf32, #tpu.memory_space<vmem>>, vector<16xf32>,
      %add3A_254 = arith.constant 25 : i32
      %add3A_255 = vector.broadcast %add3A_254 : i32 to vector<16xi32>
      %add3A_256 = arith.addi %get3A_55, %add3A_255 : vector<16xi32>
      %gather3A_257 = tpu.vector_load_idx %arg8[%add3A_54, %add3A_256] : memref<512x128xf32, #tpu.memory_space<vmem>>[vector<16xi32>, vector<16xi32>], vector<16xf32>,
      %swap3A_258 = arith.constant 25 : i32
      %swap3A_259 = arith.index_cast %swap3A_258 : i32 to index
      %swap3A_260 = arith.index_cast %mul3A_52 : i32 to index
      %swap3A_261 = tpu.vector_load %arg9[%swap3A_259, %swap3A_260] {strides = array<i32>} : memref<64x512xf32, #tpu.memory_space<vmem>>, vector<16xf32>,
      tpu.vector_store %arg9[%swap3A_259, %swap3A_260], %gather3A_257 {strides = array<i32>} : memref<64x512xf32, #tpu.memory_space<vmem>>, vector<16xf32>,
      %add3A_262 = arith.constant 26 : i32
      %add3A_263 = vector.broadcast %add3A_262 : i32 to vector<16xi32>
      %add3A_264 = arith.addi %get3A_55, %add3A_263 : vector<16xi32>
      %gather3A_265 = tpu.vector_load_idx %arg8[%add3A_54, %add3A_264] : memref<512x128xf32, #tpu.memory_space<vmem>>[vector<16xi32>, vector<16xi32>], vector<16xf32>,
      %swap3A_266 = arith.constant 26 : i32
      %swap3A_267 = arith.index_cast %swap3A_266 : i32 to index
      %swap3A_268 = arith.index_cast %mul3A_52 : i32 to index
      %swap3A_269 = tpu.vector_load %arg9[%swap3A_267, %swap3A_268] {strides = array<i32>} : memref<64x512xf32, #tpu.memory_space<vmem>>, vector<16xf32>,
      tpu.vector_store %arg9[%swap3A_267, %swap3A_268], %gather3A_265 {strides = array<i32>} : memref<64x512xf32, #tpu.memory_space<vmem>>, vector<16xf32>,
      %add3A_270 = arith.constant 27 : i32
      %add3A_271 = vector.broadcast %add3A_270 : i32 to vector<16xi32>
      %add3A_272 = arith.addi %get3A_55, %add3A_271 : vector<16xi32>
      %gather3A_273 = tpu.vector_load_idx %arg8[%add3A_54, %add3A_272] : memref<512x128xf32, #tpu.memory_space<vmem>>[vector<16xi32>, vector<16xi32>], vector<16xf32>,
      %swap3A_274 = arith.constant 27 : i32
      %swap3A_275 = arith.index_cast %swap3A_274 : i32 to index
      %swap3A_276 = arith.index_cast %mul3A_52 : i32 to index
      %swap3A_277 = tpu.vector_load %arg9[%swap3A_275, %swap3A_276] {strides = array<i32>} : memref<64x512xf32, #tpu.memory_space<vmem>>, vector<16xf32>,
      tpu.vector_store %arg9[%swap3A_275, %swap3A_276], %gather3A_273 {strides = array<i32>} : memref<64x512xf32, #tpu.memory_space<vmem>>, vector<16xf32>,
      %add3A_278 = arith.constant 28 : i32
      %add3A_279 = vector.broadcast %add3A_278 : i32 to vector<16xi32>
      %add3A_280 = arith.addi %get3A_55, %add3A_279 : vector<16xi32>
      %gather3A_281 = tpu.vector_load_idx %arg8[%add3A_54, %add3A_280] : memref<512x128xf32, #tpu.memory_space<vmem>>[vector<16xi32>, vector<16xi32>], vector<16xf32>,
      %swap3A_282 = arith.constant 28 : i32
      %swap3A_283 = arith.index_cast %swap3A_282 : i32 to index
      %swap3A_284 = arith.index_cast %mul3A_52 : i32 to index
      %swap3A_285 = tpu.vector_load %arg9[%swap3A_283, %swap3A_284] {strides = array<i32>} : memref<64x512xf32, #tpu.memory_space<vmem>>, vector<16xf32>,
      tpu.vector_store %arg9[%swap3A_283, %swap3A_284], %gather3A_281 {strides = array<i32>} : memref<64x512xf32, #tpu.memory_space<vmem>>, vector<16xf32>,
      %add3A_286 = arith.constant 29 : i32
      %add3A_287 = vector.broadcast %add3A_286 : i32 to vector<16xi32>
      %add3A_288 = arith.addi %get3A_55, %add3A_287 : vector<16xi32>
      %gather3A_289 = tpu.vector_load_idx %arg8[%add3A_54, %add3A_288] : memref<512x128xf32, #tpu.memory_space<vmem>>[vector<16xi32>, vector<16xi32>], vector<16xf32>,
      %swap3A_290 = arith.constant 29 : i32
      %swap3A_291 = arith.index_cast %swap3A_290 : i32 to index
      %swap3A_292 = arith.index_cast %mul3A_52 : i32 to index
      %swap3A_293 = tpu.vector_load %arg9[%swap3A_291, %swap3A_292] {strides = array<i32>} : memref<64x512xf32, #tpu.memory_space<vmem>>, vector<16xf32>,
      tpu.vector_store %arg9[%swap3A_291, %swap3A_292], %gather3A_289 {strides = array<i32>} : memref<64x512xf32, #tpu.memory_space<vmem>>, vector<16xf32>,
      %add3A_294 = arith.constant 30 : i32
      %add3A_295 = vector.broadcast %add3A_294 : i32 to vector<16xi32>
      %add3A_296 = arith.addi %get3A_55, %add3A_295 : vector<16xi32>
      %gather3A_297 = tpu.vector_load_idx %arg8[%add3A_54, %add3A_296] : memref<512x128xf32, #tpu.memory_space<vmem>>[vector<16xi32>, vector<16xi32>], vector<16xf32>,
      %swap3A_298 = arith.constant 30 : i32
      %swap3A_299 = arith.index_cast %swap3A_298 : i32 to index
      %swap3A_300 = arith.index_cast %mul3A_52 : i32 to index
      %swap3A_301 = tpu.vector_load %arg9[%swap3A_299, %swap3A_300] {strides = array<i32>} : memref<64x512xf32, #tpu.memory_space<vmem>>, vector<16xf32>,
      tpu.vector_store %arg9[%swap3A_299, %swap3A_300], %gather3A_297 {strides = array<i32>} : memref<64x512xf32, #tpu.memory_space<vmem>>, vector<16xf32>,
      %add3A_302 = arith.constant 31 : i32
      %add3A_303 = vector.broadcast %add3A_302 : i32 to vector<16xi32>
      %add3A_304 = arith.addi %get3A_55, %add3A_303 : vector<16xi32>
      %gather3A_305 = tpu.vector_load_idx %arg8[%add3A_54, %add3A_304] : memref<512x128xf32, #tpu.memory_space<vmem>>[vector<16xi32>, vector<16xi32>], vector<16xf32>,
      %swap3A_306 = arith.constant 31 : i32
      %swap3A_307 = arith.index_cast %swap3A_306 : i32 to index
      %swap3A_308 = arith.index_cast %mul3A_52 : i32 to index
      %swap3A_309 = tpu.vector_load %arg9[%swap3A_307, %swap3A_308] {strides = array<i32>} : memref<64x512xf32, #tpu.memory_space<vmem>>, vector<16xf32>,
      tpu.vector_store %arg9[%swap3A_307, %swap3A_308], %gather3A_305 {strides = array<i32>} : memref<64x512xf32, #tpu.memory_space<vmem>>, vector<16xf32>,
      %add3A_310 = arith.constant 32 : i32
      %add3A_311 = vector.broadcast %add3A_310 : i32 to vector<16xi32>
      %add3A_312 = arith.addi %get3A_55, %add3A_311 : vector<16xi32>
      %gather3A_313 = tpu.vector_load_idx %arg8[%add3A_54, %add3A_312] : memref<512x128xf32, #tpu.memory_space<vmem>>[vector<16xi32>, vector<16xi32>], vector<16xf32>,
      %swap3A_314 = arith.constant 32 : i32
      %swap3A_315 = arith.index_cast %swap3A_314 : i32 to index
      %swap3A_316 = arith.index_cast %mul3A_52 : i32 to index
      %swap3A_317 = tpu.vector_load %arg9[%swap3A_315, %swap3A_316] {strides = array<i32>} : memref<64x512xf32, #tpu.memory_space<vmem>>, vector<16xf32>,
      tpu.vector_store %arg9[%swap3A_315, %swap3A_316], %gather3A_313 {strides = array<i32>} : memref<64x512xf32, #tpu.memory_space<vmem>>, vector<16xf32>,
      %add3A_318 = arith.constant 33 : i32
      %add3A_319 = vector.broadcast %add3A_318 : i32 to vector<16xi32>
      %add3A_320 = arith.addi %get3A_55, %add3A_319 : vector<16xi32>
      %gather3A_321 = tpu.vector_load_idx %arg8[%add3A_54, %add3A_320] : memref<512x128xf32, #tpu.memory_space<vmem>>[vector<16xi32>, vector<16xi32>], vector<16xf32>,
      %swap3A_322 = arith.constant 33 : i32
      %swap3A_323 = arith.index_cast %swap3A_322 : i32 to index
      %swap3A_324 = arith.index_cast %mul3A_52 : i32 to index
      %swap3A_325 = tpu.vector_load %arg9[%swap3A_323, %swap3A_324] {strides = array<i32>} : memref<64x512xf32, #tpu.memory_space<vmem>>, vector<16xf32>,
      tpu.vector_store %arg9[%swap3A_323, %swap3A_324], %gather3A_321 {strides = array<i32>} : memref<64x512xf32, #tpu.memory_space<vmem>>, vector<16xf32>,
      %add3A_326 = arith.constant 34 : i32
      %add3A_327 = vector.broadcast %add3A_326 : i32 to vector<16xi32>
      %add3A_328 = arith.addi %get3A_55, %add3A_327 : vector<16xi32>
      %gather3A_329 = tpu.vector_load_idx %arg8[%add3A_54, %add3A_328] : memref<512x128xf32, #tpu.memory_space<vmem>>[vector<16xi32>, vector<16xi32>], vector<16xf32>,
      %swap3A_330 = arith.constant 34 : i32
      %swap3A_331 = arith.index_cast %swap3A_330 : i32 to index
      %swap3A_332 = arith.index_cast %mul3A_52 : i32 to index
      %swap3A_333 = tpu.vector_load %arg9[%swap3A_331, %swap3A_332] {strides = array<i32>} : memref<64x512xf32, #tpu.memory_space<vmem>>, vector<16xf32>,
      tpu.vector_store %arg9[%swap3A_331, %swap3A_332], %gather3A_329 {strides = array<i32>} : memref<64x512xf32, #tpu.memory_space<vmem>>, vector<16xf32>,
      %add3A_334 = arith.constant 35 : i32
      %add3A_335 = vector.broadcast %add3A_334 : i32 to vector<16xi32>
      %add3A_336 = arith.addi %get3A_55, %add3A_335 : vector<16xi32>
      %gather3A_337 = tpu.vector_load_idx %arg8[%add3A_54, %add3A_336] : memref<512x128xf32, #tpu.memory_space<vmem>>[vector<16xi32>, vector<16xi32>], vector<16xf32>,
      %swap3A_338 = arith.constant 35 : i32
      %swap3A_339 = arith.index_cast %swap3A_338 : i32 to index
      %swap3A_340 = arith.index_cast %mul3A_52 : i32 to index
      %swap3A_341 = tpu.vector_load %arg9[%swap3A_339, %swap3A_340] {strides = array<i32>} : memref<64x512xf32, #tpu.memory_space<vmem>>, vector<16xf32>,
      tpu.vector_store %arg9[%swap3A_339, %swap3A_340], %gather3A_337 {strides = array<i32>} : memref<64x512xf32, #tpu.memory_space<vmem>>, vector<16xf32>,
      %add3A_342 = arith.constant 36 : i32
      %add3A_343 = vector.broadcast %add3A_342 : i32 to vector<16xi32>
      %add3A_344 = arith.addi %get3A_55, %add3A_343 : vector<16xi32>
      %gather3A_345 = tpu.vector_load_idx %arg8[%add3A_54, %add3A_344] : memref<512x128xf32, #tpu.memory_space<vmem>>[vector<16xi32>, vector<16xi32>], vector<16xf32>,
      %swap3A_346 = arith.constant 36 : i32
      %swap3A_347 = arith.index_cast %swap3A_346 : i32 to index
      %swap3A_348 = arith.index_cast %mul3A_52 : i32 to index
      %swap3A_349 = tpu.vector_load %arg9[%swap3A_347, %swap3A_348] {strides = array<i32>} : memref<64x512xf32, #tpu.memory_space<vmem>>, vector<16xf32>,
      tpu.vector_store %arg9[%swap3A_347, %swap3A_348], %gather3A_345 {strides = array<i32>} : memref<64x512xf32, #tpu.memory_space<vmem>>, vector<16xf32>,
      %add3A_350 = arith.constant 37 : i32
      %add3A_351 = vector.broadcast %add3A_350 : i32 to vector<16xi32>
      %add3A_352 = arith.addi %get3A_55, %add3A_351 : vector<16xi32>
      %gather3A_353 = tpu.vector_load_idx %arg8[%add3A_54, %add3A_352] : memref<512x128xf32, #tpu.memory_space<vmem>>[vector<16xi32>, vector<16xi32>], vector<16xf32>,
      %swap3A_354 = arith.constant 37 : i32
      %swap3A_355 = arith.index_cast %swap3A_354 : i32 to index
      %swap3A_356 = arith.index_cast %mul3A_52 : i32 to index
      %swap3A_357 = tpu.vector_load %arg9[%swap3A_355, %swap3A_356] {strides = array<i32>} : memref<64x512xf32, #tpu.memory_space<vmem>>, vector<16xf32>,
      tpu.vector_store %arg9[%swap3A_355, %swap3A_356], %gather3A_353 {strides = array<i32>} : memref<64x512xf32, #tpu.memory_space<vmem>>, vector<16xf32>,
      %add3A_358 = arith.constant 38 : i32
      %add3A_359 = vector.broadcast %add3A_358 : i32 to vector<16xi32>
      %add3A_360 = arith.addi %get3A_55, %add3A_359 : vector<16xi32>
      %gather3A_361 = tpu.vector_load_idx %arg8[%add3A_54, %add3A_360] : memref<512x128xf32, #tpu.memory_space<vmem>>[vector<16xi32>, vector<16xi32>], vector<16xf32>,
      %swap3A_362 = arith.constant 38 : i32
      %swap3A_363 = arith.index_cast %swap3A_362 : i32 to index
      %swap3A_364 = arith.index_cast %mul3A_52 : i32 to index
      %swap3A_365 = tpu.vector_load %arg9[%swap3A_363, %swap3A_364] {strides = array<i32>} : memref<64x512xf32, #tpu.memory_space<vmem>>, vector<16xf32>,
      tpu.vector_store %arg9[%swap3A_363, %swap3A_364], %gather3A_361 {strides = array<i32>} : memref<64x512xf32, #tpu.memory_space<vmem>>, vector<16xf32>,
      %add3A_366 = arith.constant 39 : i32
      %add3A_367 = vector.broadcast %add3A_366 : i32 to vector<16xi32>
      %add3A_368 = arith.addi %get3A_55, %add3A_367 : vector<16xi32>
      %gather3A_369 = tpu.vector_load_idx %arg8[%add3A_54, %add3A_368] : memref<512x128xf32, #tpu.memory_space<vmem>>[vector<16xi32>, vector<16xi32>], vector<16xf32>,
      %swap3A_370 = arith.constant 39 : i32
      %swap3A_371 = arith.index_cast %swap3A_370 : i32 to index
      %swap3A_372 = arith.index_cast %mul3A_52 : i32 to index
      %swap3A_373 = tpu.vector_load %arg9[%swap3A_371, %swap3A_372] {strides = array<i32>} : memref<64x512xf32, #tpu.memory_space<vmem>>, vector<16xf32>,
      tpu.vector_store %arg9[%swap3A_371, %swap3A_372], %gather3A_369 {strides = array<i32>} : memref<64x512xf32, #tpu.memory_space<vmem>>, vector<16xf32>,
      %add3A_374 = arith.constant 40 : i32
      %add3A_375 = vector.broadcast %add3A_374 : i32 to vector<16xi32>
      %add3A_376 = arith.addi %get3A_55, %add3A_375 : vector<16xi32>
      %gather3A_377 = tpu.vector_load_idx %arg8[%add3A_54, %add3A_376] : memref<512x128xf32, #tpu.memory_space<vmem>>[vector<16xi32>, vector<16xi32>], vector<16xf32>,
      %swap3A_378 = arith.constant 40 : i32
      %swap3A_379 = arith.index_cast %swap3A_378 : i32 to index
      %swap3A_380 = arith.index_cast %mul3A_52 : i32 to index
      %swap3A_381 = tpu.vector_load %arg9[%swap3A_379, %swap3A_380] {strides = array<i32>} : memref<64x512xf32, #tpu.memory_space<vmem>>, vector<16xf32>,
      tpu.vector_store %arg9[%swap3A_379, %swap3A_380], %gather3A_377 {strides = array<i32>} : memref<64x512xf32, #tpu.memory_space<vmem>>, vector<16xf32>,
      %add3A_382 = arith.constant 41 : i32
      %add3A_383 = vector.broadcast %add3A_382 : i32 to vector<16xi32>
      %add3A_384 = arith.addi %get3A_55, %add3A_383 : vector<16xi32>
      %gather3A_385 = tpu.vector_load_idx %arg8[%add3A_54, %add3A_384] : memref<512x128xf32, #tpu.memory_space<vmem>>[vector<16xi32>, vector<16xi32>], vector<16xf32>,
      %swap3A_386 = arith.constant 41 : i32
      %swap3A_387 = arith.index_cast %swap3A_386 : i32 to index
      %swap3A_388 = arith.index_cast %mul3A_52 : i32 to index
      %swap3A_389 = tpu.vector_load %arg9[%swap3A_387, %swap3A_388] {strides = array<i32>} : memref<64x512xf32, #tpu.memory_space<vmem>>, vector<16xf32>,
      tpu.vector_store %arg9[%swap3A_387, %swap3A_388], %gather3A_385 {strides = array<i32>} : memref<64x512xf32, #tpu.memory_space<vmem>>, vector<16xf32>,
      %add3A_390 = arith.constant 42 : i32
      %add3A_391 = vector.broadcast %add3A_390 : i32 to vector<16xi32>
      %add3A_392 = arith.addi %get3A_55, %add3A_391 : vector<16xi32>
      %gather3A_393 = tpu.vector_load_idx %arg8[%add3A_54, %add3A_392] : memref<512x128xf32, #tpu.memory_space<vmem>>[vector<16xi32>, vector<16xi32>], vector<16xf32>,
      %swap3A_394 = arith.constant 42 : i32
      %swap3A_395 = arith.index_cast %swap3A_394 : i32 to index
      %swap3A_396 = arith.index_cast %mul3A_52 : i32 to index
      %swap3A_397 = tpu.vector_load %arg9[%swap3A_395, %swap3A_396] {strides = array<i32>} : memref<64x512xf32, #tpu.memory_space<vmem>>, vector<16xf32>,
      tpu.vector_store %arg9[%swap3A_395, %swap3A_396], %gather3A_393 {strides = array<i32>} : memref<64x512xf32, #tpu.memory_space<vmem>>, vector<16xf32>,
      %add3A_398 = arith.constant 43 : i32
      %add3A_399 = vector.broadcast %add3A_398 : i32 to vector<16xi32>
      %add3A_400 = arith.addi %get3A_55, %add3A_399 : vector<16xi32>
      %gather3A_401 = tpu.vector_load_idx %arg8[%add3A_54, %add3A_400] : memref<512x128xf32, #tpu.memory_space<vmem>>[vector<16xi32>, vector<16xi32>], vector<16xf32>,
      %swap3A_402 = arith.constant 43 : i32
      %swap3A_403 = arith.index_cast %swap3A_402 : i32 to index
      %swap3A_404 = arith.index_cast %mul3A_52 : i32 to index
      %swap3A_405 = tpu.vector_load %arg9[%swap3A_403, %swap3A_404] {strides = array<i32>} : memref<64x512xf32, #tpu.memory_space<vmem>>, vector<16xf32>,
      tpu.vector_store %arg9[%swap3A_403, %swap3A_404], %gather3A_401 {strides = array<i32>} : memref<64x512xf32, #tpu.memory_space<vmem>>, vector<16xf32>,
      %add3A_406 = arith.constant 44 : i32
      %add3A_407 = vector.broadcast %add3A_406 : i32 to vector<16xi32>
      %add3A_408 = arith.addi %get3A_55, %add3A_407 : vector<16xi32>
      %gather3A_409 = tpu.vector_load_idx %arg8[%add3A_54, %add3A_408] : memref<512x128xf32, #tpu.memory_space<vmem>>[vector<16xi32>, vector<16xi32>], vector<16xf32>,
      %swap3A_410 = arith.constant 44 : i32
      %swap3A_411 = arith.index_cast %swap3A_410 : i32 to index
      %swap3A_412 = arith.index_cast %mul3A_52 : i32 to index
      %swap3A_413 = tpu.vector_load %arg9[%swap3A_411, %swap3A_412] {strides = array<i32>} : memref<64x512xf32, #tpu.memory_space<vmem>>, vector<16xf32>,
      tpu.vector_store %arg9[%swap3A_411, %swap3A_412], %gather3A_409 {strides = array<i32>} : memref<64x512xf32, #tpu.memory_space<vmem>>, vector<16xf32>,
      %add3A_414 = arith.constant 45 : i32
      %add3A_415 = vector.broadcast %add3A_414 : i32 to vector<16xi32>
      %add3A_416 = arith.addi %get3A_55, %add3A_415 : vector<16xi32>
      %gather3A_417 = tpu.vector_load_idx %arg8[%add3A_54, %add3A_416] : memref<512x128xf32, #tpu.memory_space<vmem>>[vector<16xi32>, vector<16xi32>], vector<16xf32>,
      %swap3A_418 = arith.constant 45 : i32
      %swap3A_419 = arith.index_cast %swap3A_418 : i32 to index
      %swap3A_420 = arith.index_cast %mul3A_52 : i32 to index
      %swap3A_421 = tpu.vector_load %arg9[%swap3A_419, %swap3A_420] {strides = array<i32>} : memref<64x512xf32, #tpu.memory_space<vmem>>, vector<16xf32>,
      tpu.vector_store %arg9[%swap3A_419, %swap3A_420], %gather3A_417 {strides = array<i32>} : memref<64x512xf32, #tpu.memory_space<vmem>>, vector<16xf32>,
      %add3A_422 = arith.constant 46 : i32
      %add3A_423 = vector.broadcast %add3A_422 : i32 to vector<16xi32>
      %add3A_424 = arith.addi %get3A_55, %add3A_423 : vector<16xi32>
      %gather3A_425 = tpu.vector_load_idx %arg8[%add3A_54, %add3A_424] : memref<512x128xf32, #tpu.memory_space<vmem>>[vector<16xi32>, vector<16xi32>], vector<16xf32>,
      %swap3A_426 = arith.constant 46 : i32
      %swap3A_427 = arith.index_cast %swap3A_426 : i32 to index
      %swap3A_428 = arith.index_cast %mul3A_52 : i32 to index
      %swap3A_429 = tpu.vector_load %arg9[%swap3A_427, %swap3A_428] {strides = array<i32>} : memref<64x512xf32, #tpu.memory_space<vmem>>, vector<16xf32>,
      tpu.vector_store %arg9[%swap3A_427, %swap3A_428], %gather3A_425 {strides = array<i32>} : memref<64x512xf32, #tpu.memory_space<vmem>>, vector<16xf32>,
      %add3A_430 = arith.constant 47 : i32
      %add3A_431 = vector.broadcast %add3A_430 : i32 to vector<16xi32>
      %add3A_432 = arith.addi %get3A_55, %add3A_431 : vector<16xi32>
      %gather3A_433 = tpu.vector_load_idx %arg8[%add3A_54, %add3A_432] : memref<512x128xf32, #tpu.memory_space<vmem>>[vector<16xi32>, vector<16xi32>], vector<16xf32>,
      %swap3A_434 = arith.constant 47 : i32
      %swap3A_435 = arith.index_cast %swap3A_434 : i32 to index
      %swap3A_436 = arith.index_cast %mul3A_52 : i32 to index
      %swap3A_437 = tpu.vector_load %arg9[%swap3A_435, %swap3A_436] {strides = array<i32>} : memref<64x512xf32, #tpu.memory_space<vmem>>, vector<16xf32>,
      tpu.vector_store %arg9[%swap3A_435, %swap3A_436], %gather3A_433 {strides = array<i32>} : memref<64x512xf32, #tpu.memory_space<vmem>>, vector<16xf32>,
      %add3A_438 = arith.constant 48 : i32
      %add3A_439 = vector.broadcast %add3A_438 : i32 to vector<16xi32>
      %add3A_440 = arith.addi %get3A_55, %add3A_439 : vector<16xi32>
      %gather3A_441 = tpu.vector_load_idx %arg8[%add3A_54, %add3A_440] : memref<512x128xf32, #tpu.memory_space<vmem>>[vector<16xi32>, vector<16xi32>], vector<16xf32>,
      %swap3A_442 = arith.constant 48 : i32
      %swap3A_443 = arith.index_cast %swap3A_442 : i32 to index
      %swap3A_444 = arith.index_cast %mul3A_52 : i32 to index
      %swap3A_445 = tpu.vector_load %arg9[%swap3A_443, %swap3A_444] {strides = array<i32>} : memref<64x512xf32, #tpu.memory_space<vmem>>, vector<16xf32>,
      tpu.vector_store %arg9[%swap3A_443, %swap3A_444], %gather3A_441 {strides = array<i32>} : memref<64x512xf32, #tpu.memory_space<vmem>>, vector<16xf32>,
      %add3A_446 = arith.constant 49 : i32
      %add3A_447 = vector.broadcast %add3A_446 : i32 to vector<16xi32>
      %add3A_448 = arith.addi %get3A_55, %add3A_447 : vector<16xi32>
      %gather3A_449 = tpu.vector_load_idx %arg8[%add3A_54, %add3A_448] : memref<512x128xf32, #tpu.memory_space<vmem>>[vector<16xi32>, vector<16xi32>], vector<16xf32>,
      %swap3A_450 = arith.constant 49 : i32
      %swap3A_451 = arith.index_cast %swap3A_450 : i32 to index
      %swap3A_452 = arith.index_cast %mul3A_52 : i32 to index
      %swap3A_453 = tpu.vector_load %arg9[%swap3A_451, %swap3A_452] {strides = array<i32>} : memref<64x512xf32, #tpu.memory_space<vmem>>, vector<16xf32>,
      tpu.vector_store %arg9[%swap3A_451, %swap3A_452], %gather3A_449 {strides = array<i32>} : memref<64x512xf32, #tpu.memory_space<vmem>>, vector<16xf32>,
      %add3A_454 = arith.constant 50 : i32
      %add3A_455 = vector.broadcast %add3A_454 : i32 to vector<16xi32>
      %add3A_456 = arith.addi %get3A_55, %add3A_455 : vector<16xi32>
      %gather3A_457 = tpu.vector_load_idx %arg8[%add3A_54, %add3A_456] : memref<512x128xf32, #tpu.memory_space<vmem>>[vector<16xi32>, vector<16xi32>], vector<16xf32>,
      %swap3A_458 = arith.constant 50 : i32
      %swap3A_459 = arith.index_cast %swap3A_458 : i32 to index
      %swap3A_460 = arith.index_cast %mul3A_52 : i32 to index
      %swap3A_461 = tpu.vector_load %arg9[%swap3A_459, %swap3A_460] {strides = array<i32>} : memref<64x512xf32, #tpu.memory_space<vmem>>, vector<16xf32>,
      tpu.vector_store %arg9[%swap3A_459, %swap3A_460], %gather3A_457 {strides = array<i32>} : memref<64x512xf32, #tpu.memory_space<vmem>>, vector<16xf32>,
      %add3A_462 = arith.constant 51 : i32
      %add3A_463 = vector.broadcast %add3A_462 : i32 to vector<16xi32>
      %add3A_464 = arith.addi %get3A_55, %add3A_463 : vector<16xi32>
      %gather3A_465 = tpu.vector_load_idx %arg8[%add3A_54, %add3A_464] : memref<512x128xf32, #tpu.memory_space<vmem>>[vector<16xi32>, vector<16xi32>], vector<16xf32>,
      %swap3A_466 = arith.constant 51 : i32
      %swap3A_467 = arith.index_cast %swap3A_466 : i32 to index
      %swap3A_468 = arith.index_cast %mul3A_52 : i32 to index
      %swap3A_469 = tpu.vector_load %arg9[%swap3A_467, %swap3A_468] {strides = array<i32>} : memref<64x512xf32, #tpu.memory_space<vmem>>, vector<16xf32>,
      tpu.vector_store %arg9[%swap3A_467, %swap3A_468], %gather3A_465 {strides = array<i32>} : memref<64x512xf32, #tpu.memory_space<vmem>>, vector<16xf32>,
      %add3A_470 = arith.constant 52 : i32
      %add3A_471 = vector.broadcast %add3A_470 : i32 to vector<16xi32>
      %add3A_472 = arith.addi %get3A_55, %add3A_471 : vector<16xi32>
      %gather3A_473 = tpu.vector_load_idx %arg8[%add3A_54, %add3A_472] : memref<512x128xf32, #tpu.memory_space<vmem>>[vector<16xi32>, vector<16xi32>], vector<16xf32>,
      %swap3A_474 = arith.constant 52 : i32
      %swap3A_475 = arith.index_cast %swap3A_474 : i32 to index
      %swap3A_476 = arith.index_cast %mul3A_52 : i32 to index
      %swap3A_477 = tpu.vector_load %arg9[%swap3A_475, %swap3A_476] {strides = array<i32>} : memref<64x512xf32, #tpu.memory_space<vmem>>, vector<16xf32>,
      tpu.vector_store %arg9[%swap3A_475, %swap3A_476], %gather3A_473 {strides = array<i32>} : memref<64x512xf32, #tpu.memory_space<vmem>>, vector<16xf32>,
      %add3A_478 = arith.constant 53 : i32
      %add3A_479 = vector.broadcast %add3A_478 : i32 to vector<16xi32>
      %add3A_480 = arith.addi %get3A_55, %add3A_479 : vector<16xi32>
      %gather3A_481 = tpu.vector_load_idx %arg8[%add3A_54, %add3A_480] : memref<512x128xf32, #tpu.memory_space<vmem>>[vector<16xi32>, vector<16xi32>], vector<16xf32>,
      %swap3A_482 = arith.constant 53 : i32
      %swap3A_483 = arith.index_cast %swap3A_482 : i32 to index
      %swap3A_484 = arith.index_cast %mul3A_52 : i32 to index
      %swap3A_485 = tpu.vector_load %arg9[%swap3A_483, %swap3A_484] {strides = array<i32>} : memref<64x512xf32, #tpu.memory_space<vmem>>, vector<16xf32>,
      tpu.vector_store %arg9[%swap3A_483, %swap3A_484], %gather3A_481 {strides = array<i32>} : memref<64x512xf32, #tpu.memory_space<vmem>>, vector<16xf32>,
      %add3A_486 = arith.constant 54 : i32
      %add3A_487 = vector.broadcast %add3A_486 : i32 to vector<16xi32>
      %add3A_488 = arith.addi %get3A_55, %add3A_487 : vector<16xi32>
      %gather3A_489 = tpu.vector_load_idx %arg8[%add3A_54, %add3A_488] : memref<512x128xf32, #tpu.memory_space<vmem>>[vector<16xi32>, vector<16xi32>], vector<16xf32>,
      %swap3A_490 = arith.constant 54 : i32
      %swap3A_491 = arith.index_cast %swap3A_490 : i32 to index
      %swap3A_492 = arith.index_cast %mul3A_52 : i32 to index
      %swap3A_493 = tpu.vector_load %arg9[%swap3A_491, %swap3A_492] {strides = array<i32>} : memref<64x512xf32, #tpu.memory_space<vmem>>, vector<16xf32>,
      tpu.vector_store %arg9[%swap3A_491, %swap3A_492], %gather3A_489 {strides = array<i32>} : memref<64x512xf32, #tpu.memory_space<vmem>>, vector<16xf32>,
      %add3A_494 = arith.constant 55 : i32
      %add3A_495 = vector.broadcast %add3A_494 : i32 to vector<16xi32>
      %add3A_496 = arith.addi %get3A_55, %add3A_495 : vector<16xi32>
      %gather3A_497 = tpu.vector_load_idx %arg8[%add3A_54, %add3A_496] : memref<512x128xf32, #tpu.memory_space<vmem>>[vector<16xi32>, vector<16xi32>], vector<16xf32>,
      %swap3A_498 = arith.constant 55 : i32
      %swap3A_499 = arith.index_cast %swap3A_498 : i32 to index
      %swap3A_500 = arith.index_cast %mul3A_52 : i32 to index
      %swap3A_501 = tpu.vector_load %arg9[%swap3A_499, %swap3A_500] {strides = array<i32>} : memref<64x512xf32, #tpu.memory_space<vmem>>, vector<16xf32>,
      tpu.vector_store %arg9[%swap3A_499, %swap3A_500], %gather3A_497 {strides = array<i32>} : memref<64x512xf32, #tpu.memory_space<vmem>>, vector<16xf32>,
      %add3A_502 = arith.constant 56 : i32
      %add3A_503 = vector.broadcast %add3A_502 : i32 to vector<16xi32>
      %add3A_504 = arith.addi %get3A_55, %add3A_503 : vector<16xi32>
      %gather3A_505 = tpu.vector_load_idx %arg8[%add3A_54, %add3A_504] : memref<512x128xf32, #tpu.memory_space<vmem>>[vector<16xi32>, vector<16xi32>], vector<16xf32>,
      %swap3A_506 = arith.constant 56 : i32
      %swap3A_507 = arith.index_cast %swap3A_506 : i32 to index
      %swap3A_508 = arith.index_cast %mul3A_52 : i32 to index
      %swap3A_509 = tpu.vector_load %arg9[%swap3A_507, %swap3A_508] {strides = array<i32>} : memref<64x512xf32, #tpu.memory_space<vmem>>, vector<16xf32>,
      tpu.vector_store %arg9[%swap3A_507, %swap3A_508], %gather3A_505 {strides = array<i32>} : memref<64x512xf32, #tpu.memory_space<vmem>>, vector<16xf32>,
      %add3A_510 = arith.constant 57 : i32
      %add3A_511 = vector.broadcast %add3A_510 : i32 to vector<16xi32>
      %add3A_512 = arith.addi %get3A_55, %add3A_511 : vector<16xi32>
      %gather3A_513 = tpu.vector_load_idx %arg8[%add3A_54, %add3A_512] : memref<512x128xf32, #tpu.memory_space<vmem>>[vector<16xi32>, vector<16xi32>], vector<16xf32>,
      %swap3A_514 = arith.constant 57 : i32
      %swap3A_515 = arith.index_cast %swap3A_514 : i32 to index
      %swap3A_516 = arith.index_cast %mul3A_52 : i32 to index
      %swap3A_517 = tpu.vector_load %arg9[%swap3A_515, %swap3A_516] {strides = array<i32>} : memref<64x512xf32, #tpu.memory_space<vmem>>, vector<16xf32>,
      tpu.vector_store %arg9[%swap3A_515, %swap3A_516], %gather3A_513 {strides = array<i32>} : memref<64x512xf32, #tpu.memory_space<vmem>>, vector<16xf32>,
      %add3A_518 = arith.constant 58 : i32
      %add3A_519 = vector.broadcast %add3A_518 : i32 to vector<16xi32>
      %add3A_520 = arith.addi %get3A_55, %add3A_519 : vector<16xi32>
      %gather3A_521 = tpu.vector_load_idx %arg8[%add3A_54, %add3A_520] : memref<512x128xf32, #tpu.memory_space<vmem>>[vector<16xi32>, vector<16xi32>], vector<16xf32>,
      %swap3A_522 = arith.constant 58 : i32
      %swap3A_523 = arith.index_cast %swap3A_522 : i32 to index
      %swap3A_524 = arith.index_cast %mul3A_52 : i32 to index
      %swap3A_525 = tpu.vector_load %arg9[%swap3A_523, %swap3A_524] {strides = array<i32>} : memref<64x512xf32, #tpu.memory_space<vmem>>, vector<16xf32>,
      tpu.vector_store %arg9[%swap3A_523, %swap3A_524], %gather3A_521 {strides = array<i32>} : memref<64x512xf32, #tpu.memory_space<vmem>>, vector<16xf32>,
      %add3A_526 = arith.constant 59 : i32
      %add3A_527 = vector.broadcast %add3A_526 : i32 to vector<16xi32>
      %add3A_528 = arith.addi %get3A_55, %add3A_527 : vector<16xi32>
      %gather3A_529 = tpu.vector_load_idx %arg8[%add3A_54, %add3A_528] : memref<512x128xf32, #tpu.memory_space<vmem>>[vector<16xi32>, vector<16xi32>], vector<16xf32>,
      %swap3A_530 = arith.constant 59 : i32
      %swap3A_531 = arith.index_cast %swap3A_530 : i32 to index
      %swap3A_532 = arith.index_cast %mul3A_52 : i32 to index
      %swap3A_533 = tpu.vector_load %arg9[%swap3A_531, %swap3A_532] {strides = array<i32>} : memref<64x512xf32, #tpu.memory_space<vmem>>, vector<16xf32>,
      tpu.vector_store %arg9[%swap3A_531, %swap3A_532], %gather3A_529 {strides = array<i32>} : memref<64x512xf32, #tpu.memory_space<vmem>>, vector<16xf32>,
      %add3A_534 = arith.constant 60 : i32
      %add3A_535 = vector.broadcast %add3A_534 : i32 to vector<16xi32>
      %add3A_536 = arith.addi %get3A_55, %add3A_535 : vector<16xi32>
      %gather3A_537 = tpu.vector_load_idx %arg8[%add3A_54, %add3A_536] : memref<512x128xf32, #tpu.memory_space<vmem>>[vector<16xi32>, vector<16xi32>], vector<16xf32>,
      %swap3A_538 = arith.constant 60 : i32
      %swap3A_539 = arith.index_cast %swap3A_538 : i32 to index
      %swap3A_540 = arith.index_cast %mul3A_52 : i32 to index
      %swap3A_541 = tpu.vector_load %arg9[%swap3A_539, %swap3A_540] {strides = array<i32>} : memref<64x512xf32, #tpu.memory_space<vmem>>, vector<16xf32>,
      tpu.vector_store %arg9[%swap3A_539, %swap3A_540], %gather3A_537 {strides = array<i32>} : memref<64x512xf32, #tpu.memory_space<vmem>>, vector<16xf32>,
      %add3A_542 = arith.constant 61 : i32
      %add3A_543 = vector.broadcast %add3A_542 : i32 to vector<16xi32>
      %add3A_544 = arith.addi %get3A_55, %add3A_543 : vector<16xi32>
      %gather3A_545 = tpu.vector_load_idx %arg8[%add3A_54, %add3A_544] : memref<512x128xf32, #tpu.memory_space<vmem>>[vector<16xi32>, vector<16xi32>], vector<16xf32>,
      %swap3A_546 = arith.constant 61 : i32
      %swap3A_547 = arith.index_cast %swap3A_546 : i32 to index
      %swap3A_548 = arith.index_cast %mul3A_52 : i32 to index
      %swap3A_549 = tpu.vector_load %arg9[%swap3A_547, %swap3A_548] {strides = array<i32>} : memref<64x512xf32, #tpu.memory_space<vmem>>, vector<16xf32>,
      tpu.vector_store %arg9[%swap3A_547, %swap3A_548], %gather3A_545 {strides = array<i32>} : memref<64x512xf32, #tpu.memory_space<vmem>>, vector<16xf32>,
      %add3A_550 = arith.constant 62 : i32
      %add3A_551 = vector.broadcast %add3A_550 : i32 to vector<16xi32>
      %add3A_552 = arith.addi %get3A_55, %add3A_551 : vector<16xi32>
      %gather3A_553 = tpu.vector_load_idx %arg8[%add3A_54, %add3A_552] : memref<512x128xf32, #tpu.memory_space<vmem>>[vector<16xi32>, vector<16xi32>], vector<16xf32>,
      %swap3A_554 = arith.constant 62 : i32
      %swap3A_555 = arith.index_cast %swap3A_554 : i32 to index
      %swap3A_556 = arith.index_cast %mul3A_52 : i32 to index
      %swap3A_557 = tpu.vector_load %arg9[%swap3A_555, %swap3A_556] {strides = array<i32>} : memref<64x512xf32, #tpu.memory_space<vmem>>, vector<16xf32>,
      tpu.vector_store %arg9[%swap3A_555, %swap3A_556], %gather3A_553 {strides = array<i32>} : memref<64x512xf32, #tpu.memory_space<vmem>>, vector<16xf32>,
      %add3A_558 = arith.constant 63 : i32
      %add3A_559 = vector.broadcast %add3A_558 : i32 to vector<16xi32>
      %add3A_560 = arith.addi %get3A_55, %add3A_559 : vector<16xi32>
      %gather3A_561 = tpu.vector_load_idx %arg8[%add3A_54, %add3A_560] : memref<512x128xf32, #tpu.memory_space<vmem>>[vector<16xi32>, vector<16xi32>], vector<16xf32>,
      %swap3A_562 = arith.constant 63 : i32
      %swap3A_563 = arith.index_cast %swap3A_562 : i32 to index
      %swap3A_564 = arith.index_cast %mul3A_52 : i32 to index
      %swap3A_565 = tpu.vector_load %arg9[%swap3A_563, %swap3A_564] {strides = array<i32>} : memref<64x512xf32, #tpu.memory_space<vmem>>, vector<16xf32>,
      tpu.vector_store %arg9[%swap3A_563, %swap3A_564], %gather3A_561 {strides = array<i32>} : memref<64x512xf32, #tpu.memory_space<vmem>>, vector<16xf32>,
    }
    %scan3A_49 = arith.constant 32 : i32
    "tpu.region"() ({
      %run_scoped3A = tpu.sem_alloc : memref<!tpu.dma_semaphore, #tpu.memory_space<semaphore_mem>>
      %dma_start3A_50 = arith.constant 0 : i32
      %dma_start3A_51 = tpu.memref_slice %arg4[%dma_start3A_50, %mul3A_2] : memref<64x16384xf32, #tpu.memory_space<hbm>> -> memref<64x512xf32, #tpu.memory_space<hbm>>
      %dma_start3A_52 = arith.constant 0 : i32
      %dma_start3A_53 = tpu.memref_slice %arg4[%dma_start3A_52, %mul3A_2] : memref<64x16384xf32, #tpu.memory_space<hbm>> -> memref<64x512xf32, #tpu.memory_space<hbm>>
      tpu.enqueue_dma source(%arg9 : memref<64x512xf32, #tpu.memory_space<vmem>>) target(%dma_start3A_53 : memref<64x512xf32, #tpu.memory_space<hbm>>) target_semaphore(%run_scoped3A : memref<!tpu.dma_semaphore, #tpu.memory_space<semaphore_mem>>)
      %dma_wait3A_54 = arith.constant 0 : i32
      %dma_wait3A_55 = tpu.memref_slice %arg4[%dma_wait3A_54, %mul3A_2] : memref<64x16384xf32, #tpu.memory_space<hbm>> -> memref<64x512xf32, #tpu.memory_space<hbm>>
      %dma_wait3A_56 = arith.constant 0 : i32
      %dma_wait3A_57 = tpu.memref_slice %arg4[%dma_wait3A_56, %mul3A_2] : memref<64x16384xf32, #tpu.memory_space<hbm>> -> memref<64x512xf32, #tpu.memory_space<hbm>>
      tpu.wait_dma2 semaphore(%run_scoped3A : memref<!tpu.dma_semaphore, #tpu.memory_space<semaphore_mem>>) src(%arg9 : memref<64x512xf32, #tpu.memory_space<vmem>>) dst(%dma_wait3A_57 : memref<64x512xf32, #tpu.memory_space<hbm>>)
      tpu.yield
    }) : () -> ()
    return
  }
}

module attributes {stable_mosaic.version = 14 : i64} {
  func.func @_transpose_body(%arg0: i32, %arg1: memref<64x32768xf32, #tpu.memory_space<vmem>>, %arg2: memref<16384x128xf32, #tpu.memory_space<vmem>>) attributes {dimension_semantics = [#tpu.dimension_semantics<parallel>], iteration_bounds = array<i64: 31>, scalar_prefetch = 0 : i64, scratch_operands = 0 : i64, tpu.core_type = #tpu.core_type<tc>, window_params = [{transform_indices = @transform_0, window_bounds = array<i64: 64, 32768>}, {transform_indices = @transform_1, window_bounds = array<i64: 16384, 128>}]} {
    %get3A = arith.constant 0 : index
    %get3A_0 = arith.constant 0 : index
    %get3A_1 = vector.load %arg1[%get3A, %get3A_0] : memref<64x32768xf32, #tpu.memory_space<vmem>>, vector<64x128xf32>
    %get3A_2 = arith.constant 0 : index
    %get3A_3 = arith.constant 128 : index
    %get3A_4 = vector.load %arg1[%get3A_2, %get3A_3] : memref<64x32768xf32, #tpu.memory_space<vmem>>, vector<64x128xf32>
    %transpose3A = tpu.transpose %get3A_1, [1, 0] : vector<64x128xf32> -> vector<128x64xf32>
    %swap3A = arith.constant 0 : index
    %swap3A_5 = arith.constant 0 : index
    %swap3A_6 = vector.load %arg2[%swap3A, %swap3A_5] : memref<16384x128xf32, #tpu.memory_space<vmem>>, vector<128x64xf32>
    tpu.vector_store %arg2[%swap3A, %swap3A_5], %transpose3A {strides = array<i32>} : memref<16384x128xf32, #tpu.memory_space<vmem>>, vector<128x64xf32>,
    %transpose3A_7 = tpu.transpose %get3A_4, [1, 0] : vector<64x128xf32> -> vector<128x64xf32>
    %swap3A_8 = arith.constant 0 : index
    %swap3A_9 = arith.constant 64 : index
    %swap3A_10 = vector.load %arg2[%swap3A_8, %swap3A_9] : memref<16384x128xf32, #tpu.memory_space<vmem>>, vector<128x64xf32>
    tpu.vector_store %arg2[%swap3A_8, %swap3A_9], %transpose3A_7 {strides = array<i32>} : memref<16384x128xf32, #tpu.memory_space<vmem>>, vector<128x64xf32>,
    %get3A_11 = arith.constant 0 : index
    %get3A_12 = arith.constant 256 : index
    %get3A_13 = vector.load %arg1[%get3A_11, %get3A_12] : memref<64x32768xf32, #tpu.memory_space<vmem>>, vector<64x128xf32>
    %get3A_14 = arith.constant 0 : index
    %get3A_15 = arith.constant 384 : index
    %get3A_16 = vector.load %arg1[%get3A_14, %get3A_15] : memref<64x32768xf32, #tpu.memory_space<vmem>>, vector<64x128xf32>
    %transpose3A_17 = tpu.transpose %get3A_13, [1, 0] : vector<64x128xf32> -> vector<128x64xf32>
    %swap3A_18 = arith.constant 128 : index
    %swap3A_19 = arith.constant 0 : index
    %swap3A_20 = vector.load %arg2[%swap3A_18, %swap3A_19] : memref<16384x128xf32, #tpu.memory_space<vmem>>, vector<128x64xf32>
    tpu.vector_store %arg2[%swap3A_18, %swap3A_19], %transpose3A_17 {strides = array<i32>} : memref<16384x128xf32, #tpu.memory_space<vmem>>, vector<128x64xf32>,
    %transpose3A_21 = tpu.transpose %get3A_16, [1, 0] : vector<64x128xf32> -> vector<128x64xf32>
    %swap3A_22 = arith.constant 128 : index
    %swap3A_23 = arith.constant 64 : index
    %swap3A_24 = vector.load %arg2[%swap3A_22, %swap3A_23] : memref<16384x128xf32, #tpu.memory_space<vmem>>, vector<128x64xf32>
    tpu.vector_store %arg2[%swap3A_22, %swap3A_23], %transpose3A_21 {strides = array<i32>} : memref<16384x128xf32, #tpu.memory_space<vmem>>, vector<128x64xf32>,
    %get3A_25 = arith.constant 0 : index
    %get3A_26 = arith.constant 512 : index
    %get3A_27 = vector.load %arg1[%get3A_25, %get3A_26] : memref<64x32768xf32, #tpu.memory_space<vmem>>, vector<64x128xf32>
    %get3A_28 = arith.constant 0 : index
    %get3A_29 = arith.constant 640 : index
    %get3A_30 = vector.load %arg1[%get3A_28, %get3A_29] : memref<64x32768xf32, #tpu.memory_space<vmem>>, vector<64x128xf32>
    %transpose3A_31 = tpu.transpose %get3A_27, [1, 0] : vector<64x128xf32> -> vector<128x64xf32>
    %swap3A_32 = arith.constant 256 : index
    %swap3A_33 = arith.constant 0 : index
    %swap3A_34 = vector.load %arg2[%swap3A_32, %swap3A_33] : memref<16384x128xf32, #tpu.memory_space<vmem>>, vector<128x64xf32>
    tpu.vector_store %arg2[%swap3A_32, %swap3A_33], %transpose3A_31 {strides = array<i32>} : memref<16384x128xf32, #tpu.memory_space<vmem>>, vector<128x64xf32>,
    %transpose3A_35 = tpu.transpose %get3A_30, [1, 0] : vector<64x128xf32> -> vector<128x64xf32>
    %swap3A_36 = arith.constant 256 : index
    %swap3A_37 = arith.constant 64 : index
    %swap3A_38 = vector.load %arg2[%swap3A_36, %swap3A_37] : memref<16384x128xf32, #tpu.memory_space<vmem>>, vector<128x64xf32>
    tpu.vector_store %arg2[%swap3A_36, %swap3A_37], %transpose3A_35 {strides = array<i32>} : memref<16384x128xf32, #tpu.memory_space<vmem>>, vector<128x64xf32>,
    %get3A_39 = arith.constant 0 : index
    %get3A_40 = arith.constant 768 : index
    %get3A_41 = vector.load %arg1[%get3A_39, %get3A_40] : memref<64x32768xf32, #tpu.memory_space<vmem>>, vector<64x128xf32>
    %get3A_42 = arith.constant 0 : index
    %get3A_43 = arith.constant 896 : index
    %get3A_44 = vector.load %arg1[%get3A_42, %get3A_43] : memref<64x32768xf32, #tpu.memory_space<vmem>>, vector<64x128xf32>
    %transpose3A_45 = tpu.transpose %get3A_41, [1, 0] : vector<64x128xf32> -> vector<128x64xf32>
    %swap3A_46 = arith.constant 384 : index
    %swap3A_47 = arith.constant 0 : index
    %swap3A_48 = vector.load %arg2[%swap3A_46, %swap3A_47] : memref<16384x128xf32, #tpu.memory_space<vmem>>, vector<128x64xf32>
    tpu.vector_store %arg2[%swap3A_46, %swap3A_47], %transpose3A_45 {strides = array<i32>} : memref<16384x128xf32, #tpu.memory_space<vmem>>, vector<128x64xf32>,
    %transpose3A_49 = tpu.transpose %get3A_44, [1, 0] : vector<64x128xf32> -> vector<128x64xf32>
    %swap3A_50 = arith.constant 384 : index
    %swap3A_51 = arith.constant 64 : index
    %swap3A_52 = vector.load %arg2[%swap3A_50, %swap3A_51] : memref<16384x128xf32, #tpu.memory_space<vmem>>, vector<128x64xf32>
    tpu.vector_store %arg2[%swap3A_50, %swap3A_51], %transpose3A_49 {strides = array<i32>} : memref<16384x128xf32, #tpu.memory_space<vmem>>, vector<128x64xf32>,
    %get3A_53 = arith.constant 0 : index
    %get3A_54 = arith.constant 1024 : index
    %get3A_55 = vector.load %arg1[%get3A_53, %get3A_54] : memref<64x32768xf32, #tpu.memory_space<vmem>>, vector<64x128xf32>
    %get3A_56 = arith.constant 0 : index
    %get3A_57 = arith.constant 1152 : index
    %get3A_58 = vector.load %arg1[%get3A_56, %get3A_57] : memref<64x32768xf32, #tpu.memory_space<vmem>>, vector<64x128xf32>
    %transpose3A_59 = tpu.transpose %get3A_55, [1, 0] : vector<64x128xf32> -> vector<128x64xf32>
    %swap3A_60 = arith.constant 512 : index
    %swap3A_61 = arith.constant 0 : index
    %swap3A_62 = vector.load %arg2[%swap3A_60, %swap3A_61] : memref<16384x128xf32, #tpu.memory_space<vmem>>, vector<128x64xf32>
    tpu.vector_store %arg2[%swap3A_60, %swap3A_61], %transpose3A_59 {strides = array<i32>} : memref<16384x128xf32, #tpu.memory_space<vmem>>, vector<128x64xf32>,
    %transpose3A_63 = tpu.transpose %get3A_58, [1, 0] : vector<64x128xf32> -> vector<128x64xf32>
    %swap3A_64 = arith.constant 512 : index
    %swap3A_65 = arith.constant 64 : index
    %swap3A_66 = vector.load %arg2[%swap3A_64, %swap3A_65] : memref<16384x128xf32, #tpu.memory_space<vmem>>, vector<128x64xf32>
    tpu.vector_store %arg2[%swap3A_64, %swap3A_65], %transpose3A_63 {strides = array<i32>} : memref<16384x128xf32, #tpu.memory_space<vmem>>, vector<128x64xf32>,
    %get3A_67 = arith.constant 0 : index
    %get3A_68 = arith.constant 1280 : index
    %get3A_69 = vector.load %arg1[%get3A_67, %get3A_68] : memref<64x32768xf32, #tpu.memory_space<vmem>>, vector<64x128xf32>
    %get3A_70 = arith.constant 0 : index
    %get3A_71 = arith.constant 1408 : index
    %get3A_72 = vector.load %arg1[%get3A_70, %get3A_71] : memref<64x32768xf32, #tpu.memory_space<vmem>>, vector<64x128xf32>
    %transpose3A_73 = tpu.transpose %get3A_69, [1, 0] : vector<64x128xf32> -> vector<128x64xf32>
    %swap3A_74 = arith.constant 640 : index
    %swap3A_75 = arith.constant 0 : index
    %swap3A_76 = vector.load %arg2[%swap3A_74, %swap3A_75] : memref<16384x128xf32, #tpu.memory_space<vmem>>, vector<128x64xf32>
    tpu.vector_store %arg2[%swap3A_74, %swap3A_75], %transpose3A_73 {strides = array<i32>} : memref<16384x128xf32, #tpu.memory_space<vmem>>, vector<128x64xf32>,
    %transpose3A_77 = tpu.transpose %get3A_72, [1, 0] : vector<64x128xf32> -> vector<128x64xf32>
    %swap3A_78 = arith.constant 640 : index
    %swap3A_79 = arith.constant 64 : index
    %swap3A_80 = vector.load %arg2[%swap3A_78, %swap3A_79] : memref<16384x128xf32, #tpu.memory_space<vmem>>, vector<128x64xf32>
    tpu.vector_store %arg2[%swap3A_78, %swap3A_79], %transpose3A_77 {strides = array<i32>} : memref<16384x128xf32, #tpu.memory_space<vmem>>, vector<128x64xf32>,
    %get3A_81 = arith.constant 0 : index
    %get3A_82 = arith.constant 1536 : index
    %get3A_83 = vector.load %arg1[%get3A_81, %get3A_82] : memref<64x32768xf32, #tpu.memory_space<vmem>>, vector<64x128xf32>
    %get3A_84 = arith.constant 0 : index
    %get3A_85 = arith.constant 1664 : index
    %get3A_86 = vector.load %arg1[%get3A_84, %get3A_85] : memref<64x32768xf32, #tpu.memory_space<vmem>>, vector<64x128xf32>
    %transpose3A_87 = tpu.transpose %get3A_83, [1, 0] : vector<64x128xf32> -> vector<128x64xf32>
    %swap3A_88 = arith.constant 768 : index
    %swap3A_89 = arith.constant 0 : index
    %swap3A_90 = vector.load %arg2[%swap3A_88, %swap3A_89] : memref<16384x128xf32, #tpu.memory_space<vmem>>, vector<128x64xf32>
    tpu.vector_store %arg2[%swap3A_88, %swap3A_89], %transpose3A_87 {strides = array<i32>} : memref<16384x128xf32, #tpu.memory_space<vmem>>, vector<128x64xf32>,
    %transpose3A_91 = tpu.transpose %get3A_86, [1, 0] : vector<64x128xf32> -> vector<128x64xf32>
    %swap3A_92 = arith.constant 768 : index
    %swap3A_93 = arith.constant 64 : index
    %swap3A_94 = vector.load %arg2[%swap3A_92, %swap3A_93] : memref<16384x128xf32, #tpu.memory_space<vmem>>, vector<128x64xf32>
    tpu.vector_store %arg2[%swap3A_92, %swap3A_93], %transpose3A_91 {strides = array<i32>} : memref<16384x128xf32, #tpu.memory_space<vmem>>, vector<128x64xf32>,
    %get3A_95 = arith.constant 0 : index
    %get3A_96 = arith.constant 1792 : index
    %get3A_97 = vector.load %arg1[%get3A_95, %get3A_96] : memref<64x32768xf32, #tpu.memory_space<vmem>>, vector<64x128xf32>
    %get3A_98 = arith.constant 0 : index
    %get3A_99 = arith.constant 1920 : index
    %get3A_100 = vector.load %arg1[%get3A_98, %get3A_99] : memref<64x32768xf32, #tpu.memory_space<vmem>>, vector<64x128xf32>
    %transpose3A_101 = tpu.transpose %get3A_97, [1, 0] : vector<64x128xf32> -> vector<128x64xf32>
    %swap3A_102 = arith.constant 896 : index
    %swap3A_103 = arith.constant 0 : index
    %swap3A_104 = vector.load %arg2[%swap3A_102, %swap3A_103] : memref<16384x128xf32, #tpu.memory_space<vmem>>, vector<128x64xf32>
    tpu.vector_store %arg2[%swap3A_102, %swap3A_103], %transpose3A_101 {strides = array<i32>} : memref<16384x128xf32, #tpu.memory_space<vmem>>, vector<128x64xf32>,
    %transpose3A_105 = tpu.transpose %get3A_100, [1, 0] : vector<64x128xf32> -> vector<128x64xf32>
    %swap3A_106 = arith.constant 896 : index
    %swap3A_107 = arith.constant 64 : index
    %swap3A_108 = vector.load %arg2[%swap3A_106, %swap3A_107] : memref<16384x128xf32, #tpu.memory_space<vmem>>, vector<128x64xf32>
    tpu.vector_store %arg2[%swap3A_106, %swap3A_107], %transpose3A_105 {strides = array<i32>} : memref<16384x128xf32, #tpu.memory_space<vmem>>, vector<128x64xf32>,
    %get3A_109 = arith.constant 0 : index
    %get3A_110 = arith.constant 2048 : index
    %get3A_111 = vector.load %arg1[%get3A_109, %get3A_110] : memref<64x32768xf32, #tpu.memory_space<vmem>>, vector<64x128xf32>
    %get3A_112 = arith.constant 0 : index
    %get3A_113 = arith.constant 2176 : index
    %get3A_114 = vector.load %arg1[%get3A_112, %get3A_113] : memref<64x32768xf32, #tpu.memory_space<vmem>>, vector<64x128xf32>
    %transpose3A_115 = tpu.transpose %get3A_111, [1, 0] : vector<64x128xf32> -> vector<128x64xf32>
    %swap3A_116 = arith.constant 1024 : index
    %swap3A_117 = arith.constant 0 : index
    %swap3A_118 = vector.load %arg2[%swap3A_116, %swap3A_117] : memref<16384x128xf32, #tpu.memory_space<vmem>>, vector<128x64xf32>
    tpu.vector_store %arg2[%swap3A_116, %swap3A_117], %transpose3A_115 {strides = array<i32>} : memref<16384x128xf32, #tpu.memory_space<vmem>>, vector<128x64xf32>,
    %transpose3A_119 = tpu.transpose %get3A_114, [1, 0] : vector<64x128xf32> -> vector<128x64xf32>
    %swap3A_120 = arith.constant 1024 : index
    %swap3A_121 = arith.constant 64 : index
    %swap3A_122 = vector.load %arg2[%swap3A_120, %swap3A_121] : memref<16384x128xf32, #tpu.memory_space<vmem>>, vector<128x64xf32>
    tpu.vector_store %arg2[%swap3A_120, %swap3A_121], %transpose3A_119 {strides = array<i32>} : memref<16384x128xf32, #tpu.memory_space<vmem>>, vector<128x64xf32>,
    %get3A_123 = arith.constant 0 : index
    %get3A_124 = arith.constant 2304 : index
    %get3A_125 = vector.load %arg1[%get3A_123, %get3A_124] : memref<64x32768xf32, #tpu.memory_space<vmem>>, vector<64x128xf32>
    %get3A_126 = arith.constant 0 : index
    %get3A_127 = arith.constant 2432 : index
    %get3A_128 = vector.load %arg1[%get3A_126, %get3A_127] : memref<64x32768xf32, #tpu.memory_space<vmem>>, vector<64x128xf32>
    %transpose3A_129 = tpu.transpose %get3A_125, [1, 0] : vector<64x128xf32> -> vector<128x64xf32>
    %swap3A_130 = arith.constant 1152 : index
    %swap3A_131 = arith.constant 0 : index
    %swap3A_132 = vector.load %arg2[%swap3A_130, %swap3A_131] : memref<16384x128xf32, #tpu.memory_space<vmem>>, vector<128x64xf32>
    tpu.vector_store %arg2[%swap3A_130, %swap3A_131], %transpose3A_129 {strides = array<i32>} : memref<16384x128xf32, #tpu.memory_space<vmem>>, vector<128x64xf32>,
    %transpose3A_133 = tpu.transpose %get3A_128, [1, 0] : vector<64x128xf32> -> vector<128x64xf32>
    %swap3A_134 = arith.constant 1152 : index
    %swap3A_135 = arith.constant 64 : index
    %swap3A_136 = vector.load %arg2[%swap3A_134, %swap3A_135] : memref<16384x128xf32, #tpu.memory_space<vmem>>, vector<128x64xf32>
    tpu.vector_store %arg2[%swap3A_134, %swap3A_135], %transpose3A_133 {strides = array<i32>} : memref<16384x128xf32, #tpu.memory_space<vmem>>, vector<128x64xf32>,
    %get3A_137 = arith.constant 0 : index
    %get3A_138 = arith.constant 2560 : index
    %get3A_139 = vector.load %arg1[%get3A_137, %get3A_138] : memref<64x32768xf32, #tpu.memory_space<vmem>>, vector<64x128xf32>
    %get3A_140 = arith.constant 0 : index
    %get3A_141 = arith.constant 2688 : index
    %get3A_142 = vector.load %arg1[%get3A_140, %get3A_141] : memref<64x32768xf32, #tpu.memory_space<vmem>>, vector<64x128xf32>
    %transpose3A_143 = tpu.transpose %get3A_139, [1, 0] : vector<64x128xf32> -> vector<128x64xf32>
    %swap3A_144 = arith.constant 1280 : index
    %swap3A_145 = arith.constant 0 : index
    %swap3A_146 = vector.load %arg2[%swap3A_144, %swap3A_145] : memref<16384x128xf32, #tpu.memory_space<vmem>>, vector<128x64xf32>
    tpu.vector_store %arg2[%swap3A_144, %swap3A_145], %transpose3A_143 {strides = array<i32>} : memref<16384x128xf32, #tpu.memory_space<vmem>>, vector<128x64xf32>,
    %transpose3A_147 = tpu.transpose %get3A_142, [1, 0] : vector<64x128xf32> -> vector<128x64xf32>
    %swap3A_148 = arith.constant 1280 : index
    %swap3A_149 = arith.constant 64 : index
    %swap3A_150 = vector.load %arg2[%swap3A_148, %swap3A_149] : memref<16384x128xf32, #tpu.memory_space<vmem>>, vector<128x64xf32>
    tpu.vector_store %arg2[%swap3A_148, %swap3A_149], %transpose3A_147 {strides = array<i32>} : memref<16384x128xf32, #tpu.memory_space<vmem>>, vector<128x64xf32>,
    %get3A_151 = arith.constant 0 : index
    %get3A_152 = arith.constant 2816 : index
    %get3A_153 = vector.load %arg1[%get3A_151, %get3A_152] : memref<64x32768xf32, #tpu.memory_space<vmem>>, vector<64x128xf32>
    %get3A_154 = arith.constant 0 : index
    %get3A_155 = arith.constant 2944 : index
    %get3A_156 = vector.load %arg1[%get3A_154, %get3A_155] : memref<64x32768xf32, #tpu.memory_space<vmem>>, vector<64x128xf32>
    %transpose3A_157 = tpu.transpose %get3A_153, [1, 0] : vector<64x128xf32> -> vector<128x64xf32>
    %swap3A_158 = arith.constant 1408 : index
    %swap3A_159 = arith.constant 0 : index
    %swap3A_160 = vector.load %arg2[%swap3A_158, %swap3A_159] : memref<16384x128xf32, #tpu.memory_space<vmem>>, vector<128x64xf32>
    tpu.vector_store %arg2[%swap3A_158, %swap3A_159], %transpose3A_157 {strides = array<i32>} : memref<16384x128xf32, #tpu.memory_space<vmem>>, vector<128x64xf32>,
    %transpose3A_161 = tpu.transpose %get3A_156, [1, 0] : vector<64x128xf32> -> vector<128x64xf32>
    %swap3A_162 = arith.constant 1408 : index
    %swap3A_163 = arith.constant 64 : index
    %swap3A_164 = vector.load %arg2[%swap3A_162, %swap3A_163] : memref<16384x128xf32, #tpu.memory_space<vmem>>, vector<128x64xf32>
    tpu.vector_store %arg2[%swap3A_162, %swap3A_163], %transpose3A_161 {strides = array<i32>} : memref<16384x128xf32, #tpu.memory_space<vmem>>, vector<128x64xf32>,
    %get3A_165 = arith.constant 0 : index
    %get3A_166 = arith.constant 3072 : index
    %get3A_167 = vector.load %arg1[%get3A_165, %get3A_166] : memref<64x32768xf32, #tpu.memory_space<vmem>>, vector<64x128xf32>
    %get3A_168 = arith.constant 0 : index
    %get3A_169 = arith.constant 3200 : index
    %get3A_170 = vector.load %arg1[%get3A_168, %get3A_169] : memref<64x32768xf32, #tpu.memory_space<vmem>>, vector<64x128xf32>
    %transpose3A_171 = tpu.transpose %get3A_167, [1, 0] : vector<64x128xf32> -> vector<128x64xf32>
    %swap3A_172 = arith.constant 1536 : index
    %swap3A_173 = arith.constant 0 : index
    %swap3A_174 = vector.load %arg2[%swap3A_172, %swap3A_173] : memref<16384x128xf32, #tpu.memory_space<vmem>>, vector<128x64xf32>
    tpu.vector_store %arg2[%swap3A_172, %swap3A_173], %transpose3A_171 {strides = array<i32>} : memref<16384x128xf32, #tpu.memory_space<vmem>>, vector<128x64xf32>,
    %transpose3A_175 = tpu.transpose %get3A_170, [1, 0] : vector<64x128xf32> -> vector<128x64xf32>
    %swap3A_176 = arith.constant 1536 : index
    %swap3A_177 = arith.constant 64 : index
    %swap3A_178 = vector.load %arg2[%swap3A_176, %swap3A_177] : memref<16384x128xf32, #tpu.memory_space<vmem>>, vector<128x64xf32>
    tpu.vector_store %arg2[%swap3A_176, %swap3A_177], %transpose3A_175 {strides = array<i32>} : memref<16384x128xf32, #tpu.memory_space<vmem>>, vector<128x64xf32>,
    %get3A_179 = arith.constant 0 : index
    %get3A_180 = arith.constant 3328 : index
    %get3A_181 = vector.load %arg1[%get3A_179, %get3A_180] : memref<64x32768xf32, #tpu.memory_space<vmem>>, vector<64x128xf32>
    %get3A_182 = arith.constant 0 : index
    %get3A_183 = arith.constant 3456 : index
    %get3A_184 = vector.load %arg1[%get3A_182, %get3A_183] : memref<64x32768xf32, #tpu.memory_space<vmem>>, vector<64x128xf32>
    %transpose3A_185 = tpu.transpose %get3A_181, [1, 0] : vector<64x128xf32> -> vector<128x64xf32>
    %swap3A_186 = arith.constant 1664 : index
    %swap3A_187 = arith.constant 0 : index
    %swap3A_188 = vector.load %arg2[%swap3A_186, %swap3A_187] : memref<16384x128xf32, #tpu.memory_space<vmem>>, vector<128x64xf32>
    tpu.vector_store %arg2[%swap3A_186, %swap3A_187], %transpose3A_185 {strides = array<i32>} : memref<16384x128xf32, #tpu.memory_space<vmem>>, vector<128x64xf32>,
    %transpose3A_189 = tpu.transpose %get3A_184, [1, 0] : vector<64x128xf32> -> vector<128x64xf32>
    %swap3A_190 = arith.constant 1664 : index
    %swap3A_191 = arith.constant 64 : index
    %swap3A_192 = vector.load %arg2[%swap3A_190, %swap3A_191] : memref<16384x128xf32, #tpu.memory_space<vmem>>, vector<128x64xf32>
    tpu.vector_store %arg2[%swap3A_190, %swap3A_191], %transpose3A_189 {strides = array<i32>} : memref<16384x128xf32, #tpu.memory_space<vmem>>, vector<128x64xf32>,
    %get3A_193 = arith.constant 0 : index
    %get3A_194 = arith.constant 3584 : index
    %get3A_195 = vector.load %arg1[%get3A_193, %get3A_194] : memref<64x32768xf32, #tpu.memory_space<vmem>>, vector<64x128xf32>
    %get3A_196 = arith.constant 0 : index
    %get3A_197 = arith.constant 3712 : index
    %get3A_198 = vector.load %arg1[%get3A_196, %get3A_197] : memref<64x32768xf32, #tpu.memory_space<vmem>>, vector<64x128xf32>
    %transpose3A_199 = tpu.transpose %get3A_195, [1, 0] : vector<64x128xf32> -> vector<128x64xf32>
    %swap3A_200 = arith.constant 1792 : index
    %swap3A_201 = arith.constant 0 : index
    %swap3A_202 = vector.load %arg2[%swap3A_200, %swap3A_201] : memref<16384x128xf32, #tpu.memory_space<vmem>>, vector<128x64xf32>
    tpu.vector_store %arg2[%swap3A_200, %swap3A_201], %transpose3A_199 {strides = array<i32>} : memref<16384x128xf32, #tpu.memory_space<vmem>>, vector<128x64xf32>,
    %transpose3A_203 = tpu.transpose %get3A_198, [1, 0] : vector<64x128xf32> -> vector<128x64xf32>
    %swap3A_204 = arith.constant 1792 : index
    %swap3A_205 = arith.constant 64 : index
    %swap3A_206 = vector.load %arg2[%swap3A_204, %swap3A_205] : memref<16384x128xf32, #tpu.memory_space<vmem>>, vector<128x64xf32>
    tpu.vector_store %arg2[%swap3A_204, %swap3A_205], %transpose3A_203 {strides = array<i32>} : memref<16384x128xf32, #tpu.memory_space<vmem>>, vector<128x64xf32>,
    %get3A_207 = arith.constant 0 : index
    %get3A_208 = arith.constant 3840 : index
    %get3A_209 = vector.load %arg1[%get3A_207, %get3A_208] : memref<64x32768xf32, #tpu.memory_space<vmem>>, vector<64x128xf32>
    %get3A_210 = arith.constant 0 : index
    %get3A_211 = arith.constant 3968 : index
    %get3A_212 = vector.load %arg1[%get3A_210, %get3A_211] : memref<64x32768xf32, #tpu.memory_space<vmem>>, vector<64x128xf32>
    %transpose3A_213 = tpu.transpose %get3A_209, [1, 0] : vector<64x128xf32> -> vector<128x64xf32>
    %swap3A_214 = arith.constant 1920 : index
    %swap3A_215 = arith.constant 0 : index
    %swap3A_216 = vector.load %arg2[%swap3A_214, %swap3A_215] : memref<16384x128xf32, #tpu.memory_space<vmem>>, vector<128x64xf32>
    tpu.vector_store %arg2[%swap3A_214, %swap3A_215], %transpose3A_213 {strides = array<i32>} : memref<16384x128xf32, #tpu.memory_space<vmem>>, vector<128x64xf32>,
    %transpose3A_217 = tpu.transpose %get3A_212, [1, 0] : vector<64x128xf32> -> vector<128x64xf32>
    %swap3A_218 = arith.constant 1920 : index
    %swap3A_219 = arith.constant 64 : index
    %swap3A_220 = vector.load %arg2[%swap3A_218, %swap3A_219] : memref<16384x128xf32, #tpu.memory_space<vmem>>, vector<128x64xf32>
    tpu.vector_store %arg2[%swap3A_218, %swap3A_219], %transpose3A_217 {strides = array<i32>} : memref<16384x128xf32, #tpu.memory_space<vmem>>, vector<128x64xf32>,
    %get3A_221 = arith.constant 0 : index
    %get3A_222 = arith.constant 4096 : index
    %get3A_223 = vector.load %arg1[%get3A_221, %get3A_222] : memref<64x32768xf32, #tpu.memory_space<vmem>>, vector<64x128xf32>
    %get3A_224 = arith.constant 0 : index
    %get3A_225 = arith.constant 4224 : index
    %get3A_226 = vector.load %arg1[%get3A_224, %get3A_225] : memref<64x32768xf32, #tpu.memory_space<vmem>>, vector<64x128xf32>
    %transpose3A_227 = tpu.transpose %get3A_223, [1, 0] : vector<64x128xf32> -> vector<128x64xf32>
    %swap3A_228 = arith.constant 2048 : index
    %swap3A_229 = arith.constant 0 : index
    %swap3A_230 = vector.load %arg2[%swap3A_228, %swap3A_229] : memref<16384x128xf32, #tpu.memory_space<vmem>>, vector<128x64xf32>
    tpu.vector_store %arg2[%swap3A_228, %swap3A_229], %transpose3A_227 {strides = array<i32>} : memref<16384x128xf32, #tpu.memory_space<vmem>>, vector<128x64xf32>,
    %transpose3A_231 = tpu.transpose %get3A_226, [1, 0] : vector<64x128xf32> -> vector<128x64xf32>
    %swap3A_232 = arith.constant 2048 : index
    %swap3A_233 = arith.constant 64 : index
    %swap3A_234 = vector.load %arg2[%swap3A_232, %swap3A_233] : memref<16384x128xf32, #tpu.memory_space<vmem>>, vector<128x64xf32>
    tpu.vector_store %arg2[%swap3A_232, %swap3A_233], %transpose3A_231 {strides = array<i32>} : memref<16384x128xf32, #tpu.memory_space<vmem>>, vector<128x64xf32>,
    %get3A_235 = arith.constant 0 : index
    %get3A_236 = arith.constant 4352 : index
    %get3A_237 = vector.load %arg1[%get3A_235, %get3A_236] : memref<64x32768xf32, #tpu.memory_space<vmem>>, vector<64x128xf32>
    %get3A_238 = arith.constant 0 : index
    %get3A_239 = arith.constant 4480 : index
    %get3A_240 = vector.load %arg1[%get3A_238, %get3A_239] : memref<64x32768xf32, #tpu.memory_space<vmem>>, vector<64x128xf32>
    %transpose3A_241 = tpu.transpose %get3A_237, [1, 0] : vector<64x128xf32> -> vector<128x64xf32>
    %swap3A_242 = arith.constant 2176 : index
    %swap3A_243 = arith.constant 0 : index
    %swap3A_244 = vector.load %arg2[%swap3A_242, %swap3A_243] : memref<16384x128xf32, #tpu.memory_space<vmem>>, vector<128x64xf32>
    tpu.vector_store %arg2[%swap3A_242, %swap3A_243], %transpose3A_241 {strides = array<i32>} : memref<16384x128xf32, #tpu.memory_space<vmem>>, vector<128x64xf32>,
    %transpose3A_245 = tpu.transpose %get3A_240, [1, 0] : vector<64x128xf32> -> vector<128x64xf32>
    %swap3A_246 = arith.constant 2176 : index
    %swap3A_247 = arith.constant 64 : index
    %swap3A_248 = vector.load %arg2[%swap3A_246, %swap3A_247] : memref<16384x128xf32, #tpu.memory_space<vmem>>, vector<128x64xf32>
    tpu.vector_store %arg2[%swap3A_246, %swap3A_247], %transpose3A_245 {strides = array<i32>} : memref<16384x128xf32, #tpu.memory_space<vmem>>, vector<128x64xf32>,
    %get3A_249 = arith.constant 0 : index
    %get3A_250 = arith.constant 4608 : index
    %get3A_251 = vector.load %arg1[%get3A_249, %get3A_250] : memref<64x32768xf32, #tpu.memory_space<vmem>>, vector<64x128xf32>
    %get3A_252 = arith.constant 0 : index
    %get3A_253 = arith.constant 4736 : index
    %get3A_254 = vector.load %arg1[%get3A_252, %get3A_253] : memref<64x32768xf32, #tpu.memory_space<vmem>>, vector<64x128xf32>
    %transpose3A_255 = tpu.transpose %get3A_251, [1, 0] : vector<64x128xf32> -> vector<128x64xf32>
    %swap3A_256 = arith.constant 2304 : index
    %swap3A_257 = arith.constant 0 : index
    %swap3A_258 = vector.load %arg2[%swap3A_256, %swap3A_257] : memref<16384x128xf32, #tpu.memory_space<vmem>>, vector<128x64xf32>
    tpu.vector_store %arg2[%swap3A_256, %swap3A_257], %transpose3A_255 {strides = array<i32>} : memref<16384x128xf32, #tpu.memory_space<vmem>>, vector<128x64xf32>,
    %transpose3A_259 = tpu.transpose %get3A_254, [1, 0] : vector<64x128xf32> -> vector<128x64xf32>
    %swap3A_260 = arith.constant 2304 : index
    %swap3A_261 = arith.constant 64 : index
    %swap3A_262 = vector.load %arg2[%swap3A_260, %swap3A_261] : memref<16384x128xf32, #tpu.memory_space<vmem>>, vector<128x64xf32>
    tpu.vector_store %arg2[%swap3A_260, %swap3A_261], %transpose3A_259 {strides = array<i32>} : memref<16384x128xf32, #tpu.memory_space<vmem>>, vector<128x64xf32>,
    %get3A_263 = arith.constant 0 : index
    %get3A_264 = arith.constant 4864 : index
    %get3A_265 = vector.load %arg1[%get3A_263, %get3A_264] : memref<64x32768xf32, #tpu.memory_space<vmem>>, vector<64x128xf32>
    %get3A_266 = arith.constant 0 : index
    %get3A_267 = arith.constant 4992 : index
    %get3A_268 = vector.load %arg1[%get3A_266, %get3A_267] : memref<64x32768xf32, #tpu.memory_space<vmem>>, vector<64x128xf32>
    %transpose3A_269 = tpu.transpose %get3A_265, [1, 0] : vector<64x128xf32> -> vector<128x64xf32>
    %swap3A_270 = arith.constant 2432 : index
    %swap3A_271 = arith.constant 0 : index
    %swap3A_272 = vector.load %arg2[%swap3A_270, %swap3A_271] : memref<16384x128xf32, #tpu.memory_space<vmem>>, vector<128x64xf32>
    tpu.vector_store %arg2[%swap3A_270, %swap3A_271], %transpose3A_269 {strides = array<i32>} : memref<16384x128xf32, #tpu.memory_space<vmem>>, vector<128x64xf32>,
    %transpose3A_273 = tpu.transpose %get3A_268, [1, 0] : vector<64x128xf32> -> vector<128x64xf32>
    %swap3A_274 = arith.constant 2432 : index
    %swap3A_275 = arith.constant 64 : index
    %swap3A_276 = vector.load %arg2[%swap3A_274, %swap3A_275] : memref<16384x128xf32, #tpu.memory_space<vmem>>, vector<128x64xf32>
    tpu.vector_store %arg2[%swap3A_274, %swap3A_275], %transpose3A_273 {strides = array<i32>} : memref<16384x128xf32, #tpu.memory_space<vmem>>, vector<128x64xf32>,
    %get3A_277 = arith.constant 0 : index
    %get3A_278 = arith.constant 5120 : index
    %get3A_279 = vector.load %arg1[%get3A_277, %get3A_278] : memref<64x32768xf32, #tpu.memory_space<vmem>>, vector<64x128xf32>
    %get3A_280 = arith.constant 0 : index
    %get3A_281 = arith.constant 5248 : index
    %get3A_282 = vector.load %arg1[%get3A_280, %get3A_281] : memref<64x32768xf32, #tpu.memory_space<vmem>>, vector<64x128xf32>
    %transpose3A_283 = tpu.transpose %get3A_279, [1, 0] : vector<64x128xf32> -> vector<128x64xf32>
    %swap3A_284 = arith.constant 2560 : index
    %swap3A_285 = arith.constant 0 : index
    %swap3A_286 = vector.load %arg2[%swap3A_284, %swap3A_285] : memref<16384x128xf32, #tpu.memory_space<vmem>>, vector<128x64xf32>
    tpu.vector_store %arg2[%swap3A_284, %swap3A_285], %transpose3A_283 {strides = array<i32>} : memref<16384x128xf32, #tpu.memory_space<vmem>>, vector<128x64xf32>,
    %transpose3A_287 = tpu.transpose %get3A_282, [1, 0] : vector<64x128xf32> -> vector<128x64xf32>
    %swap3A_288 = arith.constant 2560 : index
    %swap3A_289 = arith.constant 64 : index
    %swap3A_290 = vector.load %arg2[%swap3A_288, %swap3A_289] : memref<16384x128xf32, #tpu.memory_space<vmem>>, vector<128x64xf32>
    tpu.vector_store %arg2[%swap3A_288, %swap3A_289], %transpose3A_287 {strides = array<i32>} : memref<16384x128xf32, #tpu.memory_space<vmem>>, vector<128x64xf32>,
    %get3A_291 = arith.constant 0 : index
    %get3A_292 = arith.constant 5376 : index
    %get3A_293 = vector.load %arg1[%get3A_291, %get3A_292] : memref<64x32768xf32, #tpu.memory_space<vmem>>, vector<64x128xf32>
    %get3A_294 = arith.constant 0 : index
    %get3A_295 = arith.constant 5504 : index
    %get3A_296 = vector.load %arg1[%get3A_294, %get3A_295] : memref<64x32768xf32, #tpu.memory_space<vmem>>, vector<64x128xf32>
    %transpose3A_297 = tpu.transpose %get3A_293, [1, 0] : vector<64x128xf32> -> vector<128x64xf32>
    %swap3A_298 = arith.constant 2688 : index
    %swap3A_299 = arith.constant 0 : index
    %swap3A_300 = vector.load %arg2[%swap3A_298, %swap3A_299] : memref<16384x128xf32, #tpu.memory_space<vmem>>, vector<128x64xf32>
    tpu.vector_store %arg2[%swap3A_298, %swap3A_299], %transpose3A_297 {strides = array<i32>} : memref<16384x128xf32, #tpu.memory_space<vmem>>, vector<128x64xf32>,
    %transpose3A_301 = tpu.transpose %get3A_296, [1, 0] : vector<64x128xf32> -> vector<128x64xf32>
    %swap3A_302 = arith.constant 2688 : index
    %swap3A_303 = arith.constant 64 : index
    %swap3A_304 = vector.load %arg2[%swap3A_302, %swap3A_303] : memref<16384x128xf32, #tpu.memory_space<vmem>>, vector<128x64xf32>
    tpu.vector_store %arg2[%swap3A_302, %swap3A_303], %transpose3A_301 {strides = array<i32>} : memref<16384x128xf32, #tpu.memory_space<vmem>>, vector<128x64xf32>,
    %get3A_305 = arith.constant 0 : index
    %get3A_306 = arith.constant 5632 : index
    %get3A_307 = vector.load %arg1[%get3A_305, %get3A_306] : memref<64x32768xf32, #tpu.memory_space<vmem>>, vector<64x128xf32>
    %get3A_308 = arith.constant 0 : index
    %get3A_309 = arith.constant 5760 : index
    %get3A_310 = vector.load %arg1[%get3A_308, %get3A_309] : memref<64x32768xf32, #tpu.memory_space<vmem>>, vector<64x128xf32>
    %transpose3A_311 = tpu.transpose %get3A_307, [1, 0] : vector<64x128xf32> -> vector<128x64xf32>
    %swap3A_312 = arith.constant 2816 : index
    %swap3A_313 = arith.constant 0 : index
    %swap3A_314 = vector.load %arg2[%swap3A_312, %swap3A_313] : memref<16384x128xf32, #tpu.memory_space<vmem>>, vector<128x64xf32>
    tpu.vector_store %arg2[%swap3A_312, %swap3A_313], %transpose3A_311 {strides = array<i32>} : memref<16384x128xf32, #tpu.memory_space<vmem>>, vector<128x64xf32>,
    %transpose3A_315 = tpu.transpose %get3A_310, [1, 0] : vector<64x128xf32> -> vector<128x64xf32>
    %swap3A_316 = arith.constant 2816 : index
    %swap3A_317 = arith.constant 64 : index
    %swap3A_318 = vector.load %arg2[%swap3A_316, %swap3A_317] : memref<16384x128xf32, #tpu.memory_space<vmem>>, vector<128x64xf32>
    tpu.vector_store %arg2[%swap3A_316, %swap3A_317], %transpose3A_315 {strides = array<i32>} : memref<16384x128xf32, #tpu.memory_space<vmem>>, vector<128x64xf32>,
    %get3A_319 = arith.constant 0 : index
    %get3A_320 = arith.constant 5888 : index
    %get3A_321 = vector.load %arg1[%get3A_319, %get3A_320] : memref<64x32768xf32, #tpu.memory_space<vmem>>, vector<64x128xf32>
    %get3A_322 = arith.constant 0 : index
    %get3A_323 = arith.constant 6016 : index
    %get3A_324 = vector.load %arg1[%get3A_322, %get3A_323] : memref<64x32768xf32, #tpu.memory_space<vmem>>, vector<64x128xf32>
    %transpose3A_325 = tpu.transpose %get3A_321, [1, 0] : vector<64x128xf32> -> vector<128x64xf32>
    %swap3A_326 = arith.constant 2944 : index
    %swap3A_327 = arith.constant 0 : index
    %swap3A_328 = vector.load %arg2[%swap3A_326, %swap3A_327] : memref<16384x128xf32, #tpu.memory_space<vmem>>, vector<128x64xf32>
    tpu.vector_store %arg2[%swap3A_326, %swap3A_327], %transpose3A_325 {strides = array<i32>} : memref<16384x128xf32, #tpu.memory_space<vmem>>, vector<128x64xf32>,
    %transpose3A_329 = tpu.transpose %get3A_324, [1, 0] : vector<64x128xf32> -> vector<128x64xf32>
    %swap3A_330 = arith.constant 2944 : index
    %swap3A_331 = arith.constant 64 : index
    %swap3A_332 = vector.load %arg2[%swap3A_330, %swap3A_331] : memref<16384x128xf32, #tpu.memory_space<vmem>>, vector<128x64xf32>
    tpu.vector_store %arg2[%swap3A_330, %swap3A_331], %transpose3A_329 {strides = array<i32>} : memref<16384x128xf32, #tpu.memory_space<vmem>>, vector<128x64xf32>,
    %get3A_333 = arith.constant 0 : index
    %get3A_334 = arith.constant 6144 : index
    %get3A_335 = vector.load %arg1[%get3A_333, %get3A_334] : memref<64x32768xf32, #tpu.memory_space<vmem>>, vector<64x128xf32>
    %get3A_336 = arith.constant 0 : index
    %get3A_337 = arith.constant 6272 : index
    %get3A_338 = vector.load %arg1[%get3A_336, %get3A_337] : memref<64x32768xf32, #tpu.memory_space<vmem>>, vector<64x128xf32>
    %transpose3A_339 = tpu.transpose %get3A_335, [1, 0] : vector<64x128xf32> -> vector<128x64xf32>
    %swap3A_340 = arith.constant 3072 : index
    %swap3A_341 = arith.constant 0 : index
    %swap3A_342 = vector.load %arg2[%swap3A_340, %swap3A_341] : memref<16384x128xf32, #tpu.memory_space<vmem>>, vector<128x64xf32>
    tpu.vector_store %arg2[%swap3A_340, %swap3A_341], %transpose3A_339 {strides = array<i32>} : memref<16384x128xf32, #tpu.memory_space<vmem>>, vector<128x64xf32>,
    %transpose3A_343 = tpu.transpose %get3A_338, [1, 0] : vector<64x128xf32> -> vector<128x64xf32>
    %swap3A_344 = arith.constant 3072 : index
    %swap3A_345 = arith.constant 64 : index
    %swap3A_346 = vector.load %arg2[%swap3A_344, %swap3A_345] : memref<16384x128xf32, #tpu.memory_space<vmem>>, vector<128x64xf32>
    tpu.vector_store %arg2[%swap3A_344, %swap3A_345], %transpose3A_343 {strides = array<i32>} : memref<16384x128xf32, #tpu.memory_space<vmem>>, vector<128x64xf32>,
    %get3A_347 = arith.constant 0 : index
    %get3A_348 = arith.constant 6400 : index
    %get3A_349 = vector.load %arg1[%get3A_347, %get3A_348] : memref<64x32768xf32, #tpu.memory_space<vmem>>, vector<64x128xf32>
    %get3A_350 = arith.constant 0 : index
    %get3A_351 = arith.constant 6528 : index
    %get3A_352 = vector.load %arg1[%get3A_350, %get3A_351] : memref<64x32768xf32, #tpu.memory_space<vmem>>, vector<64x128xf32>
    %transpose3A_353 = tpu.transpose %get3A_349, [1, 0] : vector<64x128xf32> -> vector<128x64xf32>
    %swap3A_354 = arith.constant 3200 : index
    %swap3A_355 = arith.constant 0 : index
    %swap3A_356 = vector.load %arg2[%swap3A_354, %swap3A_355] : memref<16384x128xf32, #tpu.memory_space<vmem>>, vector<128x64xf32>
    tpu.vector_store %arg2[%swap3A_354, %swap3A_355], %transpose3A_353 {strides = array<i32>} : memref<16384x128xf32, #tpu.memory_space<vmem>>, vector<128x64xf32>,
    %transpose3A_357 = tpu.transpose %get3A_352, [1, 0] : vector<64x128xf32> -> vector<128x64xf32>
    %swap3A_358 = arith.constant 3200 : index
    %swap3A_359 = arith.constant 64 : index
    %swap3A_360 = vector.load %arg2[%swap3A_358, %swap3A_359] : memref<16384x128xf32, #tpu.memory_space<vmem>>, vector<128x64xf32>
    tpu.vector_store %arg2[%swap3A_358, %swap3A_359], %transpose3A_357 {strides = array<i32>} : memref<16384x128xf32, #tpu.memory_space<vmem>>, vector<128x64xf32>,
    %get3A_361 = arith.constant 0 : index
    %get3A_362 = arith.constant 6656 : index
    %get3A_363 = vector.load %arg1[%get3A_361, %get3A_362] : memref<64x32768xf32, #tpu.memory_space<vmem>>, vector<64x128xf32>
    %get3A_364 = arith.constant 0 : index
    %get3A_365 = arith.constant 6784 : index
    %get3A_366 = vector.load %arg1[%get3A_364, %get3A_365] : memref<64x32768xf32, #tpu.memory_space<vmem>>, vector<64x128xf32>
    %transpose3A_367 = tpu.transpose %get3A_363, [1, 0] : vector<64x128xf32> -> vector<128x64xf32>
    %swap3A_368 = arith.constant 3328 : index
    %swap3A_369 = arith.constant 0 : index
    %swap3A_370 = vector.load %arg2[%swap3A_368, %swap3A_369] : memref<16384x128xf32, #tpu.memory_space<vmem>>, vector<128x64xf32>
    tpu.vector_store %arg2[%swap3A_368, %swap3A_369], %transpose3A_367 {strides = array<i32>} : memref<16384x128xf32, #tpu.memory_space<vmem>>, vector<128x64xf32>,
    %transpose3A_371 = tpu.transpose %get3A_366, [1, 0] : vector<64x128xf32> -> vector<128x64xf32>
    %swap3A_372 = arith.constant 3328 : index
    %swap3A_373 = arith.constant 64 : index
    %swap3A_374 = vector.load %arg2[%swap3A_372, %swap3A_373] : memref<16384x128xf32, #tpu.memory_space<vmem>>, vector<128x64xf32>
    tpu.vector_store %arg2[%swap3A_372, %swap3A_373], %transpose3A_371 {strides = array<i32>} : memref<16384x128xf32, #tpu.memory_space<vmem>>, vector<128x64xf32>,
    %get3A_375 = arith.constant 0 : index
    %get3A_376 = arith.constant 6912 : index
    %get3A_377 = vector.load %arg1[%get3A_375, %get3A_376] : memref<64x32768xf32, #tpu.memory_space<vmem>>, vector<64x128xf32>
    %get3A_378 = arith.constant 0 : index
    %get3A_379 = arith.constant 7040 : index
    %get3A_380 = vector.load %arg1[%get3A_378, %get3A_379] : memref<64x32768xf32, #tpu.memory_space<vmem>>, vector<64x128xf32>
    %transpose3A_381 = tpu.transpose %get3A_377, [1, 0] : vector<64x128xf32> -> vector<128x64xf32>
    %swap3A_382 = arith.constant 3456 : index
    %swap3A_383 = arith.constant 0 : index
    %swap3A_384 = vector.load %arg2[%swap3A_382, %swap3A_383] : memref<16384x128xf32, #tpu.memory_space<vmem>>, vector<128x64xf32>
    tpu.vector_store %arg2[%swap3A_382, %swap3A_383], %transpose3A_381 {strides = array<i32>} : memref<16384x128xf32, #tpu.memory_space<vmem>>, vector<128x64xf32>,
    %transpose3A_385 = tpu.transpose %get3A_380, [1, 0] : vector<64x128xf32> -> vector<128x64xf32>
    %swap3A_386 = arith.constant 3456 : index
    %swap3A_387 = arith.constant 64 : index
    %swap3A_388 = vector.load %arg2[%swap3A_386, %swap3A_387] : memref<16384x128xf32, #tpu.memory_space<vmem>>, vector<128x64xf32>
    tpu.vector_store %arg2[%swap3A_386, %swap3A_387], %transpose3A_385 {strides = array<i32>} : memref<16384x128xf32, #tpu.memory_space<vmem>>, vector<128x64xf32>,
    %get3A_389 = arith.constant 0 : index
    %get3A_390 = arith.constant 7168 : index
    %get3A_391 = vector.load %arg1[%get3A_389, %get3A_390] : memref<64x32768xf32, #tpu.memory_space<vmem>>, vector<64x128xf32>
    %get3A_392 = arith.constant 0 : index
    %get3A_393 = arith.constant 7296 : index
    %get3A_394 = vector.load %arg1[%get3A_392, %get3A_393] : memref<64x32768xf32, #tpu.memory_space<vmem>>, vector<64x128xf32>
    %transpose3A_395 = tpu.transpose %get3A_391, [1, 0] : vector<64x128xf32> -> vector<128x64xf32>
    %swap3A_396 = arith.constant 3584 : index
    %swap3A_397 = arith.constant 0 : index
    %swap3A_398 = vector.load %arg2[%swap3A_396, %swap3A_397] : memref<16384x128xf32, #tpu.memory_space<vmem>>, vector<128x64xf32>
    tpu.vector_store %arg2[%swap3A_396, %swap3A_397], %transpose3A_395 {strides = array<i32>} : memref<16384x128xf32, #tpu.memory_space<vmem>>, vector<128x64xf32>,
    %transpose3A_399 = tpu.transpose %get3A_394, [1, 0] : vector<64x128xf32> -> vector<128x64xf32>
    %swap3A_400 = arith.constant 3584 : index
    %swap3A_401 = arith.constant 64 : index
    %swap3A_402 = vector.load %arg2[%swap3A_400, %swap3A_401] : memref<16384x128xf32, #tpu.memory_space<vmem>>, vector<128x64xf32>
    tpu.vector_store %arg2[%swap3A_400, %swap3A_401], %transpose3A_399 {strides = array<i32>} : memref<16384x128xf32, #tpu.memory_space<vmem>>, vector<128x64xf32>,
    %get3A_403 = arith.constant 0 : index
    %get3A_404 = arith.constant 7424 : index
    %get3A_405 = vector.load %arg1[%get3A_403, %get3A_404] : memref<64x32768xf32, #tpu.memory_space<vmem>>, vector<64x128xf32>
    %get3A_406 = arith.constant 0 : index
    %get3A_407 = arith.constant 7552 : index
    %get3A_408 = vector.load %arg1[%get3A_406, %get3A_407] : memref<64x32768xf32, #tpu.memory_space<vmem>>, vector<64x128xf32>
    %transpose3A_409 = tpu.transpose %get3A_405, [1, 0] : vector<64x128xf32> -> vector<128x64xf32>
    %swap3A_410 = arith.constant 3712 : index
    %swap3A_411 = arith.constant 0 : index
    %swap3A_412 = vector.load %arg2[%swap3A_410, %swap3A_411] : memref<16384x128xf32, #tpu.memory_space<vmem>>, vector<128x64xf32>
    tpu.vector_store %arg2[%swap3A_410, %swap3A_411], %transpose3A_409 {strides = array<i32>} : memref<16384x128xf32, #tpu.memory_space<vmem>>, vector<128x64xf32>,
    %transpose3A_413 = tpu.transpose %get3A_408, [1, 0] : vector<64x128xf32> -> vector<128x64xf32>
    %swap3A_414 = arith.constant 3712 : index
    %swap3A_415 = arith.constant 64 : index
    %swap3A_416 = vector.load %arg2[%swap3A_414, %swap3A_415] : memref<16384x128xf32, #tpu.memory_space<vmem>>, vector<128x64xf32>
    tpu.vector_store %arg2[%swap3A_414, %swap3A_415], %transpose3A_413 {strides = array<i32>} : memref<16384x128xf32, #tpu.memory_space<vmem>>, vector<128x64xf32>,
    %get3A_417 = arith.constant 0 : index
    %get3A_418 = arith.constant 7680 : index
    %get3A_419 = vector.load %arg1[%get3A_417, %get3A_418] : memref<64x32768xf32, #tpu.memory_space<vmem>>, vector<64x128xf32>
    %get3A_420 = arith.constant 0 : index
    %get3A_421 = arith.constant 7808 : index
    %get3A_422 = vector.load %arg1[%get3A_420, %get3A_421] : memref<64x32768xf32, #tpu.memory_space<vmem>>, vector<64x128xf32>
    %transpose3A_423 = tpu.transpose %get3A_419, [1, 0] : vector<64x128xf32> -> vector<128x64xf32>
    %swap3A_424 = arith.constant 3840 : index
    %swap3A_425 = arith.constant 0 : index
    %swap3A_426 = vector.load %arg2[%swap3A_424, %swap3A_425] : memref<16384x128xf32, #tpu.memory_space<vmem>>, vector<128x64xf32>
    tpu.vector_store %arg2[%swap3A_424, %swap3A_425], %transpose3A_423 {strides = array<i32>} : memref<16384x128xf32, #tpu.memory_space<vmem>>, vector<128x64xf32>,
    %transpose3A_427 = tpu.transpose %get3A_422, [1, 0] : vector<64x128xf32> -> vector<128x64xf32>
    %swap3A_428 = arith.constant 3840 : index
    %swap3A_429 = arith.constant 64 : index
    %swap3A_430 = vector.load %arg2[%swap3A_428, %swap3A_429] : memref<16384x128xf32, #tpu.memory_space<vmem>>, vector<128x64xf32>
    tpu.vector_store %arg2[%swap3A_428, %swap3A_429], %transpose3A_427 {strides = array<i32>} : memref<16384x128xf32, #tpu.memory_space<vmem>>, vector<128x64xf32>,
    %get3A_431 = arith.constant 0 : index
    %get3A_432 = arith.constant 7936 : index
    %get3A_433 = vector.load %arg1[%get3A_431, %get3A_432] : memref<64x32768xf32, #tpu.memory_space<vmem>>, vector<64x128xf32>
    %get3A_434 = arith.constant 0 : index
    %get3A_435 = arith.constant 8064 : index
    %get3A_436 = vector.load %arg1[%get3A_434, %get3A_435] : memref<64x32768xf32, #tpu.memory_space<vmem>>, vector<64x128xf32>
    %transpose3A_437 = tpu.transpose %get3A_433, [1, 0] : vector<64x128xf32> -> vector<128x64xf32>
    %swap3A_438 = arith.constant 3968 : index
    %swap3A_439 = arith.constant 0 : index
    %swap3A_440 = vector.load %arg2[%swap3A_438, %swap3A_439] : memref<16384x128xf32, #tpu.memory_space<vmem>>, vector<128x64xf32>
    tpu.vector_store %arg2[%swap3A_438, %swap3A_439], %transpose3A_437 {strides = array<i32>} : memref<16384x128xf32, #tpu.memory_space<vmem>>, vector<128x64xf32>,
    %transpose3A_441 = tpu.transpose %get3A_436, [1, 0] : vector<64x128xf32> -> vector<128x64xf32>
    %swap3A_442 = arith.constant 3968 : index
    %swap3A_443 = arith.constant 64 : index
    %swap3A_444 = vector.load %arg2[%swap3A_442, %swap3A_443] : memref<16384x128xf32, #tpu.memory_space<vmem>>, vector<128x64xf32>
    tpu.vector_store %arg2[%swap3A_442, %swap3A_443], %transpose3A_441 {strides = array<i32>} : memref<16384x128xf32, #tpu.memory_space<vmem>>, vector<128x64xf32>,
    %get3A_445 = arith.constant 0 : index
    %get3A_446 = arith.constant 8192 : index
    %get3A_447 = vector.load %arg1[%get3A_445, %get3A_446] : memref<64x32768xf32, #tpu.memory_space<vmem>>, vector<64x128xf32>
    %get3A_448 = arith.constant 0 : index
    %get3A_449 = arith.constant 8320 : index
    %get3A_450 = vector.load %arg1[%get3A_448, %get3A_449] : memref<64x32768xf32, #tpu.memory_space<vmem>>, vector<64x128xf32>
    %transpose3A_451 = tpu.transpose %get3A_447, [1, 0] : vector<64x128xf32> -> vector<128x64xf32>
    %swap3A_452 = arith.constant 4096 : index
    %swap3A_453 = arith.constant 0 : index
    %swap3A_454 = vector.load %arg2[%swap3A_452, %swap3A_453] : memref<16384x128xf32, #tpu.memory_space<vmem>>, vector<128x64xf32>
    tpu.vector_store %arg2[%swap3A_452, %swap3A_453], %transpose3A_451 {strides = array<i32>} : memref<16384x128xf32, #tpu.memory_space<vmem>>, vector<128x64xf32>,
    %transpose3A_455 = tpu.transpose %get3A_450, [1, 0] : vector<64x128xf32> -> vector<128x64xf32>
    %swap3A_456 = arith.constant 4096 : index
    %swap3A_457 = arith.constant 64 : index
    %swap3A_458 = vector.load %arg2[%swap3A_456, %swap3A_457] : memref<16384x128xf32, #tpu.memory_space<vmem>>, vector<128x64xf32>
    tpu.vector_store %arg2[%swap3A_456, %swap3A_457], %transpose3A_455 {strides = array<i32>} : memref<16384x128xf32, #tpu.memory_space<vmem>>, vector<128x64xf32>,
    %get3A_459 = arith.constant 0 : index
    %get3A_460 = arith.constant 8448 : index
    %get3A_461 = vector.load %arg1[%get3A_459, %get3A_460] : memref<64x32768xf32, #tpu.memory_space<vmem>>, vector<64x128xf32>
    %get3A_462 = arith.constant 0 : index
    %get3A_463 = arith.constant 8576 : index
    %get3A_464 = vector.load %arg1[%get3A_462, %get3A_463] : memref<64x32768xf32, #tpu.memory_space<vmem>>, vector<64x128xf32>
    %transpose3A_465 = tpu.transpose %get3A_461, [1, 0] : vector<64x128xf32> -> vector<128x64xf32>
    %swap3A_466 = arith.constant 4224 : index
    %swap3A_467 = arith.constant 0 : index
    %swap3A_468 = vector.load %arg2[%swap3A_466, %swap3A_467] : memref<16384x128xf32, #tpu.memory_space<vmem>>, vector<128x64xf32>
    tpu.vector_store %arg2[%swap3A_466, %swap3A_467], %transpose3A_465 {strides = array<i32>} : memref<16384x128xf32, #tpu.memory_space<vmem>>, vector<128x64xf32>,
    %transpose3A_469 = tpu.transpose %get3A_464, [1, 0] : vector<64x128xf32> -> vector<128x64xf32>
    %swap3A_470 = arith.constant 4224 : index
    %swap3A_471 = arith.constant 64 : index
    %swap3A_472 = vector.load %arg2[%swap3A_470, %swap3A_471] : memref<16384x128xf32, #tpu.memory_space<vmem>>, vector<128x64xf32>
    tpu.vector_store %arg2[%swap3A_470, %swap3A_471], %transpose3A_469 {strides = array<i32>} : memref<16384x128xf32, #tpu.memory_space<vmem>>, vector<128x64xf32>,
    %get3A_473 = arith.constant 0 : index
    %get3A_474 = arith.constant 8704 : index
    %get3A_475 = vector.load %arg1[%get3A_473, %get3A_474] : memref<64x32768xf32, #tpu.memory_space<vmem>>, vector<64x128xf32>
    %get3A_476 = arith.constant 0 : index
    %get3A_477 = arith.constant 8832 : index
    %get3A_478 = vector.load %arg1[%get3A_476, %get3A_477] : memref<64x32768xf32, #tpu.memory_space<vmem>>, vector<64x128xf32>
    %transpose3A_479 = tpu.transpose %get3A_475, [1, 0] : vector<64x128xf32> -> vector<128x64xf32>
    %swap3A_480 = arith.constant 4352 : index
    %swap3A_481 = arith.constant 0 : index
    %swap3A_482 = vector.load %arg2[%swap3A_480, %swap3A_481] : memref<16384x128xf32, #tpu.memory_space<vmem>>, vector<128x64xf32>
    tpu.vector_store %arg2[%swap3A_480, %swap3A_481], %transpose3A_479 {strides = array<i32>} : memref<16384x128xf32, #tpu.memory_space<vmem>>, vector<128x64xf32>,
    %transpose3A_483 = tpu.transpose %get3A_478, [1, 0] : vector<64x128xf32> -> vector<128x64xf32>
    %swap3A_484 = arith.constant 4352 : index
    %swap3A_485 = arith.constant 64 : index
    %swap3A_486 = vector.load %arg2[%swap3A_484, %swap3A_485] : memref<16384x128xf32, #tpu.memory_space<vmem>>, vector<128x64xf32>
    tpu.vector_store %arg2[%swap3A_484, %swap3A_485], %transpose3A_483 {strides = array<i32>} : memref<16384x128xf32, #tpu.memory_space<vmem>>, vector<128x64xf32>,
    %get3A_487 = arith.constant 0 : index
    %get3A_488 = arith.constant 8960 : index
    %get3A_489 = vector.load %arg1[%get3A_487, %get3A_488] : memref<64x32768xf32, #tpu.memory_space<vmem>>, vector<64x128xf32>
    %get3A_490 = arith.constant 0 : index
    %get3A_491 = arith.constant 9088 : index
    %get3A_492 = vector.load %arg1[%get3A_490, %get3A_491] : memref<64x32768xf32, #tpu.memory_space<vmem>>, vector<64x128xf32>
    %transpose3A_493 = tpu.transpose %get3A_489, [1, 0] : vector<64x128xf32> -> vector<128x64xf32>
    %swap3A_494 = arith.constant 4480 : index
    %swap3A_495 = arith.constant 0 : index
    %swap3A_496 = vector.load %arg2[%swap3A_494, %swap3A_495] : memref<16384x128xf32, #tpu.memory_space<vmem>>, vector<128x64xf32>
    tpu.vector_store %arg2[%swap3A_494, %swap3A_495], %transpose3A_493 {strides = array<i32>} : memref<16384x128xf32, #tpu.memory_space<vmem>>, vector<128x64xf32>,
    %transpose3A_497 = tpu.transpose %get3A_492, [1, 0] : vector<64x128xf32> -> vector<128x64xf32>
    %swap3A_498 = arith.constant 4480 : index
    %swap3A_499 = arith.constant 64 : index
    %swap3A_500 = vector.load %arg2[%swap3A_498, %swap3A_499] : memref<16384x128xf32, #tpu.memory_space<vmem>>, vector<128x64xf32>
    tpu.vector_store %arg2[%swap3A_498, %swap3A_499], %transpose3A_497 {strides = array<i32>} : memref<16384x128xf32, #tpu.memory_space<vmem>>, vector<128x64xf32>,
    %get3A_501 = arith.constant 0 : index
    %get3A_502 = arith.constant 9216 : index
    %get3A_503 = vector.load %arg1[%get3A_501, %get3A_502] : memref<64x32768xf32, #tpu.memory_space<vmem>>, vector<64x128xf32>
    %get3A_504 = arith.constant 0 : index
    %get3A_505 = arith.constant 9344 : index
    %get3A_506 = vector.load %arg1[%get3A_504, %get3A_505] : memref<64x32768xf32, #tpu.memory_space<vmem>>, vector<64x128xf32>
    %transpose3A_507 = tpu.transpose %get3A_503, [1, 0] : vector<64x128xf32> -> vector<128x64xf32>
    %swap3A_508 = arith.constant 4608 : index
    %swap3A_509 = arith.constant 0 : index
    %swap3A_510 = vector.load %arg2[%swap3A_508, %swap3A_509] : memref<16384x128xf32, #tpu.memory_space<vmem>>, vector<128x64xf32>
    tpu.vector_store %arg2[%swap3A_508, %swap3A_509], %transpose3A_507 {strides = array<i32>} : memref<16384x128xf32, #tpu.memory_space<vmem>>, vector<128x64xf32>,
    %transpose3A_511 = tpu.transpose %get3A_506, [1, 0] : vector<64x128xf32> -> vector<128x64xf32>
    %swap3A_512 = arith.constant 4608 : index
    %swap3A_513 = arith.constant 64 : index
    %swap3A_514 = vector.load %arg2[%swap3A_512, %swap3A_513] : memref<16384x128xf32, #tpu.memory_space<vmem>>, vector<128x64xf32>
    tpu.vector_store %arg2[%swap3A_512, %swap3A_513], %transpose3A_511 {strides = array<i32>} : memref<16384x128xf32, #tpu.memory_space<vmem>>, vector<128x64xf32>,
    %get3A_515 = arith.constant 0 : index
    %get3A_516 = arith.constant 9472 : index
    %get3A_517 = vector.load %arg1[%get3A_515, %get3A_516] : memref<64x32768xf32, #tpu.memory_space<vmem>>, vector<64x128xf32>
    %get3A_518 = arith.constant 0 : index
    %get3A_519 = arith.constant 9600 : index
    %get3A_520 = vector.load %arg1[%get3A_518, %get3A_519] : memref<64x32768xf32, #tpu.memory_space<vmem>>, vector<64x128xf32>
    %transpose3A_521 = tpu.transpose %get3A_517, [1, 0] : vector<64x128xf32> -> vector<128x64xf32>
    %swap3A_522 = arith.constant 4736 : index
    %swap3A_523 = arith.constant 0 : index
    %swap3A_524 = vector.load %arg2[%swap3A_522, %swap3A_523] : memref<16384x128xf32, #tpu.memory_space<vmem>>, vector<128x64xf32>
    tpu.vector_store %arg2[%swap3A_522, %swap3A_523], %transpose3A_521 {strides = array<i32>} : memref<16384x128xf32, #tpu.memory_space<vmem>>, vector<128x64xf32>,
    %transpose3A_525 = tpu.transpose %get3A_520, [1, 0] : vector<64x128xf32> -> vector<128x64xf32>
    %swap3A_526 = arith.constant 4736 : index
    %swap3A_527 = arith.constant 64 : index
    %swap3A_528 = vector.load %arg2[%swap3A_526, %swap3A_527] : memref<16384x128xf32, #tpu.memory_space<vmem>>, vector<128x64xf32>
    tpu.vector_store %arg2[%swap3A_526, %swap3A_527], %transpose3A_525 {strides = array<i32>} : memref<16384x128xf32, #tpu.memory_space<vmem>>, vector<128x64xf32>,
    %get3A_529 = arith.constant 0 : index
    %get3A_530 = arith.constant 9728 : index
    %get3A_531 = vector.load %arg1[%get3A_529, %get3A_530] : memref<64x32768xf32, #tpu.memory_space<vmem>>, vector<64x128xf32>
    %get3A_532 = arith.constant 0 : index
    %get3A_533 = arith.constant 9856 : index
    %get3A_534 = vector.load %arg1[%get3A_532, %get3A_533] : memref<64x32768xf32, #tpu.memory_space<vmem>>, vector<64x128xf32>
    %transpose3A_535 = tpu.transpose %get3A_531, [1, 0] : vector<64x128xf32> -> vector<128x64xf32>
    %swap3A_536 = arith.constant 4864 : index
    %swap3A_537 = arith.constant 0 : index
    %swap3A_538 = vector.load %arg2[%swap3A_536, %swap3A_537] : memref<16384x128xf32, #tpu.memory_space<vmem>>, vector<128x64xf32>
    tpu.vector_store %arg2[%swap3A_536, %swap3A_537], %transpose3A_535 {strides = array<i32>} : memref<16384x128xf32, #tpu.memory_space<vmem>>, vector<128x64xf32>,
    %transpose3A_539 = tpu.transpose %get3A_534, [1, 0] : vector<64x128xf32> -> vector<128x64xf32>
    %swap3A_540 = arith.constant 4864 : index
    %swap3A_541 = arith.constant 64 : index
    %swap3A_542 = vector.load %arg2[%swap3A_540, %swap3A_541] : memref<16384x128xf32, #tpu.memory_space<vmem>>, vector<128x64xf32>
    tpu.vector_store %arg2[%swap3A_540, %swap3A_541], %transpose3A_539 {strides = array<i32>} : memref<16384x128xf32, #tpu.memory_space<vmem>>, vector<128x64xf32>,
    %get3A_543 = arith.constant 0 : index
    %get3A_544 = arith.constant 9984 : index
    %get3A_545 = vector.load %arg1[%get3A_543, %get3A_544] : memref<64x32768xf32, #tpu.memory_space<vmem>>, vector<64x128xf32>
    %get3A_546 = arith.constant 0 : index
    %get3A_547 = arith.constant 10112 : index
    %get3A_548 = vector.load %arg1[%get3A_546, %get3A_547] : memref<64x32768xf32, #tpu.memory_space<vmem>>, vector<64x128xf32>
    %transpose3A_549 = tpu.transpose %get3A_545, [1, 0] : vector<64x128xf32> -> vector<128x64xf32>
    %swap3A_550 = arith.constant 4992 : index
    %swap3A_551 = arith.constant 0 : index
    %swap3A_552 = vector.load %arg2[%swap3A_550, %swap3A_551] : memref<16384x128xf32, #tpu.memory_space<vmem>>, vector<128x64xf32>
    tpu.vector_store %arg2[%swap3A_550, %swap3A_551], %transpose3A_549 {strides = array<i32>} : memref<16384x128xf32, #tpu.memory_space<vmem>>, vector<128x64xf32>,
    %transpose3A_553 = tpu.transpose %get3A_548, [1, 0] : vector<64x128xf32> -> vector<128x64xf32>
    %swap3A_554 = arith.constant 4992 : index
    %swap3A_555 = arith.constant 64 : index
    %swap3A_556 = vector.load %arg2[%swap3A_554, %swap3A_555] : memref<16384x128xf32, #tpu.memory_space<vmem>>, vector<128x64xf32>
    tpu.vector_store %arg2[%swap3A_554, %swap3A_555], %transpose3A_553 {strides = array<i32>} : memref<16384x128xf32, #tpu.memory_space<vmem>>, vector<128x64xf32>,
    %get3A_557 = arith.constant 0 : index
    %get3A_558 = arith.constant 10240 : index
    %get3A_559 = vector.load %arg1[%get3A_557, %get3A_558] : memref<64x32768xf32, #tpu.memory_space<vmem>>, vector<64x128xf32>
    %get3A_560 = arith.constant 0 : index
    %get3A_561 = arith.constant 10368 : index
    %get3A_562 = vector.load %arg1[%get3A_560, %get3A_561] : memref<64x32768xf32, #tpu.memory_space<vmem>>, vector<64x128xf32>
    %transpose3A_563 = tpu.transpose %get3A_559, [1, 0] : vector<64x128xf32> -> vector<128x64xf32>
    %swap3A_564 = arith.constant 5120 : index
    %swap3A_565 = arith.constant 0 : index
    %swap3A_566 = vector.load %arg2[%swap3A_564, %swap3A_565] : memref<16384x128xf32, #tpu.memory_space<vmem>>, vector<128x64xf32>
    tpu.vector_store %arg2[%swap3A_564, %swap3A_565], %transpose3A_563 {strides = array<i32>} : memref<16384x128xf32, #tpu.memory_space<vmem>>, vector<128x64xf32>,
    %transpose3A_567 = tpu.transpose %get3A_562, [1, 0] : vector<64x128xf32> -> vector<128x64xf32>
    %swap3A_568 = arith.constant 5120 : index
    %swap3A_569 = arith.constant 64 : index
    %swap3A_570 = vector.load %arg2[%swap3A_568, %swap3A_569] : memref<16384x128xf32, #tpu.memory_space<vmem>>, vector<128x64xf32>
    tpu.vector_store %arg2[%swap3A_568, %swap3A_569], %transpose3A_567 {strides = array<i32>} : memref<16384x128xf32, #tpu.memory_space<vmem>>, vector<128x64xf32>,
    %get3A_571 = arith.constant 0 : index
    %get3A_572 = arith.constant 10496 : index
    %get3A_573 = vector.load %arg1[%get3A_571, %get3A_572] : memref<64x32768xf32, #tpu.memory_space<vmem>>, vector<64x128xf32>
    %get3A_574 = arith.constant 0 : index
    %get3A_575 = arith.constant 10624 : index
    %get3A_576 = vector.load %arg1[%get3A_574, %get3A_575] : memref<64x32768xf32, #tpu.memory_space<vmem>>, vector<64x128xf32>
    %transpose3A_577 = tpu.transpose %get3A_573, [1, 0] : vector<64x128xf32> -> vector<128x64xf32>
    %swap3A_578 = arith.constant 5248 : index
    %swap3A_579 = arith.constant 0 : index
    %swap3A_580 = vector.load %arg2[%swap3A_578, %swap3A_579] : memref<16384x128xf32, #tpu.memory_space<vmem>>, vector<128x64xf32>
    tpu.vector_store %arg2[%swap3A_578, %swap3A_579], %transpose3A_577 {strides = array<i32>} : memref<16384x128xf32, #tpu.memory_space<vmem>>, vector<128x64xf32>,
    %transpose3A_581 = tpu.transpose %get3A_576, [1, 0] : vector<64x128xf32> -> vector<128x64xf32>
    %swap3A_582 = arith.constant 5248 : index
    %swap3A_583 = arith.constant 64 : index
    %swap3A_584 = vector.load %arg2[%swap3A_582, %swap3A_583] : memref<16384x128xf32, #tpu.memory_space<vmem>>, vector<128x64xf32>
    tpu.vector_store %arg2[%swap3A_582, %swap3A_583], %transpose3A_581 {strides = array<i32>} : memref<16384x128xf32, #tpu.memory_space<vmem>>, vector<128x64xf32>,
    %get3A_585 = arith.constant 0 : index
    %get3A_586 = arith.constant 10752 : index
    %get3A_587 = vector.load %arg1[%get3A_585, %get3A_586] : memref<64x32768xf32, #tpu.memory_space<vmem>>, vector<64x128xf32>
    %get3A_588 = arith.constant 0 : index
    %get3A_589 = arith.constant 10880 : index
    %get3A_590 = vector.load %arg1[%get3A_588, %get3A_589] : memref<64x32768xf32, #tpu.memory_space<vmem>>, vector<64x128xf32>
    %transpose3A_591 = tpu.transpose %get3A_587, [1, 0] : vector<64x128xf32> -> vector<128x64xf32>
    %swap3A_592 = arith.constant 5376 : index
    %swap3A_593 = arith.constant 0 : index
    %swap3A_594 = vector.load %arg2[%swap3A_592, %swap3A_593] : memref<16384x128xf32, #tpu.memory_space<vmem>>, vector<128x64xf32>
    tpu.vector_store %arg2[%swap3A_592, %swap3A_593], %transpose3A_591 {strides = array<i32>} : memref<16384x128xf32, #tpu.memory_space<vmem>>, vector<128x64xf32>,
    %transpose3A_595 = tpu.transpose %get3A_590, [1, 0] : vector<64x128xf32> -> vector<128x64xf32>
    %swap3A_596 = arith.constant 5376 : index
    %swap3A_597 = arith.constant 64 : index
    %swap3A_598 = vector.load %arg2[%swap3A_596, %swap3A_597] : memref<16384x128xf32, #tpu.memory_space<vmem>>, vector<128x64xf32>
    tpu.vector_store %arg2[%swap3A_596, %swap3A_597], %transpose3A_595 {strides = array<i32>} : memref<16384x128xf32, #tpu.memory_space<vmem>>, vector<128x64xf32>,
    %get3A_599 = arith.constant 0 : index
    %get3A_600 = arith.constant 11008 : index
    %get3A_601 = vector.load %arg1[%get3A_599, %get3A_600] : memref<64x32768xf32, #tpu.memory_space<vmem>>, vector<64x128xf32>
    %get3A_602 = arith.constant 0 : index
    %get3A_603 = arith.constant 11136 : index
    %get3A_604 = vector.load %arg1[%get3A_602, %get3A_603] : memref<64x32768xf32, #tpu.memory_space<vmem>>, vector<64x128xf32>
    %transpose3A_605 = tpu.transpose %get3A_601, [1, 0] : vector<64x128xf32> -> vector<128x64xf32>
    %swap3A_606 = arith.constant 5504 : index
    %swap3A_607 = arith.constant 0 : index
    %swap3A_608 = vector.load %arg2[%swap3A_606, %swap3A_607] : memref<16384x128xf32, #tpu.memory_space<vmem>>, vector<128x64xf32>
    tpu.vector_store %arg2[%swap3A_606, %swap3A_607], %transpose3A_605 {strides = array<i32>} : memref<16384x128xf32, #tpu.memory_space<vmem>>, vector<128x64xf32>,
    %transpose3A_609 = tpu.transpose %get3A_604, [1, 0] : vector<64x128xf32> -> vector<128x64xf32>
    %swap3A_610 = arith.constant 5504 : index
    %swap3A_611 = arith.constant 64 : index
    %swap3A_612 = vector.load %arg2[%swap3A_610, %swap3A_611] : memref<16384x128xf32, #tpu.memory_space<vmem>>, vector<128x64xf32>
    tpu.vector_store %arg2[%swap3A_610, %swap3A_611], %transpose3A_609 {strides = array<i32>} : memref<16384x128xf32, #tpu.memory_space<vmem>>, vector<128x64xf32>,
    %get3A_613 = arith.constant 0 : index
    %get3A_614 = arith.constant 11264 : index
    %get3A_615 = vector.load %arg1[%get3A_613, %get3A_614] : memref<64x32768xf32, #tpu.memory_space<vmem>>, vector<64x128xf32>
    %get3A_616 = arith.constant 0 : index
    %get3A_617 = arith.constant 11392 : index
    %get3A_618 = vector.load %arg1[%get3A_616, %get3A_617] : memref<64x32768xf32, #tpu.memory_space<vmem>>, vector<64x128xf32>
    %transpose3A_619 = tpu.transpose %get3A_615, [1, 0] : vector<64x128xf32> -> vector<128x64xf32>
    %swap3A_620 = arith.constant 5632 : index
    %swap3A_621 = arith.constant 0 : index
    %swap3A_622 = vector.load %arg2[%swap3A_620, %swap3A_621] : memref<16384x128xf32, #tpu.memory_space<vmem>>, vector<128x64xf32>
    tpu.vector_store %arg2[%swap3A_620, %swap3A_621], %transpose3A_619 {strides = array<i32>} : memref<16384x128xf32, #tpu.memory_space<vmem>>, vector<128x64xf32>,
    %transpose3A_623 = tpu.transpose %get3A_618, [1, 0] : vector<64x128xf32> -> vector<128x64xf32>
    %swap3A_624 = arith.constant 5632 : index
    %swap3A_625 = arith.constant 64 : index
    %swap3A_626 = vector.load %arg2[%swap3A_624, %swap3A_625] : memref<16384x128xf32, #tpu.memory_space<vmem>>, vector<128x64xf32>
    tpu.vector_store %arg2[%swap3A_624, %swap3A_625], %transpose3A_623 {strides = array<i32>} : memref<16384x128xf32, #tpu.memory_space<vmem>>, vector<128x64xf32>,
    %get3A_627 = arith.constant 0 : index
    %get3A_628 = arith.constant 11520 : index
    %get3A_629 = vector.load %arg1[%get3A_627, %get3A_628] : memref<64x32768xf32, #tpu.memory_space<vmem>>, vector<64x128xf32>
    %get3A_630 = arith.constant 0 : index
    %get3A_631 = arith.constant 11648 : index
    %get3A_632 = vector.load %arg1[%get3A_630, %get3A_631] : memref<64x32768xf32, #tpu.memory_space<vmem>>, vector<64x128xf32>
    %transpose3A_633 = tpu.transpose %get3A_629, [1, 0] : vector<64x128xf32> -> vector<128x64xf32>
    %swap3A_634 = arith.constant 5760 : index
    %swap3A_635 = arith.constant 0 : index
    %swap3A_636 = vector.load %arg2[%swap3A_634, %swap3A_635] : memref<16384x128xf32, #tpu.memory_space<vmem>>, vector<128x64xf32>
    tpu.vector_store %arg2[%swap3A_634, %swap3A_635], %transpose3A_633 {strides = array<i32>} : memref<16384x128xf32, #tpu.memory_space<vmem>>, vector<128x64xf32>,
    %transpose3A_637 = tpu.transpose %get3A_632, [1, 0] : vector<64x128xf32> -> vector<128x64xf32>
    %swap3A_638 = arith.constant 5760 : index
    %swap3A_639 = arith.constant 64 : index
    %swap3A_640 = vector.load %arg2[%swap3A_638, %swap3A_639] : memref<16384x128xf32, #tpu.memory_space<vmem>>, vector<128x64xf32>
    tpu.vector_store %arg2[%swap3A_638, %swap3A_639], %transpose3A_637 {strides = array<i32>} : memref<16384x128xf32, #tpu.memory_space<vmem>>, vector<128x64xf32>,
    %get3A_641 = arith.constant 0 : index
    %get3A_642 = arith.constant 11776 : index
    %get3A_643 = vector.load %arg1[%get3A_641, %get3A_642] : memref<64x32768xf32, #tpu.memory_space<vmem>>, vector<64x128xf32>
    %get3A_644 = arith.constant 0 : index
    %get3A_645 = arith.constant 11904 : index
    %get3A_646 = vector.load %arg1[%get3A_644, %get3A_645] : memref<64x32768xf32, #tpu.memory_space<vmem>>, vector<64x128xf32>
    %transpose3A_647 = tpu.transpose %get3A_643, [1, 0] : vector<64x128xf32> -> vector<128x64xf32>
    %swap3A_648 = arith.constant 5888 : index
    %swap3A_649 = arith.constant 0 : index
    %swap3A_650 = vector.load %arg2[%swap3A_648, %swap3A_649] : memref<16384x128xf32, #tpu.memory_space<vmem>>, vector<128x64xf32>
    tpu.vector_store %arg2[%swap3A_648, %swap3A_649], %transpose3A_647 {strides = array<i32>} : memref<16384x128xf32, #tpu.memory_space<vmem>>, vector<128x64xf32>,
    %transpose3A_651 = tpu.transpose %get3A_646, [1, 0] : vector<64x128xf32> -> vector<128x64xf32>
    %swap3A_652 = arith.constant 5888 : index
    %swap3A_653 = arith.constant 64 : index
    %swap3A_654 = vector.load %arg2[%swap3A_652, %swap3A_653] : memref<16384x128xf32, #tpu.memory_space<vmem>>, vector<128x64xf32>
    tpu.vector_store %arg2[%swap3A_652, %swap3A_653], %transpose3A_651 {strides = array<i32>} : memref<16384x128xf32, #tpu.memory_space<vmem>>, vector<128x64xf32>,
    %get3A_655 = arith.constant 0 : index
    %get3A_656 = arith.constant 12032 : index
    %get3A_657 = vector.load %arg1[%get3A_655, %get3A_656] : memref<64x32768xf32, #tpu.memory_space<vmem>>, vector<64x128xf32>
    %get3A_658 = arith.constant 0 : index
    %get3A_659 = arith.constant 12160 : index
    %get3A_660 = vector.load %arg1[%get3A_658, %get3A_659] : memref<64x32768xf32, #tpu.memory_space<vmem>>, vector<64x128xf32>
    %transpose3A_661 = tpu.transpose %get3A_657, [1, 0] : vector<64x128xf32> -> vector<128x64xf32>
    %swap3A_662 = arith.constant 6016 : index
    %swap3A_663 = arith.constant 0 : index
    %swap3A_664 = vector.load %arg2[%swap3A_662, %swap3A_663] : memref<16384x128xf32, #tpu.memory_space<vmem>>, vector<128x64xf32>
    tpu.vector_store %arg2[%swap3A_662, %swap3A_663], %transpose3A_661 {strides = array<i32>} : memref<16384x128xf32, #tpu.memory_space<vmem>>, vector<128x64xf32>,
    %transpose3A_665 = tpu.transpose %get3A_660, [1, 0] : vector<64x128xf32> -> vector<128x64xf32>
    %swap3A_666 = arith.constant 6016 : index
    %swap3A_667 = arith.constant 64 : index
    %swap3A_668 = vector.load %arg2[%swap3A_666, %swap3A_667] : memref<16384x128xf32, #tpu.memory_space<vmem>>, vector<128x64xf32>
    tpu.vector_store %arg2[%swap3A_666, %swap3A_667], %transpose3A_665 {strides = array<i32>} : memref<16384x128xf32, #tpu.memory_space<vmem>>, vector<128x64xf32>,
    %get3A_669 = arith.constant 0 : index
    %get3A_670 = arith.constant 12288 : index
    %get3A_671 = vector.load %arg1[%get3A_669, %get3A_670] : memref<64x32768xf32, #tpu.memory_space<vmem>>, vector<64x128xf32>
    %get3A_672 = arith.constant 0 : index
    %get3A_673 = arith.constant 12416 : index
    %get3A_674 = vector.load %arg1[%get3A_672, %get3A_673] : memref<64x32768xf32, #tpu.memory_space<vmem>>, vector<64x128xf32>
    %transpose3A_675 = tpu.transpose %get3A_671, [1, 0] : vector<64x128xf32> -> vector<128x64xf32>
    %swap3A_676 = arith.constant 6144 : index
    %swap3A_677 = arith.constant 0 : index
    %swap3A_678 = vector.load %arg2[%swap3A_676, %swap3A_677] : memref<16384x128xf32, #tpu.memory_space<vmem>>, vector<128x64xf32>
    tpu.vector_store %arg2[%swap3A_676, %swap3A_677], %transpose3A_675 {strides = array<i32>} : memref<16384x128xf32, #tpu.memory_space<vmem>>, vector<128x64xf32>,
    %transpose3A_679 = tpu.transpose %get3A_674, [1, 0] : vector<64x128xf32> -> vector<128x64xf32>
    %swap3A_680 = arith.constant 6144 : index
    %swap3A_681 = arith.constant 64 : index
    %swap3A_682 = vector.load %arg2[%swap3A_680, %swap3A_681] : memref<16384x128xf32, #tpu.memory_space<vmem>>, vector<128x64xf32>
    tpu.vector_store %arg2[%swap3A_680, %swap3A_681], %transpose3A_679 {strides = array<i32>} : memref<16384x128xf32, #tpu.memory_space<vmem>>, vector<128x64xf32>,
    %get3A_683 = arith.constant 0 : index
    %get3A_684 = arith.constant 12544 : index
    %get3A_685 = vector.load %arg1[%get3A_683, %get3A_684] : memref<64x32768xf32, #tpu.memory_space<vmem>>, vector<64x128xf32>
    %get3A_686 = arith.constant 0 : index
    %get3A_687 = arith.constant 12672 : index
    %get3A_688 = vector.load %arg1[%get3A_686, %get3A_687] : memref<64x32768xf32, #tpu.memory_space<vmem>>, vector<64x128xf32>
    %transpose3A_689 = tpu.transpose %get3A_685, [1, 0] : vector<64x128xf32> -> vector<128x64xf32>
    %swap3A_690 = arith.constant 6272 : index
    %swap3A_691 = arith.constant 0 : index
    %swap3A_692 = vector.load %arg2[%swap3A_690, %swap3A_691] : memref<16384x128xf32, #tpu.memory_space<vmem>>, vector<128x64xf32>
    tpu.vector_store %arg2[%swap3A_690, %swap3A_691], %transpose3A_689 {strides = array<i32>} : memref<16384x128xf32, #tpu.memory_space<vmem>>, vector<128x64xf32>,
    %transpose3A_693 = tpu.transpose %get3A_688, [1, 0] : vector<64x128xf32> -> vector<128x64xf32>
    %swap3A_694 = arith.constant 6272 : index
    %swap3A_695 = arith.constant 64 : index
    %swap3A_696 = vector.load %arg2[%swap3A_694, %swap3A_695] : memref<16384x128xf32, #tpu.memory_space<vmem>>, vector<128x64xf32>
    tpu.vector_store %arg2[%swap3A_694, %swap3A_695], %transpose3A_693 {strides = array<i32>} : memref<16384x128xf32, #tpu.memory_space<vmem>>, vector<128x64xf32>,
    %get3A_697 = arith.constant 0 : index
    %get3A_698 = arith.constant 12800 : index
    %get3A_699 = vector.load %arg1[%get3A_697, %get3A_698] : memref<64x32768xf32, #tpu.memory_space<vmem>>, vector<64x128xf32>
    %get3A_700 = arith.constant 0 : index
    %get3A_701 = arith.constant 12928 : index
    %get3A_702 = vector.load %arg1[%get3A_700, %get3A_701] : memref<64x32768xf32, #tpu.memory_space<vmem>>, vector<64x128xf32>
    %transpose3A_703 = tpu.transpose %get3A_699, [1, 0] : vector<64x128xf32> -> vector<128x64xf32>
    %swap3A_704 = arith.constant 6400 : index
    %swap3A_705 = arith.constant 0 : index
    %swap3A_706 = vector.load %arg2[%swap3A_704, %swap3A_705] : memref<16384x128xf32, #tpu.memory_space<vmem>>, vector<128x64xf32>
    tpu.vector_store %arg2[%swap3A_704, %swap3A_705], %transpose3A_703 {strides = array<i32>} : memref<16384x128xf32, #tpu.memory_space<vmem>>, vector<128x64xf32>,
    %transpose3A_707 = tpu.transpose %get3A_702, [1, 0] : vector<64x128xf32> -> vector<128x64xf32>
    %swap3A_708 = arith.constant 6400 : index
    %swap3A_709 = arith.constant 64 : index
    %swap3A_710 = vector.load %arg2[%swap3A_708, %swap3A_709] : memref<16384x128xf32, #tpu.memory_space<vmem>>, vector<128x64xf32>
    tpu.vector_store %arg2[%swap3A_708, %swap3A_709], %transpose3A_707 {strides = array<i32>} : memref<16384x128xf32, #tpu.memory_space<vmem>>, vector<128x64xf32>,
    %get3A_711 = arith.constant 0 : index
    %get3A_712 = arith.constant 13056 : index
    %get3A_713 = vector.load %arg1[%get3A_711, %get3A_712] : memref<64x32768xf32, #tpu.memory_space<vmem>>, vector<64x128xf32>
    %get3A_714 = arith.constant 0 : index
    %get3A_715 = arith.constant 13184 : index
    %get3A_716 = vector.load %arg1[%get3A_714, %get3A_715] : memref<64x32768xf32, #tpu.memory_space<vmem>>, vector<64x128xf32>
    %transpose3A_717 = tpu.transpose %get3A_713, [1, 0] : vector<64x128xf32> -> vector<128x64xf32>
    %swap3A_718 = arith.constant 6528 : index
    %swap3A_719 = arith.constant 0 : index
    %swap3A_720 = vector.load %arg2[%swap3A_718, %swap3A_719] : memref<16384x128xf32, #tpu.memory_space<vmem>>, vector<128x64xf32>
    tpu.vector_store %arg2[%swap3A_718, %swap3A_719], %transpose3A_717 {strides = array<i32>} : memref<16384x128xf32, #tpu.memory_space<vmem>>, vector<128x64xf32>,
    %transpose3A_721 = tpu.transpose %get3A_716, [1, 0] : vector<64x128xf32> -> vector<128x64xf32>
    %swap3A_722 = arith.constant 6528 : index
    %swap3A_723 = arith.constant 64 : index
    %swap3A_724 = vector.load %arg2[%swap3A_722, %swap3A_723] : memref<16384x128xf32, #tpu.memory_space<vmem>>, vector<128x64xf32>
    tpu.vector_store %arg2[%swap3A_722, %swap3A_723], %transpose3A_721 {strides = array<i32>} : memref<16384x128xf32, #tpu.memory_space<vmem>>, vector<128x64xf32>,
    %get3A_725 = arith.constant 0 : index
    %get3A_726 = arith.constant 13312 : index
    %get3A_727 = vector.load %arg1[%get3A_725, %get3A_726] : memref<64x32768xf32, #tpu.memory_space<vmem>>, vector<64x128xf32>
    %get3A_728 = arith.constant 0 : index
    %get3A_729 = arith.constant 13440 : index
    %get3A_730 = vector.load %arg1[%get3A_728, %get3A_729] : memref<64x32768xf32, #tpu.memory_space<vmem>>, vector<64x128xf32>
    %transpose3A_731 = tpu.transpose %get3A_727, [1, 0] : vector<64x128xf32> -> vector<128x64xf32>
    %swap3A_732 = arith.constant 6656 : index
    %swap3A_733 = arith.constant 0 : index
    %swap3A_734 = vector.load %arg2[%swap3A_732, %swap3A_733] : memref<16384x128xf32, #tpu.memory_space<vmem>>, vector<128x64xf32>
    tpu.vector_store %arg2[%swap3A_732, %swap3A_733], %transpose3A_731 {strides = array<i32>} : memref<16384x128xf32, #tpu.memory_space<vmem>>, vector<128x64xf32>,
    %transpose3A_735 = tpu.transpose %get3A_730, [1, 0] : vector<64x128xf32> -> vector<128x64xf32>
    %swap3A_736 = arith.constant 6656 : index
    %swap3A_737 = arith.constant 64 : index
    %swap3A_738 = vector.load %arg2[%swap3A_736, %swap3A_737] : memref<16384x128xf32, #tpu.memory_space<vmem>>, vector<128x64xf32>
    tpu.vector_store %arg2[%swap3A_736, %swap3A_737], %transpose3A_735 {strides = array<i32>} : memref<16384x128xf32, #tpu.memory_space<vmem>>, vector<128x64xf32>,
    %get3A_739 = arith.constant 0 : index
    %get3A_740 = arith.constant 13568 : index
    %get3A_741 = vector.load %arg1[%get3A_739, %get3A_740] : memref<64x32768xf32, #tpu.memory_space<vmem>>, vector<64x128xf32>
    %get3A_742 = arith.constant 0 : index
    %get3A_743 = arith.constant 13696 : index
    %get3A_744 = vector.load %arg1[%get3A_742, %get3A_743] : memref<64x32768xf32, #tpu.memory_space<vmem>>, vector<64x128xf32>
    %transpose3A_745 = tpu.transpose %get3A_741, [1, 0] : vector<64x128xf32> -> vector<128x64xf32>
    %swap3A_746 = arith.constant 6784 : index
    %swap3A_747 = arith.constant 0 : index
    %swap3A_748 = vector.load %arg2[%swap3A_746, %swap3A_747] : memref<16384x128xf32, #tpu.memory_space<vmem>>, vector<128x64xf32>
    tpu.vector_store %arg2[%swap3A_746, %swap3A_747], %transpose3A_745 {strides = array<i32>} : memref<16384x128xf32, #tpu.memory_space<vmem>>, vector<128x64xf32>,
    %transpose3A_749 = tpu.transpose %get3A_744, [1, 0] : vector<64x128xf32> -> vector<128x64xf32>
    %swap3A_750 = arith.constant 6784 : index
    %swap3A_751 = arith.constant 64 : index
    %swap3A_752 = vector.load %arg2[%swap3A_750, %swap3A_751] : memref<16384x128xf32, #tpu.memory_space<vmem>>, vector<128x64xf32>
    tpu.vector_store %arg2[%swap3A_750, %swap3A_751], %transpose3A_749 {strides = array<i32>} : memref<16384x128xf32, #tpu.memory_space<vmem>>, vector<128x64xf32>,
    %get3A_753 = arith.constant 0 : index
    %get3A_754 = arith.constant 13824 : index
    %get3A_755 = vector.load %arg1[%get3A_753, %get3A_754] : memref<64x32768xf32, #tpu.memory_space<vmem>>, vector<64x128xf32>
    %get3A_756 = arith.constant 0 : index
    %get3A_757 = arith.constant 13952 : index
    %get3A_758 = vector.load %arg1[%get3A_756, %get3A_757] : memref<64x32768xf32, #tpu.memory_space<vmem>>, vector<64x128xf32>
    %transpose3A_759 = tpu.transpose %get3A_755, [1, 0] : vector<64x128xf32> -> vector<128x64xf32>
    %swap3A_760 = arith.constant 6912 : index
    %swap3A_761 = arith.constant 0 : index
    %swap3A_762 = vector.load %arg2[%swap3A_760, %swap3A_761] : memref<16384x128xf32, #tpu.memory_space<vmem>>, vector<128x64xf32>
    tpu.vector_store %arg2[%swap3A_760, %swap3A_761], %transpose3A_759 {strides = array<i32>} : memref<16384x128xf32, #tpu.memory_space<vmem>>, vector<128x64xf32>,
    %transpose3A_763 = tpu.transpose %get3A_758, [1, 0] : vector<64x128xf32> -> vector<128x64xf32>
    %swap3A_764 = arith.constant 6912 : index
    %swap3A_765 = arith.constant 64 : index
    %swap3A_766 = vector.load %arg2[%swap3A_764, %swap3A_765] : memref<16384x128xf32, #tpu.memory_space<vmem>>, vector<128x64xf32>
    tpu.vector_store %arg2[%swap3A_764, %swap3A_765], %transpose3A_763 {strides = array<i32>} : memref<16384x128xf32, #tpu.memory_space<vmem>>, vector<128x64xf32>,
    %get3A_767 = arith.constant 0 : index
    %get3A_768 = arith.constant 14080 : index
    %get3A_769 = vector.load %arg1[%get3A_767, %get3A_768] : memref<64x32768xf32, #tpu.memory_space<vmem>>, vector<64x128xf32>
    %get3A_770 = arith.constant 0 : index
    %get3A_771 = arith.constant 14208 : index
    %get3A_772 = vector.load %arg1[%get3A_770, %get3A_771] : memref<64x32768xf32, #tpu.memory_space<vmem>>, vector<64x128xf32>
    %transpose3A_773 = tpu.transpose %get3A_769, [1, 0] : vector<64x128xf32> -> vector<128x64xf32>
    %swap3A_774 = arith.constant 7040 : index
    %swap3A_775 = arith.constant 0 : index
    %swap3A_776 = vector.load %arg2[%swap3A_774, %swap3A_775] : memref<16384x128xf32, #tpu.memory_space<vmem>>, vector<128x64xf32>
    tpu.vector_store %arg2[%swap3A_774, %swap3A_775], %transpose3A_773 {strides = array<i32>} : memref<16384x128xf32, #tpu.memory_space<vmem>>, vector<128x64xf32>,
    %transpose3A_777 = tpu.transpose %get3A_772, [1, 0] : vector<64x128xf32> -> vector<128x64xf32>
    %swap3A_778 = arith.constant 7040 : index
    %swap3A_779 = arith.constant 64 : index
    %swap3A_780 = vector.load %arg2[%swap3A_778, %swap3A_779] : memref<16384x128xf32, #tpu.memory_space<vmem>>, vector<128x64xf32>
    tpu.vector_store %arg2[%swap3A_778, %swap3A_779], %transpose3A_777 {strides = array<i32>} : memref<16384x128xf32, #tpu.memory_space<vmem>>, vector<128x64xf32>,
    %get3A_781 = arith.constant 0 : index
    %get3A_782 = arith.constant 14336 : index
    %get3A_783 = vector.load %arg1[%get3A_781, %get3A_782] : memref<64x32768xf32, #tpu.memory_space<vmem>>, vector<64x128xf32>
    %get3A_784 = arith.constant 0 : index
    %get3A_785 = arith.constant 14464 : index
    %get3A_786 = vector.load %arg1[%get3A_784, %get3A_785] : memref<64x32768xf32, #tpu.memory_space<vmem>>, vector<64x128xf32>
    %transpose3A_787 = tpu.transpose %get3A_783, [1, 0] : vector<64x128xf32> -> vector<128x64xf32>
    %swap3A_788 = arith.constant 7168 : index
    %swap3A_789 = arith.constant 0 : index
    %swap3A_790 = vector.load %arg2[%swap3A_788, %swap3A_789] : memref<16384x128xf32, #tpu.memory_space<vmem>>, vector<128x64xf32>
    tpu.vector_store %arg2[%swap3A_788, %swap3A_789], %transpose3A_787 {strides = array<i32>} : memref<16384x128xf32, #tpu.memory_space<vmem>>, vector<128x64xf32>,
    %transpose3A_791 = tpu.transpose %get3A_786, [1, 0] : vector<64x128xf32> -> vector<128x64xf32>
    %swap3A_792 = arith.constant 7168 : index
    %swap3A_793 = arith.constant 64 : index
    %swap3A_794 = vector.load %arg2[%swap3A_792, %swap3A_793] : memref<16384x128xf32, #tpu.memory_space<vmem>>, vector<128x64xf32>
    tpu.vector_store %arg2[%swap3A_792, %swap3A_793], %transpose3A_791 {strides = array<i32>} : memref<16384x128xf32, #tpu.memory_space<vmem>>, vector<128x64xf32>,
    %get3A_795 = arith.constant 0 : index
    %get3A_796 = arith.constant 14592 : index
    %get3A_797 = vector.load %arg1[%get3A_795, %get3A_796] : memref<64x32768xf32, #tpu.memory_space<vmem>>, vector<64x128xf32>
    %get3A_798 = arith.constant 0 : index
    %get3A_799 = arith.constant 14720 : index
    %get3A_800 = vector.load %arg1[%get3A_798, %get3A_799] : memref<64x32768xf32, #tpu.memory_space<vmem>>, vector<64x128xf32>
    %transpose3A_801 = tpu.transpose %get3A_797, [1, 0] : vector<64x128xf32> -> vector<128x64xf32>
    %swap3A_802 = arith.constant 7296 : index
    %swap3A_803 = arith.constant 0 : index
    %swap3A_804 = vector.load %arg2[%swap3A_802, %swap3A_803] : memref<16384x128xf32, #tpu.memory_space<vmem>>, vector<128x64xf32>
    tpu.vector_store %arg2[%swap3A_802, %swap3A_803], %transpose3A_801 {strides = array<i32>} : memref<16384x128xf32, #tpu.memory_space<vmem>>, vector<128x64xf32>,
    %transpose3A_805 = tpu.transpose %get3A_800, [1, 0] : vector<64x128xf32> -> vector<128x64xf32>
    %swap3A_806 = arith.constant 7296 : index
    %swap3A_807 = arith.constant 64 : index
    %swap3A_808 = vector.load %arg2[%swap3A_806, %swap3A_807] : memref<16384x128xf32, #tpu.memory_space<vmem>>, vector<128x64xf32>
    tpu.vector_store %arg2[%swap3A_806, %swap3A_807], %transpose3A_805 {strides = array<i32>} : memref<16384x128xf32, #tpu.memory_space<vmem>>, vector<128x64xf32>,
    %get3A_809 = arith.constant 0 : index
    %get3A_810 = arith.constant 14848 : index
    %get3A_811 = vector.load %arg1[%get3A_809, %get3A_810] : memref<64x32768xf32, #tpu.memory_space<vmem>>, vector<64x128xf32>
    %get3A_812 = arith.constant 0 : index
    %get3A_813 = arith.constant 14976 : index
    %get3A_814 = vector.load %arg1[%get3A_812, %get3A_813] : memref<64x32768xf32, #tpu.memory_space<vmem>>, vector<64x128xf32>
    %transpose3A_815 = tpu.transpose %get3A_811, [1, 0] : vector<64x128xf32> -> vector<128x64xf32>
    %swap3A_816 = arith.constant 7424 : index
    %swap3A_817 = arith.constant 0 : index
    %swap3A_818 = vector.load %arg2[%swap3A_816, %swap3A_817] : memref<16384x128xf32, #tpu.memory_space<vmem>>, vector<128x64xf32>
    tpu.vector_store %arg2[%swap3A_816, %swap3A_817], %transpose3A_815 {strides = array<i32>} : memref<16384x128xf32, #tpu.memory_space<vmem>>, vector<128x64xf32>,
    %transpose3A_819 = tpu.transpose %get3A_814, [1, 0] : vector<64x128xf32> -> vector<128x64xf32>
    %swap3A_820 = arith.constant 7424 : index
    %swap3A_821 = arith.constant 64 : index
    %swap3A_822 = vector.load %arg2[%swap3A_820, %swap3A_821] : memref<16384x128xf32, #tpu.memory_space<vmem>>, vector<128x64xf32>
    tpu.vector_store %arg2[%swap3A_820, %swap3A_821], %transpose3A_819 {strides = array<i32>} : memref<16384x128xf32, #tpu.memory_space<vmem>>, vector<128x64xf32>,
    %get3A_823 = arith.constant 0 : index
    %get3A_824 = arith.constant 15104 : index
    %get3A_825 = vector.load %arg1[%get3A_823, %get3A_824] : memref<64x32768xf32, #tpu.memory_space<vmem>>, vector<64x128xf32>
    %get3A_826 = arith.constant 0 : index
    %get3A_827 = arith.constant 15232 : index
    %get3A_828 = vector.load %arg1[%get3A_826, %get3A_827] : memref<64x32768xf32, #tpu.memory_space<vmem>>, vector<64x128xf32>
    %transpose3A_829 = tpu.transpose %get3A_825, [1, 0] : vector<64x128xf32> -> vector<128x64xf32>
    %swap3A_830 = arith.constant 7552 : index
    %swap3A_831 = arith.constant 0 : index
    %swap3A_832 = vector.load %arg2[%swap3A_830, %swap3A_831] : memref<16384x128xf32, #tpu.memory_space<vmem>>, vector<128x64xf32>
    tpu.vector_store %arg2[%swap3A_830, %swap3A_831], %transpose3A_829 {strides = array<i32>} : memref<16384x128xf32, #tpu.memory_space<vmem>>, vector<128x64xf32>,
    %transpose3A_833 = tpu.transpose %get3A_828, [1, 0] : vector<64x128xf32> -> vector<128x64xf32>
    %swap3A_834 = arith.constant 7552 : index
    %swap3A_835 = arith.constant 64 : index
    %swap3A_836 = vector.load %arg2[%swap3A_834, %swap3A_835] : memref<16384x128xf32, #tpu.memory_space<vmem>>, vector<128x64xf32>
    tpu.vector_store %arg2[%swap3A_834, %swap3A_835], %transpose3A_833 {strides = array<i32>} : memref<16384x128xf32, #tpu.memory_space<vmem>>, vector<128x64xf32>,
    %get3A_837 = arith.constant 0 : index
    %get3A_838 = arith.constant 15360 : index
    %get3A_839 = vector.load %arg1[%get3A_837, %get3A_838] : memref<64x32768xf32, #tpu.memory_space<vmem>>, vector<64x128xf32>
    %get3A_840 = arith.constant 0 : index
    %get3A_841 = arith.constant 15488 : index
    %get3A_842 = vector.load %arg1[%get3A_840, %get3A_841] : memref<64x32768xf32, #tpu.memory_space<vmem>>, vector<64x128xf32>
    %transpose3A_843 = tpu.transpose %get3A_839, [1, 0] : vector<64x128xf32> -> vector<128x64xf32>
    %swap3A_844 = arith.constant 7680 : index
    %swap3A_845 = arith.constant 0 : index
    %swap3A_846 = vector.load %arg2[%swap3A_844, %swap3A_845] : memref<16384x128xf32, #tpu.memory_space<vmem>>, vector<128x64xf32>
    tpu.vector_store %arg2[%swap3A_844, %swap3A_845], %transpose3A_843 {strides = array<i32>} : memref<16384x128xf32, #tpu.memory_space<vmem>>, vector<128x64xf32>,
    %transpose3A_847 = tpu.transpose %get3A_842, [1, 0] : vector<64x128xf32> -> vector<128x64xf32>
    %swap3A_848 = arith.constant 7680 : index
    %swap3A_849 = arith.constant 64 : index
    %swap3A_850 = vector.load %arg2[%swap3A_848, %swap3A_849] : memref<16384x128xf32, #tpu.memory_space<vmem>>, vector<128x64xf32>
    tpu.vector_store %arg2[%swap3A_848, %swap3A_849], %transpose3A_847 {strides = array<i32>} : memref<16384x128xf32, #tpu.memory_space<vmem>>, vector<128x64xf32>,
    %get3A_851 = arith.constant 0 : index
    %get3A_852 = arith.constant 15616 : index
    %get3A_853 = vector.load %arg1[%get3A_851, %get3A_852] : memref<64x32768xf32, #tpu.memory_space<vmem>>, vector<64x128xf32>
    %get3A_854 = arith.constant 0 : index
    %get3A_855 = arith.constant 15744 : index
    %get3A_856 = vector.load %arg1[%get3A_854, %get3A_855] : memref<64x32768xf32, #tpu.memory_space<vmem>>, vector<64x128xf32>
    %transpose3A_857 = tpu.transpose %get3A_853, [1, 0] : vector<64x128xf32> -> vector<128x64xf32>
    %swap3A_858 = arith.constant 7808 : index
    %swap3A_859 = arith.constant 0 : index
    %swap3A_860 = vector.load %arg2[%swap3A_858, %swap3A_859] : memref<16384x128xf32, #tpu.memory_space<vmem>>, vector<128x64xf32>
    tpu.vector_store %arg2[%swap3A_858, %swap3A_859], %transpose3A_857 {strides = array<i32>} : memref<16384x128xf32, #tpu.memory_space<vmem>>, vector<128x64xf32>,
    %transpose3A_861 = tpu.transpose %get3A_856, [1, 0] : vector<64x128xf32> -> vector<128x64xf32>
    %swap3A_862 = arith.constant 7808 : index
    %swap3A_863 = arith.constant 64 : index
    %swap3A_864 = vector.load %arg2[%swap3A_862, %swap3A_863] : memref<16384x128xf32, #tpu.memory_space<vmem>>, vector<128x64xf32>
    tpu.vector_store %arg2[%swap3A_862, %swap3A_863], %transpose3A_861 {strides = array<i32>} : memref<16384x128xf32, #tpu.memory_space<vmem>>, vector<128x64xf32>,
    %get3A_865 = arith.constant 0 : index
    %get3A_866 = arith.constant 15872 : index
    %get3A_867 = vector.load %arg1[%get3A_865, %get3A_866] : memref<64x32768xf32, #tpu.memory_space<vmem>>, vector<64x128xf32>
    %get3A_868 = arith.constant 0 : index
    %get3A_869 = arith.constant 16000 : index
    %get3A_870 = vector.load %arg1[%get3A_868, %get3A_869] : memref<64x32768xf32, #tpu.memory_space<vmem>>, vector<64x128xf32>
    %transpose3A_871 = tpu.transpose %get3A_867, [1, 0] : vector<64x128xf32> -> vector<128x64xf32>
    %swap3A_872 = arith.constant 7936 : index
    %swap3A_873 = arith.constant 0 : index
    %swap3A_874 = vector.load %arg2[%swap3A_872, %swap3A_873] : memref<16384x128xf32, #tpu.memory_space<vmem>>, vector<128x64xf32>
    tpu.vector_store %arg2[%swap3A_872, %swap3A_873], %transpose3A_871 {strides = array<i32>} : memref<16384x128xf32, #tpu.memory_space<vmem>>, vector<128x64xf32>,
    %transpose3A_875 = tpu.transpose %get3A_870, [1, 0] : vector<64x128xf32> -> vector<128x64xf32>
    %swap3A_876 = arith.constant 7936 : index
    %swap3A_877 = arith.constant 64 : index
    %swap3A_878 = vector.load %arg2[%swap3A_876, %swap3A_877] : memref<16384x128xf32, #tpu.memory_space<vmem>>, vector<128x64xf32>
    tpu.vector_store %arg2[%swap3A_876, %swap3A_877], %transpose3A_875 {strides = array<i32>} : memref<16384x128xf32, #tpu.memory_space<vmem>>, vector<128x64xf32>,
    %get3A_879 = arith.constant 0 : index
    %get3A_880 = arith.constant 16128 : index
    %get3A_881 = vector.load %arg1[%get3A_879, %get3A_880] : memref<64x32768xf32, #tpu.memory_space<vmem>>, vector<64x128xf32>
    %get3A_882 = arith.constant 0 : index
    %get3A_883 = arith.constant 16256 : index
    %get3A_884 = vector.load %arg1[%get3A_882, %get3A_883] : memref<64x32768xf32, #tpu.memory_space<vmem>>, vector<64x128xf32>
    %transpose3A_885 = tpu.transpose %get3A_881, [1, 0] : vector<64x128xf32> -> vector<128x64xf32>
    %swap3A_886 = arith.constant 8064 : index
    %swap3A_887 = arith.constant 0 : index
    %swap3A_888 = vector.load %arg2[%swap3A_886, %swap3A_887] : memref<16384x128xf32, #tpu.memory_space<vmem>>, vector<128x64xf32>
    tpu.vector_store %arg2[%swap3A_886, %swap3A_887], %transpose3A_885 {strides = array<i32>} : memref<16384x128xf32, #tpu.memory_space<vmem>>, vector<128x64xf32>,
    %transpose3A_889 = tpu.transpose %get3A_884, [1, 0] : vector<64x128xf32> -> vector<128x64xf32>
    %swap3A_890 = arith.constant 8064 : index
    %swap3A_891 = arith.constant 64 : index
    %swap3A_892 = vector.load %arg2[%swap3A_890, %swap3A_891] : memref<16384x128xf32, #tpu.memory_space<vmem>>, vector<128x64xf32>
    tpu.vector_store %arg2[%swap3A_890, %swap3A_891], %transpose3A_889 {strides = array<i32>} : memref<16384x128xf32, #tpu.memory_space<vmem>>, vector<128x64xf32>,
    %get3A_893 = arith.constant 0 : index
    %get3A_894 = arith.constant 16384 : index
    %get3A_895 = vector.load %arg1[%get3A_893, %get3A_894] : memref<64x32768xf32, #tpu.memory_space<vmem>>, vector<64x128xf32>
    %get3A_896 = arith.constant 0 : index
    %get3A_897 = arith.constant 16512 : index
    %get3A_898 = vector.load %arg1[%get3A_896, %get3A_897] : memref<64x32768xf32, #tpu.memory_space<vmem>>, vector<64x128xf32>
    %transpose3A_899 = tpu.transpose %get3A_895, [1, 0] : vector<64x128xf32> -> vector<128x64xf32>
    %swap3A_900 = arith.constant 8192 : index
    %swap3A_901 = arith.constant 0 : index
    %swap3A_902 = vector.load %arg2[%swap3A_900, %swap3A_901] : memref<16384x128xf32, #tpu.memory_space<vmem>>, vector<128x64xf32>
    tpu.vector_store %arg2[%swap3A_900, %swap3A_901], %transpose3A_899 {strides = array<i32>} : memref<16384x128xf32, #tpu.memory_space<vmem>>, vector<128x64xf32>,
    %transpose3A_903 = tpu.transpose %get3A_898, [1, 0] : vector<64x128xf32> -> vector<128x64xf32>
    %swap3A_904 = arith.constant 8192 : index
    %swap3A_905 = arith.constant 64 : index
    %swap3A_906 = vector.load %arg2[%swap3A_904, %swap3A_905] : memref<16384x128xf32, #tpu.memory_space<vmem>>, vector<128x64xf32>
    tpu.vector_store %arg2[%swap3A_904, %swap3A_905], %transpose3A_903 {strides = array<i32>} : memref<16384x128xf32, #tpu.memory_space<vmem>>, vector<128x64xf32>,
    %get3A_907 = arith.constant 0 : index
    %get3A_908 = arith.constant 16640 : index
    %get3A_909 = vector.load %arg1[%get3A_907, %get3A_908] : memref<64x32768xf32, #tpu.memory_space<vmem>>, vector<64x128xf32>
    %get3A_910 = arith.constant 0 : index
    %get3A_911 = arith.constant 16768 : index
    %get3A_912 = vector.load %arg1[%get3A_910, %get3A_911] : memref<64x32768xf32, #tpu.memory_space<vmem>>, vector<64x128xf32>
    %transpose3A_913 = tpu.transpose %get3A_909, [1, 0] : vector<64x128xf32> -> vector<128x64xf32>
    %swap3A_914 = arith.constant 8320 : index
    %swap3A_915 = arith.constant 0 : index
    %swap3A_916 = vector.load %arg2[%swap3A_914, %swap3A_915] : memref<16384x128xf32, #tpu.memory_space<vmem>>, vector<128x64xf32>
    tpu.vector_store %arg2[%swap3A_914, %swap3A_915], %transpose3A_913 {strides = array<i32>} : memref<16384x128xf32, #tpu.memory_space<vmem>>, vector<128x64xf32>,
    %transpose3A_917 = tpu.transpose %get3A_912, [1, 0] : vector<64x128xf32> -> vector<128x64xf32>
    %swap3A_918 = arith.constant 8320 : index
    %swap3A_919 = arith.constant 64 : index
    %swap3A_920 = vector.load %arg2[%swap3A_918, %swap3A_919] : memref<16384x128xf32, #tpu.memory_space<vmem>>, vector<128x64xf32>
    tpu.vector_store %arg2[%swap3A_918, %swap3A_919], %transpose3A_917 {strides = array<i32>} : memref<16384x128xf32, #tpu.memory_space<vmem>>, vector<128x64xf32>,
    %get3A_921 = arith.constant 0 : index
    %get3A_922 = arith.constant 16896 : index
    %get3A_923 = vector.load %arg1[%get3A_921, %get3A_922] : memref<64x32768xf32, #tpu.memory_space<vmem>>, vector<64x128xf32>
    %get3A_924 = arith.constant 0 : index
    %get3A_925 = arith.constant 17024 : index
    %get3A_926 = vector.load %arg1[%get3A_924, %get3A_925] : memref<64x32768xf32, #tpu.memory_space<vmem>>, vector<64x128xf32>
    %transpose3A_927 = tpu.transpose %get3A_923, [1, 0] : vector<64x128xf32> -> vector<128x64xf32>
    %swap3A_928 = arith.constant 8448 : index
    %swap3A_929 = arith.constant 0 : index
    %swap3A_930 = vector.load %arg2[%swap3A_928, %swap3A_929] : memref<16384x128xf32, #tpu.memory_space<vmem>>, vector<128x64xf32>
    tpu.vector_store %arg2[%swap3A_928, %swap3A_929], %transpose3A_927 {strides = array<i32>} : memref<16384x128xf32, #tpu.memory_space<vmem>>, vector<128x64xf32>,
    %transpose3A_931 = tpu.transpose %get3A_926, [1, 0] : vector<64x128xf32> -> vector<128x64xf32>
    %swap3A_932 = arith.constant 8448 : index
    %swap3A_933 = arith.constant 64 : index
    %swap3A_934 = vector.load %arg2[%swap3A_932, %swap3A_933] : memref<16384x128xf32, #tpu.memory_space<vmem>>, vector<128x64xf32>
    tpu.vector_store %arg2[%swap3A_932, %swap3A_933], %transpose3A_931 {strides = array<i32>} : memref<16384x128xf32, #tpu.memory_space<vmem>>, vector<128x64xf32>,
    %get3A_935 = arith.constant 0 : index
    %get3A_936 = arith.constant 17152 : index
    %get3A_937 = vector.load %arg1[%get3A_935, %get3A_936] : memref<64x32768xf32, #tpu.memory_space<vmem>>, vector<64x128xf32>
    %get3A_938 = arith.constant 0 : index
    %get3A_939 = arith.constant 17280 : index
    %get3A_940 = vector.load %arg1[%get3A_938, %get3A_939] : memref<64x32768xf32, #tpu.memory_space<vmem>>, vector<64x128xf32>
    %transpose3A_941 = tpu.transpose %get3A_937, [1, 0] : vector<64x128xf32> -> vector<128x64xf32>
    %swap3A_942 = arith.constant 8576 : index
    %swap3A_943 = arith.constant 0 : index
    %swap3A_944 = vector.load %arg2[%swap3A_942, %swap3A_943] : memref<16384x128xf32, #tpu.memory_space<vmem>>, vector<128x64xf32>
    tpu.vector_store %arg2[%swap3A_942, %swap3A_943], %transpose3A_941 {strides = array<i32>} : memref<16384x128xf32, #tpu.memory_space<vmem>>, vector<128x64xf32>,
    %transpose3A_945 = tpu.transpose %get3A_940, [1, 0] : vector<64x128xf32> -> vector<128x64xf32>
    %swap3A_946 = arith.constant 8576 : index
    %swap3A_947 = arith.constant 64 : index
    %swap3A_948 = vector.load %arg2[%swap3A_946, %swap3A_947] : memref<16384x128xf32, #tpu.memory_space<vmem>>, vector<128x64xf32>
    tpu.vector_store %arg2[%swap3A_946, %swap3A_947], %transpose3A_945 {strides = array<i32>} : memref<16384x128xf32, #tpu.memory_space<vmem>>, vector<128x64xf32>,
    %get3A_949 = arith.constant 0 : index
    %get3A_950 = arith.constant 17408 : index
    %get3A_951 = vector.load %arg1[%get3A_949, %get3A_950] : memref<64x32768xf32, #tpu.memory_space<vmem>>, vector<64x128xf32>
    %get3A_952 = arith.constant 0 : index
    %get3A_953 = arith.constant 17536 : index
    %get3A_954 = vector.load %arg1[%get3A_952, %get3A_953] : memref<64x32768xf32, #tpu.memory_space<vmem>>, vector<64x128xf32>
    %transpose3A_955 = tpu.transpose %get3A_951, [1, 0] : vector<64x128xf32> -> vector<128x64xf32>
    %swap3A_956 = arith.constant 8704 : index
    %swap3A_957 = arith.constant 0 : index
    %swap3A_958 = vector.load %arg2[%swap3A_956, %swap3A_957] : memref<16384x128xf32, #tpu.memory_space<vmem>>, vector<128x64xf32>
    tpu.vector_store %arg2[%swap3A_956, %swap3A_957], %transpose3A_955 {strides = array<i32>} : memref<16384x128xf32, #tpu.memory_space<vmem>>, vector<128x64xf32>,
    %transpose3A_959 = tpu.transpose %get3A_954, [1, 0] : vector<64x128xf32> -> vector<128x64xf32>
    %swap3A_960 = arith.constant 8704 : index
    %swap3A_961 = arith.constant 64 : index
    %swap3A_962 = vector.load %arg2[%swap3A_960, %swap3A_961] : memref<16384x128xf32, #tpu.memory_space<vmem>>, vector<128x64xf32>
    tpu.vector_store %arg2[%swap3A_960, %swap3A_961], %transpose3A_959 {strides = array<i32>} : memref<16384x128xf32, #tpu.memory_space<vmem>>, vector<128x64xf32>,
    %get3A_963 = arith.constant 0 : index
    %get3A_964 = arith.constant 17664 : index
    %get3A_965 = vector.load %arg1[%get3A_963, %get3A_964] : memref<64x32768xf32, #tpu.memory_space<vmem>>, vector<64x128xf32>
    %get3A_966 = arith.constant 0 : index
    %get3A_967 = arith.constant 17792 : index
    %get3A_968 = vector.load %arg1[%get3A_966, %get3A_967] : memref<64x32768xf32, #tpu.memory_space<vmem>>, vector<64x128xf32>
    %transpose3A_969 = tpu.transpose %get3A_965, [1, 0] : vector<64x128xf32> -> vector<128x64xf32>
    %swap3A_970 = arith.constant 8832 : index
    %swap3A_971 = arith.constant 0 : index
    %swap3A_972 = vector.load %arg2[%swap3A_970, %swap3A_971] : memref<16384x128xf32, #tpu.memory_space<vmem>>, vector<128x64xf32>
    tpu.vector_store %arg2[%swap3A_970, %swap3A_971], %transpose3A_969 {strides = array<i32>} : memref<16384x128xf32, #tpu.memory_space<vmem>>, vector<128x64xf32>,
    %transpose3A_973 = tpu.transpose %get3A_968, [1, 0] : vector<64x128xf32> -> vector<128x64xf32>
    %swap3A_974 = arith.constant 8832 : index
    %swap3A_975 = arith.constant 64 : index
    %swap3A_976 = vector.load %arg2[%swap3A_974, %swap3A_975] : memref<16384x128xf32, #tpu.memory_space<vmem>>, vector<128x64xf32>
    tpu.vector_store %arg2[%swap3A_974, %swap3A_975], %transpose3A_973 {strides = array<i32>} : memref<16384x128xf32, #tpu.memory_space<vmem>>, vector<128x64xf32>,
    %get3A_977 = arith.constant 0 : index
    %get3A_978 = arith.constant 17920 : index
    %get3A_979 = vector.load %arg1[%get3A_977, %get3A_978] : memref<64x32768xf32, #tpu.memory_space<vmem>>, vector<64x128xf32>
    %get3A_980 = arith.constant 0 : index
    %get3A_981 = arith.constant 18048 : index
    %get3A_982 = vector.load %arg1[%get3A_980, %get3A_981] : memref<64x32768xf32, #tpu.memory_space<vmem>>, vector<64x128xf32>
    %transpose3A_983 = tpu.transpose %get3A_979, [1, 0] : vector<64x128xf32> -> vector<128x64xf32>
    %swap3A_984 = arith.constant 8960 : index
    %swap3A_985 = arith.constant 0 : index
    %swap3A_986 = vector.load %arg2[%swap3A_984, %swap3A_985] : memref<16384x128xf32, #tpu.memory_space<vmem>>, vector<128x64xf32>
    tpu.vector_store %arg2[%swap3A_984, %swap3A_985], %transpose3A_983 {strides = array<i32>} : memref<16384x128xf32, #tpu.memory_space<vmem>>, vector<128x64xf32>,
    %transpose3A_987 = tpu.transpose %get3A_982, [1, 0] : vector<64x128xf32> -> vector<128x64xf32>
    %swap3A_988 = arith.constant 8960 : index
    %swap3A_989 = arith.constant 64 : index
    %swap3A_990 = vector.load %arg2[%swap3A_988, %swap3A_989] : memref<16384x128xf32, #tpu.memory_space<vmem>>, vector<128x64xf32>
    tpu.vector_store %arg2[%swap3A_988, %swap3A_989], %transpose3A_987 {strides = array<i32>} : memref<16384x128xf32, #tpu.memory_space<vmem>>, vector<128x64xf32>,
    %get3A_991 = arith.constant 0 : index
    %get3A_992 = arith.constant 18176 : index
    %get3A_993 = vector.load %arg1[%get3A_991, %get3A_992] : memref<64x32768xf32, #tpu.memory_space<vmem>>, vector<64x128xf32>
    %get3A_994 = arith.constant 0 : index
    %get3A_995 = arith.constant 18304 : index
    %get3A_996 = vector.load %arg1[%get3A_994, %get3A_995] : memref<64x32768xf32, #tpu.memory_space<vmem>>, vector<64x128xf32>
    %transpose3A_997 = tpu.transpose %get3A_993, [1, 0] : vector<64x128xf32> -> vector<128x64xf32>
    %swap3A_998 = arith.constant 9088 : index
    %swap3A_999 = arith.constant 0 : index
    %swap3A_1000 = vector.load %arg2[%swap3A_998, %swap3A_999] : memref<16384x128xf32, #tpu.memory_space<vmem>>, vector<128x64xf32>
    tpu.vector_store %arg2[%swap3A_998, %swap3A_999], %transpose3A_997 {strides = array<i32>} : memref<16384x128xf32, #tpu.memory_space<vmem>>, vector<128x64xf32>,
    %transpose3A_1001 = tpu.transpose %get3A_996, [1, 0] : vector<64x128xf32> -> vector<128x64xf32>
    %swap3A_1002 = arith.constant 9088 : index
    %swap3A_1003 = arith.constant 64 : index
    %swap3A_1004 = vector.load %arg2[%swap3A_1002, %swap3A_1003] : memref<16384x128xf32, #tpu.memory_space<vmem>>, vector<128x64xf32>
    tpu.vector_store %arg2[%swap3A_1002, %swap3A_1003], %transpose3A_1001 {strides = array<i32>} : memref<16384x128xf32, #tpu.memory_space<vmem>>, vector<128x64xf32>,
    %get3A_1005 = arith.constant 0 : index
    %get3A_1006 = arith.constant 18432 : index
    %get3A_1007 = vector.load %arg1[%get3A_1005, %get3A_1006] : memref<64x32768xf32, #tpu.memory_space<vmem>>, vector<64x128xf32>
    %get3A_1008 = arith.constant 0 : index
    %get3A_1009 = arith.constant 18560 : index
    %get3A_1010 = vector.load %arg1[%get3A_1008, %get3A_1009] : memref<64x32768xf32, #tpu.memory_space<vmem>>, vector<64x128xf32>
    %transpose3A_1011 = tpu.transpose %get3A_1007, [1, 0] : vector<64x128xf32> -> vector<128x64xf32>
    %swap3A_1012 = arith.constant 9216 : index
    %swap3A_1013 = arith.constant 0 : index
    %swap3A_1014 = vector.load %arg2[%swap3A_1012, %swap3A_1013] : memref<16384x128xf32, #tpu.memory_space<vmem>>, vector<128x64xf32>
    tpu.vector_store %arg2[%swap3A_1012, %swap3A_1013], %transpose3A_1011 {strides = array<i32>} : memref<16384x128xf32, #tpu.memory_space<vmem>>, vector<128x64xf32>,
    %transpose3A_1015 = tpu.transpose %get3A_1010, [1, 0] : vector<64x128xf32> -> vector<128x64xf32>
    %swap3A_1016 = arith.constant 9216 : index
    %swap3A_1017 = arith.constant 64 : index
    %swap3A_1018 = vector.load %arg2[%swap3A_1016, %swap3A_1017] : memref<16384x128xf32, #tpu.memory_space<vmem>>, vector<128x64xf32>
    tpu.vector_store %arg2[%swap3A_1016, %swap3A_1017], %transpose3A_1015 {strides = array<i32>} : memref<16384x128xf32, #tpu.memory_space<vmem>>, vector<128x64xf32>,
    %get3A_1019 = arith.constant 0 : index
    %get3A_1020 = arith.constant 18688 : index
    %get3A_1021 = vector.load %arg1[%get3A_1019, %get3A_1020] : memref<64x32768xf32, #tpu.memory_space<vmem>>, vector<64x128xf32>
    %get3A_1022 = arith.constant 0 : index
    %get3A_1023 = arith.constant 18816 : index
    %get3A_1024 = vector.load %arg1[%get3A_1022, %get3A_1023] : memref<64x32768xf32, #tpu.memory_space<vmem>>, vector<64x128xf32>
    %transpose3A_1025 = tpu.transpose %get3A_1021, [1, 0] : vector<64x128xf32> -> vector<128x64xf32>
    %swap3A_1026 = arith.constant 9344 : index
    %swap3A_1027 = arith.constant 0 : index
    %swap3A_1028 = vector.load %arg2[%swap3A_1026, %swap3A_1027] : memref<16384x128xf32, #tpu.memory_space<vmem>>, vector<128x64xf32>
    tpu.vector_store %arg2[%swap3A_1026, %swap3A_1027], %transpose3A_1025 {strides = array<i32>} : memref<16384x128xf32, #tpu.memory_space<vmem>>, vector<128x64xf32>,
    %transpose3A_1029 = tpu.transpose %get3A_1024, [1, 0] : vector<64x128xf32> -> vector<128x64xf32>
    %swap3A_1030 = arith.constant 9344 : index
    %swap3A_1031 = arith.constant 64 : index
    %swap3A_1032 = vector.load %arg2[%swap3A_1030, %swap3A_1031] : memref<16384x128xf32, #tpu.memory_space<vmem>>, vector<128x64xf32>
    tpu.vector_store %arg2[%swap3A_1030, %swap3A_1031], %transpose3A_1029 {strides = array<i32>} : memref<16384x128xf32, #tpu.memory_space<vmem>>, vector<128x64xf32>,
    %get3A_1033 = arith.constant 0 : index
    %get3A_1034 = arith.constant 18944 : index
    %get3A_1035 = vector.load %arg1[%get3A_1033, %get3A_1034] : memref<64x32768xf32, #tpu.memory_space<vmem>>, vector<64x128xf32>
    %get3A_1036 = arith.constant 0 : index
    %get3A_1037 = arith.constant 19072 : index
    %get3A_1038 = vector.load %arg1[%get3A_1036, %get3A_1037] : memref<64x32768xf32, #tpu.memory_space<vmem>>, vector<64x128xf32>
    %transpose3A_1039 = tpu.transpose %get3A_1035, [1, 0] : vector<64x128xf32> -> vector<128x64xf32>
    %swap3A_1040 = arith.constant 9472 : index
    %swap3A_1041 = arith.constant 0 : index
    %swap3A_1042 = vector.load %arg2[%swap3A_1040, %swap3A_1041] : memref<16384x128xf32, #tpu.memory_space<vmem>>, vector<128x64xf32>
    tpu.vector_store %arg2[%swap3A_1040, %swap3A_1041], %transpose3A_1039 {strides = array<i32>} : memref<16384x128xf32, #tpu.memory_space<vmem>>, vector<128x64xf32>,
    %transpose3A_1043 = tpu.transpose %get3A_1038, [1, 0] : vector<64x128xf32> -> vector<128x64xf32>
    %swap3A_1044 = arith.constant 9472 : index
    %swap3A_1045 = arith.constant 64 : index
    %swap3A_1046 = vector.load %arg2[%swap3A_1044, %swap3A_1045] : memref<16384x128xf32, #tpu.memory_space<vmem>>, vector<128x64xf32>
    tpu.vector_store %arg2[%swap3A_1044, %swap3A_1045], %transpose3A_1043 {strides = array<i32>} : memref<16384x128xf32, #tpu.memory_space<vmem>>, vector<128x64xf32>,
    %get3A_1047 = arith.constant 0 : index
    %get3A_1048 = arith.constant 19200 : index
    %get3A_1049 = vector.load %arg1[%get3A_1047, %get3A_1048] : memref<64x32768xf32, #tpu.memory_space<vmem>>, vector<64x128xf32>
    %get3A_1050 = arith.constant 0 : index
    %get3A_1051 = arith.constant 19328 : index
    %get3A_1052 = vector.load %arg1[%get3A_1050, %get3A_1051] : memref<64x32768xf32, #tpu.memory_space<vmem>>, vector<64x128xf32>
    %transpose3A_1053 = tpu.transpose %get3A_1049, [1, 0] : vector<64x128xf32> -> vector<128x64xf32>
    %swap3A_1054 = arith.constant 9600 : index
    %swap3A_1055 = arith.constant 0 : index
    %swap3A_1056 = vector.load %arg2[%swap3A_1054, %swap3A_1055] : memref<16384x128xf32, #tpu.memory_space<vmem>>, vector<128x64xf32>
    tpu.vector_store %arg2[%swap3A_1054, %swap3A_1055], %transpose3A_1053 {strides = array<i32>} : memref<16384x128xf32, #tpu.memory_space<vmem>>, vector<128x64xf32>,
    %transpose3A_1057 = tpu.transpose %get3A_1052, [1, 0] : vector<64x128xf32> -> vector<128x64xf32>
    %swap3A_1058 = arith.constant 9600 : index
    %swap3A_1059 = arith.constant 64 : index
    %swap3A_1060 = vector.load %arg2[%swap3A_1058, %swap3A_1059] : memref<16384x128xf32, #tpu.memory_space<vmem>>, vector<128x64xf32>
    tpu.vector_store %arg2[%swap3A_1058, %swap3A_1059], %transpose3A_1057 {strides = array<i32>} : memref<16384x128xf32, #tpu.memory_space<vmem>>, vector<128x64xf32>,
    %get3A_1061 = arith.constant 0 : index
    %get3A_1062 = arith.constant 19456 : index
    %get3A_1063 = vector.load %arg1[%get3A_1061, %get3A_1062] : memref<64x32768xf32, #tpu.memory_space<vmem>>, vector<64x128xf32>
    %get3A_1064 = arith.constant 0 : index
    %get3A_1065 = arith.constant 19584 : index
    %get3A_1066 = vector.load %arg1[%get3A_1064, %get3A_1065] : memref<64x32768xf32, #tpu.memory_space<vmem>>, vector<64x128xf32>
    %transpose3A_1067 = tpu.transpose %get3A_1063, [1, 0] : vector<64x128xf32> -> vector<128x64xf32>
    %swap3A_1068 = arith.constant 9728 : index
    %swap3A_1069 = arith.constant 0 : index
    %swap3A_1070 = vector.load %arg2[%swap3A_1068, %swap3A_1069] : memref<16384x128xf32, #tpu.memory_space<vmem>>, vector<128x64xf32>
    tpu.vector_store %arg2[%swap3A_1068, %swap3A_1069], %transpose3A_1067 {strides = array<i32>} : memref<16384x128xf32, #tpu.memory_space<vmem>>, vector<128x64xf32>,
    %transpose3A_1071 = tpu.transpose %get3A_1066, [1, 0] : vector<64x128xf32> -> vector<128x64xf32>
    %swap3A_1072 = arith.constant 9728 : index
    %swap3A_1073 = arith.constant 64 : index
    %swap3A_1074 = vector.load %arg2[%swap3A_1072, %swap3A_1073] : memref<16384x128xf32, #tpu.memory_space<vmem>>, vector<128x64xf32>
    tpu.vector_store %arg2[%swap3A_1072, %swap3A_1073], %transpose3A_1071 {strides = array<i32>} : memref<16384x128xf32, #tpu.memory_space<vmem>>, vector<128x64xf32>,
    %get3A_1075 = arith.constant 0 : index
    %get3A_1076 = arith.constant 19712 : index
    %get3A_1077 = vector.load %arg1[%get3A_1075, %get3A_1076] : memref<64x32768xf32, #tpu.memory_space<vmem>>, vector<64x128xf32>
    %get3A_1078 = arith.constant 0 : index
    %get3A_1079 = arith.constant 19840 : index
    %get3A_1080 = vector.load %arg1[%get3A_1078, %get3A_1079] : memref<64x32768xf32, #tpu.memory_space<vmem>>, vector<64x128xf32>
    %transpose3A_1081 = tpu.transpose %get3A_1077, [1, 0] : vector<64x128xf32> -> vector<128x64xf32>
    %swap3A_1082 = arith.constant 9856 : index
    %swap3A_1083 = arith.constant 0 : index
    %swap3A_1084 = vector.load %arg2[%swap3A_1082, %swap3A_1083] : memref<16384x128xf32, #tpu.memory_space<vmem>>, vector<128x64xf32>
    tpu.vector_store %arg2[%swap3A_1082, %swap3A_1083], %transpose3A_1081 {strides = array<i32>} : memref<16384x128xf32, #tpu.memory_space<vmem>>, vector<128x64xf32>,
    %transpose3A_1085 = tpu.transpose %get3A_1080, [1, 0] : vector<64x128xf32> -> vector<128x64xf32>
    %swap3A_1086 = arith.constant 9856 : index
    %swap3A_1087 = arith.constant 64 : index
    %swap3A_1088 = vector.load %arg2[%swap3A_1086, %swap3A_1087] : memref<16384x128xf32, #tpu.memory_space<vmem>>, vector<128x64xf32>
    tpu.vector_store %arg2[%swap3A_1086, %swap3A_1087], %transpose3A_1085 {strides = array<i32>} : memref<16384x128xf32, #tpu.memory_space<vmem>>, vector<128x64xf32>,
    %get3A_1089 = arith.constant 0 : index
    %get3A_1090 = arith.constant 19968 : index
    %get3A_1091 = vector.load %arg1[%get3A_1089, %get3A_1090] : memref<64x32768xf32, #tpu.memory_space<vmem>>, vector<64x128xf32>
    %get3A_1092 = arith.constant 0 : index
    %get3A_1093 = arith.constant 20096 : index
    %get3A_1094 = vector.load %arg1[%get3A_1092, %get3A_1093] : memref<64x32768xf32, #tpu.memory_space<vmem>>, vector<64x128xf32>
    %transpose3A_1095 = tpu.transpose %get3A_1091, [1, 0] : vector<64x128xf32> -> vector<128x64xf32>
    %swap3A_1096 = arith.constant 9984 : index
    %swap3A_1097 = arith.constant 0 : index
    %swap3A_1098 = vector.load %arg2[%swap3A_1096, %swap3A_1097] : memref<16384x128xf32, #tpu.memory_space<vmem>>, vector<128x64xf32>
    tpu.vector_store %arg2[%swap3A_1096, %swap3A_1097], %transpose3A_1095 {strides = array<i32>} : memref<16384x128xf32, #tpu.memory_space<vmem>>, vector<128x64xf32>,
    %transpose3A_1099 = tpu.transpose %get3A_1094, [1, 0] : vector<64x128xf32> -> vector<128x64xf32>
    %swap3A_1100 = arith.constant 9984 : index
    %swap3A_1101 = arith.constant 64 : index
    %swap3A_1102 = vector.load %arg2[%swap3A_1100, %swap3A_1101] : memref<16384x128xf32, #tpu.memory_space<vmem>>, vector<128x64xf32>
    tpu.vector_store %arg2[%swap3A_1100, %swap3A_1101], %transpose3A_1099 {strides = array<i32>} : memref<16384x128xf32, #tpu.memory_space<vmem>>, vector<128x64xf32>,
    %get3A_1103 = arith.constant 0 : index
    %get3A_1104 = arith.constant 20224 : index
    %get3A_1105 = vector.load %arg1[%get3A_1103, %get3A_1104] : memref<64x32768xf32, #tpu.memory_space<vmem>>, vector<64x128xf32>
    %get3A_1106 = arith.constant 0 : index
    %get3A_1107 = arith.constant 20352 : index
    %get3A_1108 = vector.load %arg1[%get3A_1106, %get3A_1107] : memref<64x32768xf32, #tpu.memory_space<vmem>>, vector<64x128xf32>
    %transpose3A_1109 = tpu.transpose %get3A_1105, [1, 0] : vector<64x128xf32> -> vector<128x64xf32>
    %swap3A_1110 = arith.constant 10112 : index
    %swap3A_1111 = arith.constant 0 : index
    %swap3A_1112 = vector.load %arg2[%swap3A_1110, %swap3A_1111] : memref<16384x128xf32, #tpu.memory_space<vmem>>, vector<128x64xf32>
    tpu.vector_store %arg2[%swap3A_1110, %swap3A_1111], %transpose3A_1109 {strides = array<i32>} : memref<16384x128xf32, #tpu.memory_space<vmem>>, vector<128x64xf32>,
    %transpose3A_1113 = tpu.transpose %get3A_1108, [1, 0] : vector<64x128xf32> -> vector<128x64xf32>
    %swap3A_1114 = arith.constant 10112 : index
    %swap3A_1115 = arith.constant 64 : index
    %swap3A_1116 = vector.load %arg2[%swap3A_1114, %swap3A_1115] : memref<16384x128xf32, #tpu.memory_space<vmem>>, vector<128x64xf32>
    tpu.vector_store %arg2[%swap3A_1114, %swap3A_1115], %transpose3A_1113 {strides = array<i32>} : memref<16384x128xf32, #tpu.memory_space<vmem>>, vector<128x64xf32>,
    %get3A_1117 = arith.constant 0 : index
    %get3A_1118 = arith.constant 20480 : index
    %get3A_1119 = vector.load %arg1[%get3A_1117, %get3A_1118] : memref<64x32768xf32, #tpu.memory_space<vmem>>, vector<64x128xf32>
    %get3A_1120 = arith.constant 0 : index
    %get3A_1121 = arith.constant 20608 : index
    %get3A_1122 = vector.load %arg1[%get3A_1120, %get3A_1121] : memref<64x32768xf32, #tpu.memory_space<vmem>>, vector<64x128xf32>
    %transpose3A_1123 = tpu.transpose %get3A_1119, [1, 0] : vector<64x128xf32> -> vector<128x64xf32>
    %swap3A_1124 = arith.constant 10240 : index
    %swap3A_1125 = arith.constant 0 : index
    %swap3A_1126 = vector.load %arg2[%swap3A_1124, %swap3A_1125] : memref<16384x128xf32, #tpu.memory_space<vmem>>, vector<128x64xf32>
    tpu.vector_store %arg2[%swap3A_1124, %swap3A_1125], %transpose3A_1123 {strides = array<i32>} : memref<16384x128xf32, #tpu.memory_space<vmem>>, vector<128x64xf32>,
    %transpose3A_1127 = tpu.transpose %get3A_1122, [1, 0] : vector<64x128xf32> -> vector<128x64xf32>
    %swap3A_1128 = arith.constant 10240 : index
    %swap3A_1129 = arith.constant 64 : index
    %swap3A_1130 = vector.load %arg2[%swap3A_1128, %swap3A_1129] : memref<16384x128xf32, #tpu.memory_space<vmem>>, vector<128x64xf32>
    tpu.vector_store %arg2[%swap3A_1128, %swap3A_1129], %transpose3A_1127 {strides = array<i32>} : memref<16384x128xf32, #tpu.memory_space<vmem>>, vector<128x64xf32>,
    %get3A_1131 = arith.constant 0 : index
    %get3A_1132 = arith.constant 20736 : index
    %get3A_1133 = vector.load %arg1[%get3A_1131, %get3A_1132] : memref<64x32768xf32, #tpu.memory_space<vmem>>, vector<64x128xf32>
    %get3A_1134 = arith.constant 0 : index
    %get3A_1135 = arith.constant 20864 : index
    %get3A_1136 = vector.load %arg1[%get3A_1134, %get3A_1135] : memref<64x32768xf32, #tpu.memory_space<vmem>>, vector<64x128xf32>
    %transpose3A_1137 = tpu.transpose %get3A_1133, [1, 0] : vector<64x128xf32> -> vector<128x64xf32>
    %swap3A_1138 = arith.constant 10368 : index
    %swap3A_1139 = arith.constant 0 : index
    %swap3A_1140 = vector.load %arg2[%swap3A_1138, %swap3A_1139] : memref<16384x128xf32, #tpu.memory_space<vmem>>, vector<128x64xf32>
    tpu.vector_store %arg2[%swap3A_1138, %swap3A_1139], %transpose3A_1137 {strides = array<i32>} : memref<16384x128xf32, #tpu.memory_space<vmem>>, vector<128x64xf32>,
    %transpose3A_1141 = tpu.transpose %get3A_1136, [1, 0] : vector<64x128xf32> -> vector<128x64xf32>
    %swap3A_1142 = arith.constant 10368 : index
    %swap3A_1143 = arith.constant 64 : index
    %swap3A_1144 = vector.load %arg2[%swap3A_1142, %swap3A_1143] : memref<16384x128xf32, #tpu.memory_space<vmem>>, vector<128x64xf32>
    tpu.vector_store %arg2[%swap3A_1142, %swap3A_1143], %transpose3A_1141 {strides = array<i32>} : memref<16384x128xf32, #tpu.memory_space<vmem>>, vector<128x64xf32>,
    %get3A_1145 = arith.constant 0 : index
    %get3A_1146 = arith.constant 20992 : index
    %get3A_1147 = vector.load %arg1[%get3A_1145, %get3A_1146] : memref<64x32768xf32, #tpu.memory_space<vmem>>, vector<64x128xf32>
    %get3A_1148 = arith.constant 0 : index
    %get3A_1149 = arith.constant 21120 : index
    %get3A_1150 = vector.load %arg1[%get3A_1148, %get3A_1149] : memref<64x32768xf32, #tpu.memory_space<vmem>>, vector<64x128xf32>
    %transpose3A_1151 = tpu.transpose %get3A_1147, [1, 0] : vector<64x128xf32> -> vector<128x64xf32>
    %swap3A_1152 = arith.constant 10496 : index
    %swap3A_1153 = arith.constant 0 : index
    %swap3A_1154 = vector.load %arg2[%swap3A_1152, %swap3A_1153] : memref<16384x128xf32, #tpu.memory_space<vmem>>, vector<128x64xf32>
    tpu.vector_store %arg2[%swap3A_1152, %swap3A_1153], %transpose3A_1151 {strides = array<i32>} : memref<16384x128xf32, #tpu.memory_space<vmem>>, vector<128x64xf32>,
    %transpose3A_1155 = tpu.transpose %get3A_1150, [1, 0] : vector<64x128xf32> -> vector<128x64xf32>
    %swap3A_1156 = arith.constant 10496 : index
    %swap3A_1157 = arith.constant 64 : index
    %swap3A_1158 = vector.load %arg2[%swap3A_1156, %swap3A_1157] : memref<16384x128xf32, #tpu.memory_space<vmem>>, vector<128x64xf32>
    tpu.vector_store %arg2[%swap3A_1156, %swap3A_1157], %transpose3A_1155 {strides = array<i32>} : memref<16384x128xf32, #tpu.memory_space<vmem>>, vector<128x64xf32>,
    %get3A_1159 = arith.constant 0 : index
    %get3A_1160 = arith.constant 21248 : index
    %get3A_1161 = vector.load %arg1[%get3A_1159, %get3A_1160] : memref<64x32768xf32, #tpu.memory_space<vmem>>, vector<64x128xf32>
    %get3A_1162 = arith.constant 0 : index
    %get3A_1163 = arith.constant 21376 : index
    %get3A_1164 = vector.load %arg1[%get3A_1162, %get3A_1163] : memref<64x32768xf32, #tpu.memory_space<vmem>>, vector<64x128xf32>
    %transpose3A_1165 = tpu.transpose %get3A_1161, [1, 0] : vector<64x128xf32> -> vector<128x64xf32>
    %swap3A_1166 = arith.constant 10624 : index
    %swap3A_1167 = arith.constant 0 : index
    %swap3A_1168 = vector.load %arg2[%swap3A_1166, %swap3A_1167] : memref<16384x128xf32, #tpu.memory_space<vmem>>, vector<128x64xf32>
    tpu.vector_store %arg2[%swap3A_1166, %swap3A_1167], %transpose3A_1165 {strides = array<i32>} : memref<16384x128xf32, #tpu.memory_space<vmem>>, vector<128x64xf32>,
    %transpose3A_1169 = tpu.transpose %get3A_1164, [1, 0] : vector<64x128xf32> -> vector<128x64xf32>
    %swap3A_1170 = arith.constant 10624 : index
    %swap3A_1171 = arith.constant 64 : index
    %swap3A_1172 = vector.load %arg2[%swap3A_1170, %swap3A_1171] : memref<16384x128xf32, #tpu.memory_space<vmem>>, vector<128x64xf32>
    tpu.vector_store %arg2[%swap3A_1170, %swap3A_1171], %transpose3A_1169 {strides = array<i32>} : memref<16384x128xf32, #tpu.memory_space<vmem>>, vector<128x64xf32>,
    %get3A_1173 = arith.constant 0 : index
    %get3A_1174 = arith.constant 21504 : index
    %get3A_1175 = vector.load %arg1[%get3A_1173, %get3A_1174] : memref<64x32768xf32, #tpu.memory_space<vmem>>, vector<64x128xf32>
    %get3A_1176 = arith.constant 0 : index
    %get3A_1177 = arith.constant 21632 : index
    %get3A_1178 = vector.load %arg1[%get3A_1176, %get3A_1177] : memref<64x32768xf32, #tpu.memory_space<vmem>>, vector<64x128xf32>
    %transpose3A_1179 = tpu.transpose %get3A_1175, [1, 0] : vector<64x128xf32> -> vector<128x64xf32>
    %swap3A_1180 = arith.constant 10752 : index
    %swap3A_1181 = arith.constant 0 : index
    %swap3A_1182 = vector.load %arg2[%swap3A_1180, %swap3A_1181] : memref<16384x128xf32, #tpu.memory_space<vmem>>, vector<128x64xf32>
    tpu.vector_store %arg2[%swap3A_1180, %swap3A_1181], %transpose3A_1179 {strides = array<i32>} : memref<16384x128xf32, #tpu.memory_space<vmem>>, vector<128x64xf32>,
    %transpose3A_1183 = tpu.transpose %get3A_1178, [1, 0] : vector<64x128xf32> -> vector<128x64xf32>
    %swap3A_1184 = arith.constant 10752 : index
    %swap3A_1185 = arith.constant 64 : index
    %swap3A_1186 = vector.load %arg2[%swap3A_1184, %swap3A_1185] : memref<16384x128xf32, #tpu.memory_space<vmem>>, vector<128x64xf32>
    tpu.vector_store %arg2[%swap3A_1184, %swap3A_1185], %transpose3A_1183 {strides = array<i32>} : memref<16384x128xf32, #tpu.memory_space<vmem>>, vector<128x64xf32>,
    %get3A_1187 = arith.constant 0 : index
    %get3A_1188 = arith.constant 21760 : index
    %get3A_1189 = vector.load %arg1[%get3A_1187, %get3A_1188] : memref<64x32768xf32, #tpu.memory_space<vmem>>, vector<64x128xf32>
    %get3A_1190 = arith.constant 0 : index
    %get3A_1191 = arith.constant 21888 : index
    %get3A_1192 = vector.load %arg1[%get3A_1190, %get3A_1191] : memref<64x32768xf32, #tpu.memory_space<vmem>>, vector<64x128xf32>
    %transpose3A_1193 = tpu.transpose %get3A_1189, [1, 0] : vector<64x128xf32> -> vector<128x64xf32>
    %swap3A_1194 = arith.constant 10880 : index
    %swap3A_1195 = arith.constant 0 : index
    %swap3A_1196 = vector.load %arg2[%swap3A_1194, %swap3A_1195] : memref<16384x128xf32, #tpu.memory_space<vmem>>, vector<128x64xf32>
    tpu.vector_store %arg2[%swap3A_1194, %swap3A_1195], %transpose3A_1193 {strides = array<i32>} : memref<16384x128xf32, #tpu.memory_space<vmem>>, vector<128x64xf32>,
    %transpose3A_1197 = tpu.transpose %get3A_1192, [1, 0] : vector<64x128xf32> -> vector<128x64xf32>
    %swap3A_1198 = arith.constant 10880 : index
    %swap3A_1199 = arith.constant 64 : index
    %swap3A_1200 = vector.load %arg2[%swap3A_1198, %swap3A_1199] : memref<16384x128xf32, #tpu.memory_space<vmem>>, vector<128x64xf32>
    tpu.vector_store %arg2[%swap3A_1198, %swap3A_1199], %transpose3A_1197 {strides = array<i32>} : memref<16384x128xf32, #tpu.memory_space<vmem>>, vector<128x64xf32>,
    %get3A_1201 = arith.constant 0 : index
    %get3A_1202 = arith.constant 22016 : index
    %get3A_1203 = vector.load %arg1[%get3A_1201, %get3A_1202] : memref<64x32768xf32, #tpu.memory_space<vmem>>, vector<64x128xf32>
    %get3A_1204 = arith.constant 0 : index
    %get3A_1205 = arith.constant 22144 : index
    %get3A_1206 = vector.load %arg1[%get3A_1204, %get3A_1205] : memref<64x32768xf32, #tpu.memory_space<vmem>>, vector<64x128xf32>
    %transpose3A_1207 = tpu.transpose %get3A_1203, [1, 0] : vector<64x128xf32> -> vector<128x64xf32>
    %swap3A_1208 = arith.constant 11008 : index
    %swap3A_1209 = arith.constant 0 : index
    %swap3A_1210 = vector.load %arg2[%swap3A_1208, %swap3A_1209] : memref<16384x128xf32, #tpu.memory_space<vmem>>, vector<128x64xf32>
    tpu.vector_store %arg2[%swap3A_1208, %swap3A_1209], %transpose3A_1207 {strides = array<i32>} : memref<16384x128xf32, #tpu.memory_space<vmem>>, vector<128x64xf32>,
    %transpose3A_1211 = tpu.transpose %get3A_1206, [1, 0] : vector<64x128xf32> -> vector<128x64xf32>
    %swap3A_1212 = arith.constant 11008 : index
    %swap3A_1213 = arith.constant 64 : index
    %swap3A_1214 = vector.load %arg2[%swap3A_1212, %swap3A_1213] : memref<16384x128xf32, #tpu.memory_space<vmem>>, vector<128x64xf32>
    tpu.vector_store %arg2[%swap3A_1212, %swap3A_1213], %transpose3A_1211 {strides = array<i32>} : memref<16384x128xf32, #tpu.memory_space<vmem>>, vector<128x64xf32>,
    %get3A_1215 = arith.constant 0 : index
    %get3A_1216 = arith.constant 22272 : index
    %get3A_1217 = vector.load %arg1[%get3A_1215, %get3A_1216] : memref<64x32768xf32, #tpu.memory_space<vmem>>, vector<64x128xf32>
    %get3A_1218 = arith.constant 0 : index
    %get3A_1219 = arith.constant 22400 : index
    %get3A_1220 = vector.load %arg1[%get3A_1218, %get3A_1219] : memref<64x32768xf32, #tpu.memory_space<vmem>>, vector<64x128xf32>
    %transpose3A_1221 = tpu.transpose %get3A_1217, [1, 0] : vector<64x128xf32> -> vector<128x64xf32>
    %swap3A_1222 = arith.constant 11136 : index
    %swap3A_1223 = arith.constant 0 : index
    %swap3A_1224 = vector.load %arg2[%swap3A_1222, %swap3A_1223] : memref<16384x128xf32, #tpu.memory_space<vmem>>, vector<128x64xf32>
    tpu.vector_store %arg2[%swap3A_1222, %swap3A_1223], %transpose3A_1221 {strides = array<i32>} : memref<16384x128xf32, #tpu.memory_space<vmem>>, vector<128x64xf32>,
    %transpose3A_1225 = tpu.transpose %get3A_1220, [1, 0] : vector<64x128xf32> -> vector<128x64xf32>
    %swap3A_1226 = arith.constant 11136 : index
    %swap3A_1227 = arith.constant 64 : index
    %swap3A_1228 = vector.load %arg2[%swap3A_1226, %swap3A_1227] : memref<16384x128xf32, #tpu.memory_space<vmem>>, vector<128x64xf32>
    tpu.vector_store %arg2[%swap3A_1226, %swap3A_1227], %transpose3A_1225 {strides = array<i32>} : memref<16384x128xf32, #tpu.memory_space<vmem>>, vector<128x64xf32>,
    %get3A_1229 = arith.constant 0 : index
    %get3A_1230 = arith.constant 22528 : index
    %get3A_1231 = vector.load %arg1[%get3A_1229, %get3A_1230] : memref<64x32768xf32, #tpu.memory_space<vmem>>, vector<64x128xf32>
    %get3A_1232 = arith.constant 0 : index
    %get3A_1233 = arith.constant 22656 : index
    %get3A_1234 = vector.load %arg1[%get3A_1232, %get3A_1233] : memref<64x32768xf32, #tpu.memory_space<vmem>>, vector<64x128xf32>
    %transpose3A_1235 = tpu.transpose %get3A_1231, [1, 0] : vector<64x128xf32> -> vector<128x64xf32>
    %swap3A_1236 = arith.constant 11264 : index
    %swap3A_1237 = arith.constant 0 : index
    %swap3A_1238 = vector.load %arg2[%swap3A_1236, %swap3A_1237] : memref<16384x128xf32, #tpu.memory_space<vmem>>, vector<128x64xf32>
    tpu.vector_store %arg2[%swap3A_1236, %swap3A_1237], %transpose3A_1235 {strides = array<i32>} : memref<16384x128xf32, #tpu.memory_space<vmem>>, vector<128x64xf32>,
    %transpose3A_1239 = tpu.transpose %get3A_1234, [1, 0] : vector<64x128xf32> -> vector<128x64xf32>
    %swap3A_1240 = arith.constant 11264 : index
    %swap3A_1241 = arith.constant 64 : index
    %swap3A_1242 = vector.load %arg2[%swap3A_1240, %swap3A_1241] : memref<16384x128xf32, #tpu.memory_space<vmem>>, vector<128x64xf32>
    tpu.vector_store %arg2[%swap3A_1240, %swap3A_1241], %transpose3A_1239 {strides = array<i32>} : memref<16384x128xf32, #tpu.memory_space<vmem>>, vector<128x64xf32>,
    %get3A_1243 = arith.constant 0 : index
    %get3A_1244 = arith.constant 22784 : index
    %get3A_1245 = vector.load %arg1[%get3A_1243, %get3A_1244] : memref<64x32768xf32, #tpu.memory_space<vmem>>, vector<64x128xf32>
    %get3A_1246 = arith.constant 0 : index
    %get3A_1247 = arith.constant 22912 : index
    %get3A_1248 = vector.load %arg1[%get3A_1246, %get3A_1247] : memref<64x32768xf32, #tpu.memory_space<vmem>>, vector<64x128xf32>
    %transpose3A_1249 = tpu.transpose %get3A_1245, [1, 0] : vector<64x128xf32> -> vector<128x64xf32>
    %swap3A_1250 = arith.constant 11392 : index
    %swap3A_1251 = arith.constant 0 : index
    %swap3A_1252 = vector.load %arg2[%swap3A_1250, %swap3A_1251] : memref<16384x128xf32, #tpu.memory_space<vmem>>, vector<128x64xf32>
    tpu.vector_store %arg2[%swap3A_1250, %swap3A_1251], %transpose3A_1249 {strides = array<i32>} : memref<16384x128xf32, #tpu.memory_space<vmem>>, vector<128x64xf32>,
    %transpose3A_1253 = tpu.transpose %get3A_1248, [1, 0] : vector<64x128xf32> -> vector<128x64xf32>
    %swap3A_1254 = arith.constant 11392 : index
    %swap3A_1255 = arith.constant 64 : index
    %swap3A_1256 = vector.load %arg2[%swap3A_1254, %swap3A_1255] : memref<16384x128xf32, #tpu.memory_space<vmem>>, vector<128x64xf32>
    tpu.vector_store %arg2[%swap3A_1254, %swap3A_1255], %transpose3A_1253 {strides = array<i32>} : memref<16384x128xf32, #tpu.memory_space<vmem>>, vector<128x64xf32>,
    %get3A_1257 = arith.constant 0 : index
    %get3A_1258 = arith.constant 23040 : index
    %get3A_1259 = vector.load %arg1[%get3A_1257, %get3A_1258] : memref<64x32768xf32, #tpu.memory_space<vmem>>, vector<64x128xf32>
    %get3A_1260 = arith.constant 0 : index
    %get3A_1261 = arith.constant 23168 : index
    %get3A_1262 = vector.load %arg1[%get3A_1260, %get3A_1261] : memref<64x32768xf32, #tpu.memory_space<vmem>>, vector<64x128xf32>
    %transpose3A_1263 = tpu.transpose %get3A_1259, [1, 0] : vector<64x128xf32> -> vector<128x64xf32>
    %swap3A_1264 = arith.constant 11520 : index
    %swap3A_1265 = arith.constant 0 : index
    %swap3A_1266 = vector.load %arg2[%swap3A_1264, %swap3A_1265] : memref<16384x128xf32, #tpu.memory_space<vmem>>, vector<128x64xf32>
    tpu.vector_store %arg2[%swap3A_1264, %swap3A_1265], %transpose3A_1263 {strides = array<i32>} : memref<16384x128xf32, #tpu.memory_space<vmem>>, vector<128x64xf32>,
    %transpose3A_1267 = tpu.transpose %get3A_1262, [1, 0] : vector<64x128xf32> -> vector<128x64xf32>
    %swap3A_1268 = arith.constant 11520 : index
    %swap3A_1269 = arith.constant 64 : index
    %swap3A_1270 = vector.load %arg2[%swap3A_1268, %swap3A_1269] : memref<16384x128xf32, #tpu.memory_space<vmem>>, vector<128x64xf32>
    tpu.vector_store %arg2[%swap3A_1268, %swap3A_1269], %transpose3A_1267 {strides = array<i32>} : memref<16384x128xf32, #tpu.memory_space<vmem>>, vector<128x64xf32>,
    %get3A_1271 = arith.constant 0 : index
    %get3A_1272 = arith.constant 23296 : index
    %get3A_1273 = vector.load %arg1[%get3A_1271, %get3A_1272] : memref<64x32768xf32, #tpu.memory_space<vmem>>, vector<64x128xf32>
    %get3A_1274 = arith.constant 0 : index
    %get3A_1275 = arith.constant 23424 : index
    %get3A_1276 = vector.load %arg1[%get3A_1274, %get3A_1275] : memref<64x32768xf32, #tpu.memory_space<vmem>>, vector<64x128xf32>
    %transpose3A_1277 = tpu.transpose %get3A_1273, [1, 0] : vector<64x128xf32> -> vector<128x64xf32>
    %swap3A_1278 = arith.constant 11648 : index
    %swap3A_1279 = arith.constant 0 : index
    %swap3A_1280 = vector.load %arg2[%swap3A_1278, %swap3A_1279] : memref<16384x128xf32, #tpu.memory_space<vmem>>, vector<128x64xf32>
    tpu.vector_store %arg2[%swap3A_1278, %swap3A_1279], %transpose3A_1277 {strides = array<i32>} : memref<16384x128xf32, #tpu.memory_space<vmem>>, vector<128x64xf32>,
    %transpose3A_1281 = tpu.transpose %get3A_1276, [1, 0] : vector<64x128xf32> -> vector<128x64xf32>
    %swap3A_1282 = arith.constant 11648 : index
    %swap3A_1283 = arith.constant 64 : index
    %swap3A_1284 = vector.load %arg2[%swap3A_1282, %swap3A_1283] : memref<16384x128xf32, #tpu.memory_space<vmem>>, vector<128x64xf32>
    tpu.vector_store %arg2[%swap3A_1282, %swap3A_1283], %transpose3A_1281 {strides = array<i32>} : memref<16384x128xf32, #tpu.memory_space<vmem>>, vector<128x64xf32>,
    %get3A_1285 = arith.constant 0 : index
    %get3A_1286 = arith.constant 23552 : index
    %get3A_1287 = vector.load %arg1[%get3A_1285, %get3A_1286] : memref<64x32768xf32, #tpu.memory_space<vmem>>, vector<64x128xf32>
    %get3A_1288 = arith.constant 0 : index
    %get3A_1289 = arith.constant 23680 : index
    %get3A_1290 = vector.load %arg1[%get3A_1288, %get3A_1289] : memref<64x32768xf32, #tpu.memory_space<vmem>>, vector<64x128xf32>
    %transpose3A_1291 = tpu.transpose %get3A_1287, [1, 0] : vector<64x128xf32> -> vector<128x64xf32>
    %swap3A_1292 = arith.constant 11776 : index
    %swap3A_1293 = arith.constant 0 : index
    %swap3A_1294 = vector.load %arg2[%swap3A_1292, %swap3A_1293] : memref<16384x128xf32, #tpu.memory_space<vmem>>, vector<128x64xf32>
    tpu.vector_store %arg2[%swap3A_1292, %swap3A_1293], %transpose3A_1291 {strides = array<i32>} : memref<16384x128xf32, #tpu.memory_space<vmem>>, vector<128x64xf32>,
    %transpose3A_1295 = tpu.transpose %get3A_1290, [1, 0] : vector<64x128xf32> -> vector<128x64xf32>
    %swap3A_1296 = arith.constant 11776 : index
    %swap3A_1297 = arith.constant 64 : index
    %swap3A_1298 = vector.load %arg2[%swap3A_1296, %swap3A_1297] : memref<16384x128xf32, #tpu.memory_space<vmem>>, vector<128x64xf32>
    tpu.vector_store %arg2[%swap3A_1296, %swap3A_1297], %transpose3A_1295 {strides = array<i32>} : memref<16384x128xf32, #tpu.memory_space<vmem>>, vector<128x64xf32>,
    %get3A_1299 = arith.constant 0 : index
    %get3A_1300 = arith.constant 23808 : index
    %get3A_1301 = vector.load %arg1[%get3A_1299, %get3A_1300] : memref<64x32768xf32, #tpu.memory_space<vmem>>, vector<64x128xf32>
    %get3A_1302 = arith.constant 0 : index
    %get3A_1303 = arith.constant 23936 : index
    %get3A_1304 = vector.load %arg1[%get3A_1302, %get3A_1303] : memref<64x32768xf32, #tpu.memory_space<vmem>>, vector<64x128xf32>
    %transpose3A_1305 = tpu.transpose %get3A_1301, [1, 0] : vector<64x128xf32> -> vector<128x64xf32>
    %swap3A_1306 = arith.constant 11904 : index
    %swap3A_1307 = arith.constant 0 : index
    %swap3A_1308 = vector.load %arg2[%swap3A_1306, %swap3A_1307] : memref<16384x128xf32, #tpu.memory_space<vmem>>, vector<128x64xf32>
    tpu.vector_store %arg2[%swap3A_1306, %swap3A_1307], %transpose3A_1305 {strides = array<i32>} : memref<16384x128xf32, #tpu.memory_space<vmem>>, vector<128x64xf32>,
    %transpose3A_1309 = tpu.transpose %get3A_1304, [1, 0] : vector<64x128xf32> -> vector<128x64xf32>
    %swap3A_1310 = arith.constant 11904 : index
    %swap3A_1311 = arith.constant 64 : index
    %swap3A_1312 = vector.load %arg2[%swap3A_1310, %swap3A_1311] : memref<16384x128xf32, #tpu.memory_space<vmem>>, vector<128x64xf32>
    tpu.vector_store %arg2[%swap3A_1310, %swap3A_1311], %transpose3A_1309 {strides = array<i32>} : memref<16384x128xf32, #tpu.memory_space<vmem>>, vector<128x64xf32>,
    %get3A_1313 = arith.constant 0 : index
    %get3A_1314 = arith.constant 24064 : index
    %get3A_1315 = vector.load %arg1[%get3A_1313, %get3A_1314] : memref<64x32768xf32, #tpu.memory_space<vmem>>, vector<64x128xf32>
    %get3A_1316 = arith.constant 0 : index
    %get3A_1317 = arith.constant 24192 : index
    %get3A_1318 = vector.load %arg1[%get3A_1316, %get3A_1317] : memref<64x32768xf32, #tpu.memory_space<vmem>>, vector<64x128xf32>
    %transpose3A_1319 = tpu.transpose %get3A_1315, [1, 0] : vector<64x128xf32> -> vector<128x64xf32>
    %swap3A_1320 = arith.constant 12032 : index
    %swap3A_1321 = arith.constant 0 : index
    %swap3A_1322 = vector.load %arg2[%swap3A_1320, %swap3A_1321] : memref<16384x128xf32, #tpu.memory_space<vmem>>, vector<128x64xf32>
    tpu.vector_store %arg2[%swap3A_1320, %swap3A_1321], %transpose3A_1319 {strides = array<i32>} : memref<16384x128xf32, #tpu.memory_space<vmem>>, vector<128x64xf32>,
    %transpose3A_1323 = tpu.transpose %get3A_1318, [1, 0] : vector<64x128xf32> -> vector<128x64xf32>
    %swap3A_1324 = arith.constant 12032 : index
    %swap3A_1325 = arith.constant 64 : index
    %swap3A_1326 = vector.load %arg2[%swap3A_1324, %swap3A_1325] : memref<16384x128xf32, #tpu.memory_space<vmem>>, vector<128x64xf32>
    tpu.vector_store %arg2[%swap3A_1324, %swap3A_1325], %transpose3A_1323 {strides = array<i32>} : memref<16384x128xf32, #tpu.memory_space<vmem>>, vector<128x64xf32>,
    %get3A_1327 = arith.constant 0 : index
    %get3A_1328 = arith.constant 24320 : index
    %get3A_1329 = vector.load %arg1[%get3A_1327, %get3A_1328] : memref<64x32768xf32, #tpu.memory_space<vmem>>, vector<64x128xf32>
    %get3A_1330 = arith.constant 0 : index
    %get3A_1331 = arith.constant 24448 : index
    %get3A_1332 = vector.load %arg1[%get3A_1330, %get3A_1331] : memref<64x32768xf32, #tpu.memory_space<vmem>>, vector<64x128xf32>
    %transpose3A_1333 = tpu.transpose %get3A_1329, [1, 0] : vector<64x128xf32> -> vector<128x64xf32>
    %swap3A_1334 = arith.constant 12160 : index
    %swap3A_1335 = arith.constant 0 : index
    %swap3A_1336 = vector.load %arg2[%swap3A_1334, %swap3A_1335] : memref<16384x128xf32, #tpu.memory_space<vmem>>, vector<128x64xf32>
    tpu.vector_store %arg2[%swap3A_1334, %swap3A_1335], %transpose3A_1333 {strides = array<i32>} : memref<16384x128xf32, #tpu.memory_space<vmem>>, vector<128x64xf32>,
    %transpose3A_1337 = tpu.transpose %get3A_1332, [1, 0] : vector<64x128xf32> -> vector<128x64xf32>
    %swap3A_1338 = arith.constant 12160 : index
    %swap3A_1339 = arith.constant 64 : index
    %swap3A_1340 = vector.load %arg2[%swap3A_1338, %swap3A_1339] : memref<16384x128xf32, #tpu.memory_space<vmem>>, vector<128x64xf32>
    tpu.vector_store %arg2[%swap3A_1338, %swap3A_1339], %transpose3A_1337 {strides = array<i32>} : memref<16384x128xf32, #tpu.memory_space<vmem>>, vector<128x64xf32>,
    %get3A_1341 = arith.constant 0 : index
    %get3A_1342 = arith.constant 24576 : index
    %get3A_1343 = vector.load %arg1[%get3A_1341, %get3A_1342] : memref<64x32768xf32, #tpu.memory_space<vmem>>, vector<64x128xf32>
    %get3A_1344 = arith.constant 0 : index
    %get3A_1345 = arith.constant 24704 : index
    %get3A_1346 = vector.load %arg1[%get3A_1344, %get3A_1345] : memref<64x32768xf32, #tpu.memory_space<vmem>>, vector<64x128xf32>
    %transpose3A_1347 = tpu.transpose %get3A_1343, [1, 0] : vector<64x128xf32> -> vector<128x64xf32>
    %swap3A_1348 = arith.constant 12288 : index
    %swap3A_1349 = arith.constant 0 : index
    %swap3A_1350 = vector.load %arg2[%swap3A_1348, %swap3A_1349] : memref<16384x128xf32, #tpu.memory_space<vmem>>, vector<128x64xf32>
    tpu.vector_store %arg2[%swap3A_1348, %swap3A_1349], %transpose3A_1347 {strides = array<i32>} : memref<16384x128xf32, #tpu.memory_space<vmem>>, vector<128x64xf32>,
    %transpose3A_1351 = tpu.transpose %get3A_1346, [1, 0] : vector<64x128xf32> -> vector<128x64xf32>
    %swap3A_1352 = arith.constant 12288 : index
    %swap3A_1353 = arith.constant 64 : index
    %swap3A_1354 = vector.load %arg2[%swap3A_1352, %swap3A_1353] : memref<16384x128xf32, #tpu.memory_space<vmem>>, vector<128x64xf32>
    tpu.vector_store %arg2[%swap3A_1352, %swap3A_1353], %transpose3A_1351 {strides = array<i32>} : memref<16384x128xf32, #tpu.memory_space<vmem>>, vector<128x64xf32>,
    %get3A_1355 = arith.constant 0 : index
    %get3A_1356 = arith.constant 24832 : index
    %get3A_1357 = vector.load %arg1[%get3A_1355, %get3A_1356] : memref<64x32768xf32, #tpu.memory_space<vmem>>, vector<64x128xf32>
    %get3A_1358 = arith.constant 0 : index
    %get3A_1359 = arith.constant 24960 : index
    %get3A_1360 = vector.load %arg1[%get3A_1358, %get3A_1359] : memref<64x32768xf32, #tpu.memory_space<vmem>>, vector<64x128xf32>
    %transpose3A_1361 = tpu.transpose %get3A_1357, [1, 0] : vector<64x128xf32> -> vector<128x64xf32>
    %swap3A_1362 = arith.constant 12416 : index
    %swap3A_1363 = arith.constant 0 : index
    %swap3A_1364 = vector.load %arg2[%swap3A_1362, %swap3A_1363] : memref<16384x128xf32, #tpu.memory_space<vmem>>, vector<128x64xf32>
    tpu.vector_store %arg2[%swap3A_1362, %swap3A_1363], %transpose3A_1361 {strides = array<i32>} : memref<16384x128xf32, #tpu.memory_space<vmem>>, vector<128x64xf32>,
    %transpose3A_1365 = tpu.transpose %get3A_1360, [1, 0] : vector<64x128xf32> -> vector<128x64xf32>
    %swap3A_1366 = arith.constant 12416 : index
    %swap3A_1367 = arith.constant 64 : index
    %swap3A_1368 = vector.load %arg2[%swap3A_1366, %swap3A_1367] : memref<16384x128xf32, #tpu.memory_space<vmem>>, vector<128x64xf32>
    tpu.vector_store %arg2[%swap3A_1366, %swap3A_1367], %transpose3A_1365 {strides = array<i32>} : memref<16384x128xf32, #tpu.memory_space<vmem>>, vector<128x64xf32>,
    %get3A_1369 = arith.constant 0 : index
    %get3A_1370 = arith.constant 25088 : index
    %get3A_1371 = vector.load %arg1[%get3A_1369, %get3A_1370] : memref<64x32768xf32, #tpu.memory_space<vmem>>, vector<64x128xf32>
    %get3A_1372 = arith.constant 0 : index
    %get3A_1373 = arith.constant 25216 : index
    %get3A_1374 = vector.load %arg1[%get3A_1372, %get3A_1373] : memref<64x32768xf32, #tpu.memory_space<vmem>>, vector<64x128xf32>
    %transpose3A_1375 = tpu.transpose %get3A_1371, [1, 0] : vector<64x128xf32> -> vector<128x64xf32>
    %swap3A_1376 = arith.constant 12544 : index
    %swap3A_1377 = arith.constant 0 : index
    %swap3A_1378 = vector.load %arg2[%swap3A_1376, %swap3A_1377] : memref<16384x128xf32, #tpu.memory_space<vmem>>, vector<128x64xf32>
    tpu.vector_store %arg2[%swap3A_1376, %swap3A_1377], %transpose3A_1375 {strides = array<i32>} : memref<16384x128xf32, #tpu.memory_space<vmem>>, vector<128x64xf32>,
    %transpose3A_1379 = tpu.transpose %get3A_1374, [1, 0] : vector<64x128xf32> -> vector<128x64xf32>
    %swap3A_1380 = arith.constant 12544 : index
    %swap3A_1381 = arith.constant 64 : index
    %swap3A_1382 = vector.load %arg2[%swap3A_1380, %swap3A_1381] : memref<16384x128xf32, #tpu.memory_space<vmem>>, vector<128x64xf32>
    tpu.vector_store %arg2[%swap3A_1380, %swap3A_1381], %transpose3A_1379 {strides = array<i32>} : memref<16384x128xf32, #tpu.memory_space<vmem>>, vector<128x64xf32>,
    %get3A_1383 = arith.constant 0 : index
    %get3A_1384 = arith.constant 25344 : index
    %get3A_1385 = vector.load %arg1[%get3A_1383, %get3A_1384] : memref<64x32768xf32, #tpu.memory_space<vmem>>, vector<64x128xf32>
    %get3A_1386 = arith.constant 0 : index
    %get3A_1387 = arith.constant 25472 : index
    %get3A_1388 = vector.load %arg1[%get3A_1386, %get3A_1387] : memref<64x32768xf32, #tpu.memory_space<vmem>>, vector<64x128xf32>
    %transpose3A_1389 = tpu.transpose %get3A_1385, [1, 0] : vector<64x128xf32> -> vector<128x64xf32>
    %swap3A_1390 = arith.constant 12672 : index
    %swap3A_1391 = arith.constant 0 : index
    %swap3A_1392 = vector.load %arg2[%swap3A_1390, %swap3A_1391] : memref<16384x128xf32, #tpu.memory_space<vmem>>, vector<128x64xf32>
    tpu.vector_store %arg2[%swap3A_1390, %swap3A_1391], %transpose3A_1389 {strides = array<i32>} : memref<16384x128xf32, #tpu.memory_space<vmem>>, vector<128x64xf32>,
    %transpose3A_1393 = tpu.transpose %get3A_1388, [1, 0] : vector<64x128xf32> -> vector<128x64xf32>
    %swap3A_1394 = arith.constant 12672 : index
    %swap3A_1395 = arith.constant 64 : index
    %swap3A_1396 = vector.load %arg2[%swap3A_1394, %swap3A_1395] : memref<16384x128xf32, #tpu.memory_space<vmem>>, vector<128x64xf32>
    tpu.vector_store %arg2[%swap3A_1394, %swap3A_1395], %transpose3A_1393 {strides = array<i32>} : memref<16384x128xf32, #tpu.memory_space<vmem>>, vector<128x64xf32>,
    %get3A_1397 = arith.constant 0 : index
    %get3A_1398 = arith.constant 25600 : index
    %get3A_1399 = vector.load %arg1[%get3A_1397, %get3A_1398] : memref<64x32768xf32, #tpu.memory_space<vmem>>, vector<64x128xf32>
    %get3A_1400 = arith.constant 0 : index
    %get3A_1401 = arith.constant 25728 : index
    %get3A_1402 = vector.load %arg1[%get3A_1400, %get3A_1401] : memref<64x32768xf32, #tpu.memory_space<vmem>>, vector<64x128xf32>
    %transpose3A_1403 = tpu.transpose %get3A_1399, [1, 0] : vector<64x128xf32> -> vector<128x64xf32>
    %swap3A_1404 = arith.constant 12800 : index
    %swap3A_1405 = arith.constant 0 : index
    %swap3A_1406 = vector.load %arg2[%swap3A_1404, %swap3A_1405] : memref<16384x128xf32, #tpu.memory_space<vmem>>, vector<128x64xf32>
    tpu.vector_store %arg2[%swap3A_1404, %swap3A_1405], %transpose3A_1403 {strides = array<i32>} : memref<16384x128xf32, #tpu.memory_space<vmem>>, vector<128x64xf32>,
    %transpose3A_1407 = tpu.transpose %get3A_1402, [1, 0] : vector<64x128xf32> -> vector<128x64xf32>
    %swap3A_1408 = arith.constant 12800 : index
    %swap3A_1409 = arith.constant 64 : index
    %swap3A_1410 = vector.load %arg2[%swap3A_1408, %swap3A_1409] : memref<16384x128xf32, #tpu.memory_space<vmem>>, vector<128x64xf32>
    tpu.vector_store %arg2[%swap3A_1408, %swap3A_1409], %transpose3A_1407 {strides = array<i32>} : memref<16384x128xf32, #tpu.memory_space<vmem>>, vector<128x64xf32>,
    %get3A_1411 = arith.constant 0 : index
    %get3A_1412 = arith.constant 25856 : index
    %get3A_1413 = vector.load %arg1[%get3A_1411, %get3A_1412] : memref<64x32768xf32, #tpu.memory_space<vmem>>, vector<64x128xf32>
    %get3A_1414 = arith.constant 0 : index
    %get3A_1415 = arith.constant 25984 : index
    %get3A_1416 = vector.load %arg1[%get3A_1414, %get3A_1415] : memref<64x32768xf32, #tpu.memory_space<vmem>>, vector<64x128xf32>
    %transpose3A_1417 = tpu.transpose %get3A_1413, [1, 0] : vector<64x128xf32> -> vector<128x64xf32>
    %swap3A_1418 = arith.constant 12928 : index
    %swap3A_1419 = arith.constant 0 : index
    %swap3A_1420 = vector.load %arg2[%swap3A_1418, %swap3A_1419] : memref<16384x128xf32, #tpu.memory_space<vmem>>, vector<128x64xf32>
    tpu.vector_store %arg2[%swap3A_1418, %swap3A_1419], %transpose3A_1417 {strides = array<i32>} : memref<16384x128xf32, #tpu.memory_space<vmem>>, vector<128x64xf32>,
    %transpose3A_1421 = tpu.transpose %get3A_1416, [1, 0] : vector<64x128xf32> -> vector<128x64xf32>
    %swap3A_1422 = arith.constant 12928 : index
    %swap3A_1423 = arith.constant 64 : index
    %swap3A_1424 = vector.load %arg2[%swap3A_1422, %swap3A_1423] : memref<16384x128xf32, #tpu.memory_space<vmem>>, vector<128x64xf32>
    tpu.vector_store %arg2[%swap3A_1422, %swap3A_1423], %transpose3A_1421 {strides = array<i32>} : memref<16384x128xf32, #tpu.memory_space<vmem>>, vector<128x64xf32>,
    %get3A_1425 = arith.constant 0 : index
    %get3A_1426 = arith.constant 26112 : index
    %get3A_1427 = vector.load %arg1[%get3A_1425, %get3A_1426] : memref<64x32768xf32, #tpu.memory_space<vmem>>, vector<64x128xf32>
    %get3A_1428 = arith.constant 0 : index
    %get3A_1429 = arith.constant 26240 : index
    %get3A_1430 = vector.load %arg1[%get3A_1428, %get3A_1429] : memref<64x32768xf32, #tpu.memory_space<vmem>>, vector<64x128xf32>
    %transpose3A_1431 = tpu.transpose %get3A_1427, [1, 0] : vector<64x128xf32> -> vector<128x64xf32>
    %swap3A_1432 = arith.constant 13056 : index
    %swap3A_1433 = arith.constant 0 : index
    %swap3A_1434 = vector.load %arg2[%swap3A_1432, %swap3A_1433] : memref<16384x128xf32, #tpu.memory_space<vmem>>, vector<128x64xf32>
    tpu.vector_store %arg2[%swap3A_1432, %swap3A_1433], %transpose3A_1431 {strides = array<i32>} : memref<16384x128xf32, #tpu.memory_space<vmem>>, vector<128x64xf32>,
    %transpose3A_1435 = tpu.transpose %get3A_1430, [1, 0] : vector<64x128xf32> -> vector<128x64xf32>
    %swap3A_1436 = arith.constant 13056 : index
    %swap3A_1437 = arith.constant 64 : index
    %swap3A_1438 = vector.load %arg2[%swap3A_1436, %swap3A_1437] : memref<16384x128xf32, #tpu.memory_space<vmem>>, vector<128x64xf32>
    tpu.vector_store %arg2[%swap3A_1436, %swap3A_1437], %transpose3A_1435 {strides = array<i32>} : memref<16384x128xf32, #tpu.memory_space<vmem>>, vector<128x64xf32>,
    %get3A_1439 = arith.constant 0 : index
    %get3A_1440 = arith.constant 26368 : index
    %get3A_1441 = vector.load %arg1[%get3A_1439, %get3A_1440] : memref<64x32768xf32, #tpu.memory_space<vmem>>, vector<64x128xf32>
    %get3A_1442 = arith.constant 0 : index
    %get3A_1443 = arith.constant 26496 : index
    %get3A_1444 = vector.load %arg1[%get3A_1442, %get3A_1443] : memref<64x32768xf32, #tpu.memory_space<vmem>>, vector<64x128xf32>
    %transpose3A_1445 = tpu.transpose %get3A_1441, [1, 0] : vector<64x128xf32> -> vector<128x64xf32>
    %swap3A_1446 = arith.constant 13184 : index
    %swap3A_1447 = arith.constant 0 : index
    %swap3A_1448 = vector.load %arg2[%swap3A_1446, %swap3A_1447] : memref<16384x128xf32, #tpu.memory_space<vmem>>, vector<128x64xf32>
    tpu.vector_store %arg2[%swap3A_1446, %swap3A_1447], %transpose3A_1445 {strides = array<i32>} : memref<16384x128xf32, #tpu.memory_space<vmem>>, vector<128x64xf32>,
    %transpose3A_1449 = tpu.transpose %get3A_1444, [1, 0] : vector<64x128xf32> -> vector<128x64xf32>
    %swap3A_1450 = arith.constant 13184 : index
    %swap3A_1451 = arith.constant 64 : index
    %swap3A_1452 = vector.load %arg2[%swap3A_1450, %swap3A_1451] : memref<16384x128xf32, #tpu.memory_space<vmem>>, vector<128x64xf32>
    tpu.vector_store %arg2[%swap3A_1450, %swap3A_1451], %transpose3A_1449 {strides = array<i32>} : memref<16384x128xf32, #tpu.memory_space<vmem>>, vector<128x64xf32>,
    %get3A_1453 = arith.constant 0 : index
    %get3A_1454 = arith.constant 26624 : index
    %get3A_1455 = vector.load %arg1[%get3A_1453, %get3A_1454] : memref<64x32768xf32, #tpu.memory_space<vmem>>, vector<64x128xf32>
    %get3A_1456 = arith.constant 0 : index
    %get3A_1457 = arith.constant 26752 : index
    %get3A_1458 = vector.load %arg1[%get3A_1456, %get3A_1457] : memref<64x32768xf32, #tpu.memory_space<vmem>>, vector<64x128xf32>
    %transpose3A_1459 = tpu.transpose %get3A_1455, [1, 0] : vector<64x128xf32> -> vector<128x64xf32>
    %swap3A_1460 = arith.constant 13312 : index
    %swap3A_1461 = arith.constant 0 : index
    %swap3A_1462 = vector.load %arg2[%swap3A_1460, %swap3A_1461] : memref<16384x128xf32, #tpu.memory_space<vmem>>, vector<128x64xf32>
    tpu.vector_store %arg2[%swap3A_1460, %swap3A_1461], %transpose3A_1459 {strides = array<i32>} : memref<16384x128xf32, #tpu.memory_space<vmem>>, vector<128x64xf32>,
    %transpose3A_1463 = tpu.transpose %get3A_1458, [1, 0] : vector<64x128xf32> -> vector<128x64xf32>
    %swap3A_1464 = arith.constant 13312 : index
    %swap3A_1465 = arith.constant 64 : index
    %swap3A_1466 = vector.load %arg2[%swap3A_1464, %swap3A_1465] : memref<16384x128xf32, #tpu.memory_space<vmem>>, vector<128x64xf32>
    tpu.vector_store %arg2[%swap3A_1464, %swap3A_1465], %transpose3A_1463 {strides = array<i32>} : memref<16384x128xf32, #tpu.memory_space<vmem>>, vector<128x64xf32>,
    %get3A_1467 = arith.constant 0 : index
    %get3A_1468 = arith.constant 26880 : index
    %get3A_1469 = vector.load %arg1[%get3A_1467, %get3A_1468] : memref<64x32768xf32, #tpu.memory_space<vmem>>, vector<64x128xf32>
    %get3A_1470 = arith.constant 0 : index
    %get3A_1471 = arith.constant 27008 : index
    %get3A_1472 = vector.load %arg1[%get3A_1470, %get3A_1471] : memref<64x32768xf32, #tpu.memory_space<vmem>>, vector<64x128xf32>
    %transpose3A_1473 = tpu.transpose %get3A_1469, [1, 0] : vector<64x128xf32> -> vector<128x64xf32>
    %swap3A_1474 = arith.constant 13440 : index
    %swap3A_1475 = arith.constant 0 : index
    %swap3A_1476 = vector.load %arg2[%swap3A_1474, %swap3A_1475] : memref<16384x128xf32, #tpu.memory_space<vmem>>, vector<128x64xf32>
    tpu.vector_store %arg2[%swap3A_1474, %swap3A_1475], %transpose3A_1473 {strides = array<i32>} : memref<16384x128xf32, #tpu.memory_space<vmem>>, vector<128x64xf32>,
    %transpose3A_1477 = tpu.transpose %get3A_1472, [1, 0] : vector<64x128xf32> -> vector<128x64xf32>
    %swap3A_1478 = arith.constant 13440 : index
    %swap3A_1479 = arith.constant 64 : index
    %swap3A_1480 = vector.load %arg2[%swap3A_1478, %swap3A_1479] : memref<16384x128xf32, #tpu.memory_space<vmem>>, vector<128x64xf32>
    tpu.vector_store %arg2[%swap3A_1478, %swap3A_1479], %transpose3A_1477 {strides = array<i32>} : memref<16384x128xf32, #tpu.memory_space<vmem>>, vector<128x64xf32>,
    %get3A_1481 = arith.constant 0 : index
    %get3A_1482 = arith.constant 27136 : index
    %get3A_1483 = vector.load %arg1[%get3A_1481, %get3A_1482] : memref<64x32768xf32, #tpu.memory_space<vmem>>, vector<64x128xf32>
    %get3A_1484 = arith.constant 0 : index
    %get3A_1485 = arith.constant 27264 : index
    %get3A_1486 = vector.load %arg1[%get3A_1484, %get3A_1485] : memref<64x32768xf32, #tpu.memory_space<vmem>>, vector<64x128xf32>
    %transpose3A_1487 = tpu.transpose %get3A_1483, [1, 0] : vector<64x128xf32> -> vector<128x64xf32>
    %swap3A_1488 = arith.constant 13568 : index
    %swap3A_1489 = arith.constant 0 : index
    %swap3A_1490 = vector.load %arg2[%swap3A_1488, %swap3A_1489] : memref<16384x128xf32, #tpu.memory_space<vmem>>, vector<128x64xf32>
    tpu.vector_store %arg2[%swap3A_1488, %swap3A_1489], %transpose3A_1487 {strides = array<i32>} : memref<16384x128xf32, #tpu.memory_space<vmem>>, vector<128x64xf32>,
    %transpose3A_1491 = tpu.transpose %get3A_1486, [1, 0] : vector<64x128xf32> -> vector<128x64xf32>
    %swap3A_1492 = arith.constant 13568 : index
    %swap3A_1493 = arith.constant 64 : index
    %swap3A_1494 = vector.load %arg2[%swap3A_1492, %swap3A_1493] : memref<16384x128xf32, #tpu.memory_space<vmem>>, vector<128x64xf32>
    tpu.vector_store %arg2[%swap3A_1492, %swap3A_1493], %transpose3A_1491 {strides = array<i32>} : memref<16384x128xf32, #tpu.memory_space<vmem>>, vector<128x64xf32>,
    %get3A_1495 = arith.constant 0 : index
    %get3A_1496 = arith.constant 27392 : index
    %get3A_1497 = vector.load %arg1[%get3A_1495, %get3A_1496] : memref<64x32768xf32, #tpu.memory_space<vmem>>, vector<64x128xf32>
    %get3A_1498 = arith.constant 0 : index
    %get3A_1499 = arith.constant 27520 : index
    %get3A_1500 = vector.load %arg1[%get3A_1498, %get3A_1499] : memref<64x32768xf32, #tpu.memory_space<vmem>>, vector<64x128xf32>
    %transpose3A_1501 = tpu.transpose %get3A_1497, [1, 0] : vector<64x128xf32> -> vector<128x64xf32>
    %swap3A_1502 = arith.constant 13696 : index
    %swap3A_1503 = arith.constant 0 : index
    %swap3A_1504 = vector.load %arg2[%swap3A_1502, %swap3A_1503] : memref<16384x128xf32, #tpu.memory_space<vmem>>, vector<128x64xf32>
    tpu.vector_store %arg2[%swap3A_1502, %swap3A_1503], %transpose3A_1501 {strides = array<i32>} : memref<16384x128xf32, #tpu.memory_space<vmem>>, vector<128x64xf32>,
    %transpose3A_1505 = tpu.transpose %get3A_1500, [1, 0] : vector<64x128xf32> -> vector<128x64xf32>
    %swap3A_1506 = arith.constant 13696 : index
    %swap3A_1507 = arith.constant 64 : index
    %swap3A_1508 = vector.load %arg2[%swap3A_1506, %swap3A_1507] : memref<16384x128xf32, #tpu.memory_space<vmem>>, vector<128x64xf32>
    tpu.vector_store %arg2[%swap3A_1506, %swap3A_1507], %transpose3A_1505 {strides = array<i32>} : memref<16384x128xf32, #tpu.memory_space<vmem>>, vector<128x64xf32>,
    %get3A_1509 = arith.constant 0 : index
    %get3A_1510 = arith.constant 27648 : index
    %get3A_1511 = vector.load %arg1[%get3A_1509, %get3A_1510] : memref<64x32768xf32, #tpu.memory_space<vmem>>, vector<64x128xf32>
    %get3A_1512 = arith.constant 0 : index
    %get3A_1513 = arith.constant 27776 : index
    %get3A_1514 = vector.load %arg1[%get3A_1512, %get3A_1513] : memref<64x32768xf32, #tpu.memory_space<vmem>>, vector<64x128xf32>
    %transpose3A_1515 = tpu.transpose %get3A_1511, [1, 0] : vector<64x128xf32> -> vector<128x64xf32>
    %swap3A_1516 = arith.constant 13824 : index
    %swap3A_1517 = arith.constant 0 : index
    %swap3A_1518 = vector.load %arg2[%swap3A_1516, %swap3A_1517] : memref<16384x128xf32, #tpu.memory_space<vmem>>, vector<128x64xf32>
    tpu.vector_store %arg2[%swap3A_1516, %swap3A_1517], %transpose3A_1515 {strides = array<i32>} : memref<16384x128xf32, #tpu.memory_space<vmem>>, vector<128x64xf32>,
    %transpose3A_1519 = tpu.transpose %get3A_1514, [1, 0] : vector<64x128xf32> -> vector<128x64xf32>
    %swap3A_1520 = arith.constant 13824 : index
    %swap3A_1521 = arith.constant 64 : index
    %swap3A_1522 = vector.load %arg2[%swap3A_1520, %swap3A_1521] : memref<16384x128xf32, #tpu.memory_space<vmem>>, vector<128x64xf32>
    tpu.vector_store %arg2[%swap3A_1520, %swap3A_1521], %transpose3A_1519 {strides = array<i32>} : memref<16384x128xf32, #tpu.memory_space<vmem>>, vector<128x64xf32>,
    %get3A_1523 = arith.constant 0 : index
    %get3A_1524 = arith.constant 27904 : index
    %get3A_1525 = vector.load %arg1[%get3A_1523, %get3A_1524] : memref<64x32768xf32, #tpu.memory_space<vmem>>, vector<64x128xf32>
    %get3A_1526 = arith.constant 0 : index
    %get3A_1527 = arith.constant 28032 : index
    %get3A_1528 = vector.load %arg1[%get3A_1526, %get3A_1527] : memref<64x32768xf32, #tpu.memory_space<vmem>>, vector<64x128xf32>
    %transpose3A_1529 = tpu.transpose %get3A_1525, [1, 0] : vector<64x128xf32> -> vector<128x64xf32>
    %swap3A_1530 = arith.constant 13952 : index
    %swap3A_1531 = arith.constant 0 : index
    %swap3A_1532 = vector.load %arg2[%swap3A_1530, %swap3A_1531] : memref<16384x128xf32, #tpu.memory_space<vmem>>, vector<128x64xf32>
    tpu.vector_store %arg2[%swap3A_1530, %swap3A_1531], %transpose3A_1529 {strides = array<i32>} : memref<16384x128xf32, #tpu.memory_space<vmem>>, vector<128x64xf32>,
    %transpose3A_1533 = tpu.transpose %get3A_1528, [1, 0] : vector<64x128xf32> -> vector<128x64xf32>
    %swap3A_1534 = arith.constant 13952 : index
    %swap3A_1535 = arith.constant 64 : index
    %swap3A_1536 = vector.load %arg2[%swap3A_1534, %swap3A_1535] : memref<16384x128xf32, #tpu.memory_space<vmem>>, vector<128x64xf32>
    tpu.vector_store %arg2[%swap3A_1534, %swap3A_1535], %transpose3A_1533 {strides = array<i32>} : memref<16384x128xf32, #tpu.memory_space<vmem>>, vector<128x64xf32>,
    %get3A_1537 = arith.constant 0 : index
    %get3A_1538 = arith.constant 28160 : index
    %get3A_1539 = vector.load %arg1[%get3A_1537, %get3A_1538] : memref<64x32768xf32, #tpu.memory_space<vmem>>, vector<64x128xf32>
    %get3A_1540 = arith.constant 0 : index
    %get3A_1541 = arith.constant 28288 : index
    %get3A_1542 = vector.load %arg1[%get3A_1540, %get3A_1541] : memref<64x32768xf32, #tpu.memory_space<vmem>>, vector<64x128xf32>
    %transpose3A_1543 = tpu.transpose %get3A_1539, [1, 0] : vector<64x128xf32> -> vector<128x64xf32>
    %swap3A_1544 = arith.constant 14080 : index
    %swap3A_1545 = arith.constant 0 : index
    %swap3A_1546 = vector.load %arg2[%swap3A_1544, %swap3A_1545] : memref<16384x128xf32, #tpu.memory_space<vmem>>, vector<128x64xf32>
    tpu.vector_store %arg2[%swap3A_1544, %swap3A_1545], %transpose3A_1543 {strides = array<i32>} : memref<16384x128xf32, #tpu.memory_space<vmem>>, vector<128x64xf32>,
    %transpose3A_1547 = tpu.transpose %get3A_1542, [1, 0] : vector<64x128xf32> -> vector<128x64xf32>
    %swap3A_1548 = arith.constant 14080 : index
    %swap3A_1549 = arith.constant 64 : index
    %swap3A_1550 = vector.load %arg2[%swap3A_1548, %swap3A_1549] : memref<16384x128xf32, #tpu.memory_space<vmem>>, vector<128x64xf32>
    tpu.vector_store %arg2[%swap3A_1548, %swap3A_1549], %transpose3A_1547 {strides = array<i32>} : memref<16384x128xf32, #tpu.memory_space<vmem>>, vector<128x64xf32>,
    %get3A_1551 = arith.constant 0 : index
    %get3A_1552 = arith.constant 28416 : index
    %get3A_1553 = vector.load %arg1[%get3A_1551, %get3A_1552] : memref<64x32768xf32, #tpu.memory_space<vmem>>, vector<64x128xf32>
    %get3A_1554 = arith.constant 0 : index
    %get3A_1555 = arith.constant 28544 : index
    %get3A_1556 = vector.load %arg1[%get3A_1554, %get3A_1555] : memref<64x32768xf32, #tpu.memory_space<vmem>>, vector<64x128xf32>
    %transpose3A_1557 = tpu.transpose %get3A_1553, [1, 0] : vector<64x128xf32> -> vector<128x64xf32>
    %swap3A_1558 = arith.constant 14208 : index
    %swap3A_1559 = arith.constant 0 : index
    %swap3A_1560 = vector.load %arg2[%swap3A_1558, %swap3A_1559] : memref<16384x128xf32, #tpu.memory_space<vmem>>, vector<128x64xf32>
    tpu.vector_store %arg2[%swap3A_1558, %swap3A_1559], %transpose3A_1557 {strides = array<i32>} : memref<16384x128xf32, #tpu.memory_space<vmem>>, vector<128x64xf32>,
    %transpose3A_1561 = tpu.transpose %get3A_1556, [1, 0] : vector<64x128xf32> -> vector<128x64xf32>
    %swap3A_1562 = arith.constant 14208 : index
    %swap3A_1563 = arith.constant 64 : index
    %swap3A_1564 = vector.load %arg2[%swap3A_1562, %swap3A_1563] : memref<16384x128xf32, #tpu.memory_space<vmem>>, vector<128x64xf32>
    tpu.vector_store %arg2[%swap3A_1562, %swap3A_1563], %transpose3A_1561 {strides = array<i32>} : memref<16384x128xf32, #tpu.memory_space<vmem>>, vector<128x64xf32>,
    %get3A_1565 = arith.constant 0 : index
    %get3A_1566 = arith.constant 28672 : index
    %get3A_1567 = vector.load %arg1[%get3A_1565, %get3A_1566] : memref<64x32768xf32, #tpu.memory_space<vmem>>, vector<64x128xf32>
    %get3A_1568 = arith.constant 0 : index
    %get3A_1569 = arith.constant 28800 : index
    %get3A_1570 = vector.load %arg1[%get3A_1568, %get3A_1569] : memref<64x32768xf32, #tpu.memory_space<vmem>>, vector<64x128xf32>
    %transpose3A_1571 = tpu.transpose %get3A_1567, [1, 0] : vector<64x128xf32> -> vector<128x64xf32>
    %swap3A_1572 = arith.constant 14336 : index
    %swap3A_1573 = arith.constant 0 : index
    %swap3A_1574 = vector.load %arg2[%swap3A_1572, %swap3A_1573] : memref<16384x128xf32, #tpu.memory_space<vmem>>, vector<128x64xf32>
    tpu.vector_store %arg2[%swap3A_1572, %swap3A_1573], %transpose3A_1571 {strides = array<i32>} : memref<16384x128xf32, #tpu.memory_space<vmem>>, vector<128x64xf32>,
    %transpose3A_1575 = tpu.transpose %get3A_1570, [1, 0] : vector<64x128xf32> -> vector<128x64xf32>
    %swap3A_1576 = arith.constant 14336 : index
    %swap3A_1577 = arith.constant 64 : index
    %swap3A_1578 = vector.load %arg2[%swap3A_1576, %swap3A_1577] : memref<16384x128xf32, #tpu.memory_space<vmem>>, vector<128x64xf32>
    tpu.vector_store %arg2[%swap3A_1576, %swap3A_1577], %transpose3A_1575 {strides = array<i32>} : memref<16384x128xf32, #tpu.memory_space<vmem>>, vector<128x64xf32>,
    %get3A_1579 = arith.constant 0 : index
    %get3A_1580 = arith.constant 28928 : index
    %get3A_1581 = vector.load %arg1[%get3A_1579, %get3A_1580] : memref<64x32768xf32, #tpu.memory_space<vmem>>, vector<64x128xf32>
    %get3A_1582 = arith.constant 0 : index
    %get3A_1583 = arith.constant 29056 : index
    %get3A_1584 = vector.load %arg1[%get3A_1582, %get3A_1583] : memref<64x32768xf32, #tpu.memory_space<vmem>>, vector<64x128xf32>
    %transpose3A_1585 = tpu.transpose %get3A_1581, [1, 0] : vector<64x128xf32> -> vector<128x64xf32>
    %swap3A_1586 = arith.constant 14464 : index
    %swap3A_1587 = arith.constant 0 : index
    %swap3A_1588 = vector.load %arg2[%swap3A_1586, %swap3A_1587] : memref<16384x128xf32, #tpu.memory_space<vmem>>, vector<128x64xf32>
    tpu.vector_store %arg2[%swap3A_1586, %swap3A_1587], %transpose3A_1585 {strides = array<i32>} : memref<16384x128xf32, #tpu.memory_space<vmem>>, vector<128x64xf32>,
    %transpose3A_1589 = tpu.transpose %get3A_1584, [1, 0] : vector<64x128xf32> -> vector<128x64xf32>
    %swap3A_1590 = arith.constant 14464 : index
    %swap3A_1591 = arith.constant 64 : index
    %swap3A_1592 = vector.load %arg2[%swap3A_1590, %swap3A_1591] : memref<16384x128xf32, #tpu.memory_space<vmem>>, vector<128x64xf32>
    tpu.vector_store %arg2[%swap3A_1590, %swap3A_1591], %transpose3A_1589 {strides = array<i32>} : memref<16384x128xf32, #tpu.memory_space<vmem>>, vector<128x64xf32>,
    %get3A_1593 = arith.constant 0 : index
    %get3A_1594 = arith.constant 29184 : index
    %get3A_1595 = vector.load %arg1[%get3A_1593, %get3A_1594] : memref<64x32768xf32, #tpu.memory_space<vmem>>, vector<64x128xf32>
    %get3A_1596 = arith.constant 0 : index
    %get3A_1597 = arith.constant 29312 : index
    %get3A_1598 = vector.load %arg1[%get3A_1596, %get3A_1597] : memref<64x32768xf32, #tpu.memory_space<vmem>>, vector<64x128xf32>
    %transpose3A_1599 = tpu.transpose %get3A_1595, [1, 0] : vector<64x128xf32> -> vector<128x64xf32>
    %swap3A_1600 = arith.constant 14592 : index
    %swap3A_1601 = arith.constant 0 : index
    %swap3A_1602 = vector.load %arg2[%swap3A_1600, %swap3A_1601] : memref<16384x128xf32, #tpu.memory_space<vmem>>, vector<128x64xf32>
    tpu.vector_store %arg2[%swap3A_1600, %swap3A_1601], %transpose3A_1599 {strides = array<i32>} : memref<16384x128xf32, #tpu.memory_space<vmem>>, vector<128x64xf32>,
    %transpose3A_1603 = tpu.transpose %get3A_1598, [1, 0] : vector<64x128xf32> -> vector<128x64xf32>
    %swap3A_1604 = arith.constant 14592 : index
    %swap3A_1605 = arith.constant 64 : index
    %swap3A_1606 = vector.load %arg2[%swap3A_1604, %swap3A_1605] : memref<16384x128xf32, #tpu.memory_space<vmem>>, vector<128x64xf32>
    tpu.vector_store %arg2[%swap3A_1604, %swap3A_1605], %transpose3A_1603 {strides = array<i32>} : memref<16384x128xf32, #tpu.memory_space<vmem>>, vector<128x64xf32>,
    %get3A_1607 = arith.constant 0 : index
    %get3A_1608 = arith.constant 29440 : index
    %get3A_1609 = vector.load %arg1[%get3A_1607, %get3A_1608] : memref<64x32768xf32, #tpu.memory_space<vmem>>, vector<64x128xf32>
    %get3A_1610 = arith.constant 0 : index
    %get3A_1611 = arith.constant 29568 : index
    %get3A_1612 = vector.load %arg1[%get3A_1610, %get3A_1611] : memref<64x32768xf32, #tpu.memory_space<vmem>>, vector<64x128xf32>
    %transpose3A_1613 = tpu.transpose %get3A_1609, [1, 0] : vector<64x128xf32> -> vector<128x64xf32>
    %swap3A_1614 = arith.constant 14720 : index
    %swap3A_1615 = arith.constant 0 : index
    %swap3A_1616 = vector.load %arg2[%swap3A_1614, %swap3A_1615] : memref<16384x128xf32, #tpu.memory_space<vmem>>, vector<128x64xf32>
    tpu.vector_store %arg2[%swap3A_1614, %swap3A_1615], %transpose3A_1613 {strides = array<i32>} : memref<16384x128xf32, #tpu.memory_space<vmem>>, vector<128x64xf32>,
    %transpose3A_1617 = tpu.transpose %get3A_1612, [1, 0] : vector<64x128xf32> -> vector<128x64xf32>
    %swap3A_1618 = arith.constant 14720 : index
    %swap3A_1619 = arith.constant 64 : index
    %swap3A_1620 = vector.load %arg2[%swap3A_1618, %swap3A_1619] : memref<16384x128xf32, #tpu.memory_space<vmem>>, vector<128x64xf32>
    tpu.vector_store %arg2[%swap3A_1618, %swap3A_1619], %transpose3A_1617 {strides = array<i32>} : memref<16384x128xf32, #tpu.memory_space<vmem>>, vector<128x64xf32>,
    %get3A_1621 = arith.constant 0 : index
    %get3A_1622 = arith.constant 29696 : index
    %get3A_1623 = vector.load %arg1[%get3A_1621, %get3A_1622] : memref<64x32768xf32, #tpu.memory_space<vmem>>, vector<64x128xf32>
    %get3A_1624 = arith.constant 0 : index
    %get3A_1625 = arith.constant 29824 : index
    %get3A_1626 = vector.load %arg1[%get3A_1624, %get3A_1625] : memref<64x32768xf32, #tpu.memory_space<vmem>>, vector<64x128xf32>
    %transpose3A_1627 = tpu.transpose %get3A_1623, [1, 0] : vector<64x128xf32> -> vector<128x64xf32>
    %swap3A_1628 = arith.constant 14848 : index
    %swap3A_1629 = arith.constant 0 : index
    %swap3A_1630 = vector.load %arg2[%swap3A_1628, %swap3A_1629] : memref<16384x128xf32, #tpu.memory_space<vmem>>, vector<128x64xf32>
    tpu.vector_store %arg2[%swap3A_1628, %swap3A_1629], %transpose3A_1627 {strides = array<i32>} : memref<16384x128xf32, #tpu.memory_space<vmem>>, vector<128x64xf32>,
    %transpose3A_1631 = tpu.transpose %get3A_1626, [1, 0] : vector<64x128xf32> -> vector<128x64xf32>
    %swap3A_1632 = arith.constant 14848 : index
    %swap3A_1633 = arith.constant 64 : index
    %swap3A_1634 = vector.load %arg2[%swap3A_1632, %swap3A_1633] : memref<16384x128xf32, #tpu.memory_space<vmem>>, vector<128x64xf32>
    tpu.vector_store %arg2[%swap3A_1632, %swap3A_1633], %transpose3A_1631 {strides = array<i32>} : memref<16384x128xf32, #tpu.memory_space<vmem>>, vector<128x64xf32>,
    %get3A_1635 = arith.constant 0 : index
    %get3A_1636 = arith.constant 29952 : index
    %get3A_1637 = vector.load %arg1[%get3A_1635, %get3A_1636] : memref<64x32768xf32, #tpu.memory_space<vmem>>, vector<64x128xf32>
    %get3A_1638 = arith.constant 0 : index
    %get3A_1639 = arith.constant 30080 : index
    %get3A_1640 = vector.load %arg1[%get3A_1638, %get3A_1639] : memref<64x32768xf32, #tpu.memory_space<vmem>>, vector<64x128xf32>
    %transpose3A_1641 = tpu.transpose %get3A_1637, [1, 0] : vector<64x128xf32> -> vector<128x64xf32>
    %swap3A_1642 = arith.constant 14976 : index
    %swap3A_1643 = arith.constant 0 : index
    %swap3A_1644 = vector.load %arg2[%swap3A_1642, %swap3A_1643] : memref<16384x128xf32, #tpu.memory_space<vmem>>, vector<128x64xf32>
    tpu.vector_store %arg2[%swap3A_1642, %swap3A_1643], %transpose3A_1641 {strides = array<i32>} : memref<16384x128xf32, #tpu.memory_space<vmem>>, vector<128x64xf32>,
    %transpose3A_1645 = tpu.transpose %get3A_1640, [1, 0] : vector<64x128xf32> -> vector<128x64xf32>
    %swap3A_1646 = arith.constant 14976 : index
    %swap3A_1647 = arith.constant 64 : index
    %swap3A_1648 = vector.load %arg2[%swap3A_1646, %swap3A_1647] : memref<16384x128xf32, #tpu.memory_space<vmem>>, vector<128x64xf32>
    tpu.vector_store %arg2[%swap3A_1646, %swap3A_1647], %transpose3A_1645 {strides = array<i32>} : memref<16384x128xf32, #tpu.memory_space<vmem>>, vector<128x64xf32>,
    %get3A_1649 = arith.constant 0 : index
    %get3A_1650 = arith.constant 30208 : index
    %get3A_1651 = vector.load %arg1[%get3A_1649, %get3A_1650] : memref<64x32768xf32, #tpu.memory_space<vmem>>, vector<64x128xf32>
    %get3A_1652 = arith.constant 0 : index
    %get3A_1653 = arith.constant 30336 : index
    %get3A_1654 = vector.load %arg1[%get3A_1652, %get3A_1653] : memref<64x32768xf32, #tpu.memory_space<vmem>>, vector<64x128xf32>
    %transpose3A_1655 = tpu.transpose %get3A_1651, [1, 0] : vector<64x128xf32> -> vector<128x64xf32>
    %swap3A_1656 = arith.constant 15104 : index
    %swap3A_1657 = arith.constant 0 : index
    %swap3A_1658 = vector.load %arg2[%swap3A_1656, %swap3A_1657] : memref<16384x128xf32, #tpu.memory_space<vmem>>, vector<128x64xf32>
    tpu.vector_store %arg2[%swap3A_1656, %swap3A_1657], %transpose3A_1655 {strides = array<i32>} : memref<16384x128xf32, #tpu.memory_space<vmem>>, vector<128x64xf32>,
    %transpose3A_1659 = tpu.transpose %get3A_1654, [1, 0] : vector<64x128xf32> -> vector<128x64xf32>
    %swap3A_1660 = arith.constant 15104 : index
    %swap3A_1661 = arith.constant 64 : index
    %swap3A_1662 = vector.load %arg2[%swap3A_1660, %swap3A_1661] : memref<16384x128xf32, #tpu.memory_space<vmem>>, vector<128x64xf32>
    tpu.vector_store %arg2[%swap3A_1660, %swap3A_1661], %transpose3A_1659 {strides = array<i32>} : memref<16384x128xf32, #tpu.memory_space<vmem>>, vector<128x64xf32>,
    %get3A_1663 = arith.constant 0 : index
    %get3A_1664 = arith.constant 30464 : index
    %get3A_1665 = vector.load %arg1[%get3A_1663, %get3A_1664] : memref<64x32768xf32, #tpu.memory_space<vmem>>, vector<64x128xf32>
    %get3A_1666 = arith.constant 0 : index
    %get3A_1667 = arith.constant 30592 : index
    %get3A_1668 = vector.load %arg1[%get3A_1666, %get3A_1667] : memref<64x32768xf32, #tpu.memory_space<vmem>>, vector<64x128xf32>
    %transpose3A_1669 = tpu.transpose %get3A_1665, [1, 0] : vector<64x128xf32> -> vector<128x64xf32>
    %swap3A_1670 = arith.constant 15232 : index
    %swap3A_1671 = arith.constant 0 : index
    %swap3A_1672 = vector.load %arg2[%swap3A_1670, %swap3A_1671] : memref<16384x128xf32, #tpu.memory_space<vmem>>, vector<128x64xf32>
    tpu.vector_store %arg2[%swap3A_1670, %swap3A_1671], %transpose3A_1669 {strides = array<i32>} : memref<16384x128xf32, #tpu.memory_space<vmem>>, vector<128x64xf32>,
    %transpose3A_1673 = tpu.transpose %get3A_1668, [1, 0] : vector<64x128xf32> -> vector<128x64xf32>
    %swap3A_1674 = arith.constant 15232 : index
    %swap3A_1675 = arith.constant 64 : index
    %swap3A_1676 = vector.load %arg2[%swap3A_1674, %swap3A_1675] : memref<16384x128xf32, #tpu.memory_space<vmem>>, vector<128x64xf32>
    tpu.vector_store %arg2[%swap3A_1674, %swap3A_1675], %transpose3A_1673 {strides = array<i32>} : memref<16384x128xf32, #tpu.memory_space<vmem>>, vector<128x64xf32>,
    %get3A_1677 = arith.constant 0 : index
    %get3A_1678 = arith.constant 30720 : index
    %get3A_1679 = vector.load %arg1[%get3A_1677, %get3A_1678] : memref<64x32768xf32, #tpu.memory_space<vmem>>, vector<64x128xf32>
    %get3A_1680 = arith.constant 0 : index
    %get3A_1681 = arith.constant 30848 : index
    %get3A_1682 = vector.load %arg1[%get3A_1680, %get3A_1681] : memref<64x32768xf32, #tpu.memory_space<vmem>>, vector<64x128xf32>
    %transpose3A_1683 = tpu.transpose %get3A_1679, [1, 0] : vector<64x128xf32> -> vector<128x64xf32>
    %swap3A_1684 = arith.constant 15360 : index
    %swap3A_1685 = arith.constant 0 : index
    %swap3A_1686 = vector.load %arg2[%swap3A_1684, %swap3A_1685] : memref<16384x128xf32, #tpu.memory_space<vmem>>, vector<128x64xf32>
    tpu.vector_store %arg2[%swap3A_1684, %swap3A_1685], %transpose3A_1683 {strides = array<i32>} : memref<16384x128xf32, #tpu.memory_space<vmem>>, vector<128x64xf32>,
    %transpose3A_1687 = tpu.transpose %get3A_1682, [1, 0] : vector<64x128xf32> -> vector<128x64xf32>
    %swap3A_1688 = arith.constant 15360 : index
    %swap3A_1689 = arith.constant 64 : index
    %swap3A_1690 = vector.load %arg2[%swap3A_1688, %swap3A_1689] : memref<16384x128xf32, #tpu.memory_space<vmem>>, vector<128x64xf32>
    tpu.vector_store %arg2[%swap3A_1688, %swap3A_1689], %transpose3A_1687 {strides = array<i32>} : memref<16384x128xf32, #tpu.memory_space<vmem>>, vector<128x64xf32>,
    %get3A_1691 = arith.constant 0 : index
    %get3A_1692 = arith.constant 30976 : index
    %get3A_1693 = vector.load %arg1[%get3A_1691, %get3A_1692] : memref<64x32768xf32, #tpu.memory_space<vmem>>, vector<64x128xf32>
    %get3A_1694 = arith.constant 0 : index
    %get3A_1695 = arith.constant 31104 : index
    %get3A_1696 = vector.load %arg1[%get3A_1694, %get3A_1695] : memref<64x32768xf32, #tpu.memory_space<vmem>>, vector<64x128xf32>
    %transpose3A_1697 = tpu.transpose %get3A_1693, [1, 0] : vector<64x128xf32> -> vector<128x64xf32>
    %swap3A_1698 = arith.constant 15488 : index
    %swap3A_1699 = arith.constant 0 : index
    %swap3A_1700 = vector.load %arg2[%swap3A_1698, %swap3A_1699] : memref<16384x128xf32, #tpu.memory_space<vmem>>, vector<128x64xf32>
    tpu.vector_store %arg2[%swap3A_1698, %swap3A_1699], %transpose3A_1697 {strides = array<i32>} : memref<16384x128xf32, #tpu.memory_space<vmem>>, vector<128x64xf32>,
    %transpose3A_1701 = tpu.transpose %get3A_1696, [1, 0] : vector<64x128xf32> -> vector<128x64xf32>
    %swap3A_1702 = arith.constant 15488 : index
    %swap3A_1703 = arith.constant 64 : index
    %swap3A_1704 = vector.load %arg2[%swap3A_1702, %swap3A_1703] : memref<16384x128xf32, #tpu.memory_space<vmem>>, vector<128x64xf32>
    tpu.vector_store %arg2[%swap3A_1702, %swap3A_1703], %transpose3A_1701 {strides = array<i32>} : memref<16384x128xf32, #tpu.memory_space<vmem>>, vector<128x64xf32>,
    %get3A_1705 = arith.constant 0 : index
    %get3A_1706 = arith.constant 31232 : index
    %get3A_1707 = vector.load %arg1[%get3A_1705, %get3A_1706] : memref<64x32768xf32, #tpu.memory_space<vmem>>, vector<64x128xf32>
    %get3A_1708 = arith.constant 0 : index
    %get3A_1709 = arith.constant 31360 : index
    %get3A_1710 = vector.load %arg1[%get3A_1708, %get3A_1709] : memref<64x32768xf32, #tpu.memory_space<vmem>>, vector<64x128xf32>
    %transpose3A_1711 = tpu.transpose %get3A_1707, [1, 0] : vector<64x128xf32> -> vector<128x64xf32>
    %swap3A_1712 = arith.constant 15616 : index
    %swap3A_1713 = arith.constant 0 : index
    %swap3A_1714 = vector.load %arg2[%swap3A_1712, %swap3A_1713] : memref<16384x128xf32, #tpu.memory_space<vmem>>, vector<128x64xf32>
    tpu.vector_store %arg2[%swap3A_1712, %swap3A_1713], %transpose3A_1711 {strides = array<i32>} : memref<16384x128xf32, #tpu.memory_space<vmem>>, vector<128x64xf32>,
    %transpose3A_1715 = tpu.transpose %get3A_1710, [1, 0] : vector<64x128xf32> -> vector<128x64xf32>
    %swap3A_1716 = arith.constant 15616 : index
    %swap3A_1717 = arith.constant 64 : index
    %swap3A_1718 = vector.load %arg2[%swap3A_1716, %swap3A_1717] : memref<16384x128xf32, #tpu.memory_space<vmem>>, vector<128x64xf32>
    tpu.vector_store %arg2[%swap3A_1716, %swap3A_1717], %transpose3A_1715 {strides = array<i32>} : memref<16384x128xf32, #tpu.memory_space<vmem>>, vector<128x64xf32>,
    %get3A_1719 = arith.constant 0 : index
    %get3A_1720 = arith.constant 31488 : index
    %get3A_1721 = vector.load %arg1[%get3A_1719, %get3A_1720] : memref<64x32768xf32, #tpu.memory_space<vmem>>, vector<64x128xf32>
    %get3A_1722 = arith.constant 0 : index
    %get3A_1723 = arith.constant 31616 : index
    %get3A_1724 = vector.load %arg1[%get3A_1722, %get3A_1723] : memref<64x32768xf32, #tpu.memory_space<vmem>>, vector<64x128xf32>
    %transpose3A_1725 = tpu.transpose %get3A_1721, [1, 0] : vector<64x128xf32> -> vector<128x64xf32>
    %swap3A_1726 = arith.constant 15744 : index
    %swap3A_1727 = arith.constant 0 : index
    %swap3A_1728 = vector.load %arg2[%swap3A_1726, %swap3A_1727] : memref<16384x128xf32, #tpu.memory_space<vmem>>, vector<128x64xf32>
    tpu.vector_store %arg2[%swap3A_1726, %swap3A_1727], %transpose3A_1725 {strides = array<i32>} : memref<16384x128xf32, #tpu.memory_space<vmem>>, vector<128x64xf32>,
    %transpose3A_1729 = tpu.transpose %get3A_1724, [1, 0] : vector<64x128xf32> -> vector<128x64xf32>
    %swap3A_1730 = arith.constant 15744 : index
    %swap3A_1731 = arith.constant 64 : index
    %swap3A_1732 = vector.load %arg2[%swap3A_1730, %swap3A_1731] : memref<16384x128xf32, #tpu.memory_space<vmem>>, vector<128x64xf32>
    tpu.vector_store %arg2[%swap3A_1730, %swap3A_1731], %transpose3A_1729 {strides = array<i32>} : memref<16384x128xf32, #tpu.memory_space<vmem>>, vector<128x64xf32>,
    %get3A_1733 = arith.constant 0 : index
    %get3A_1734 = arith.constant 31744 : index
    %get3A_1735 = vector.load %arg1[%get3A_1733, %get3A_1734] : memref<64x32768xf32, #tpu.memory_space<vmem>>, vector<64x128xf32>
    %get3A_1736 = arith.constant 0 : index
    %get3A_1737 = arith.constant 31872 : index
    %get3A_1738 = vector.load %arg1[%get3A_1736, %get3A_1737] : memref<64x32768xf32, #tpu.memory_space<vmem>>, vector<64x128xf32>
    %transpose3A_1739 = tpu.transpose %get3A_1735, [1, 0] : vector<64x128xf32> -> vector<128x64xf32>
    %swap3A_1740 = arith.constant 15872 : index
    %swap3A_1741 = arith.constant 0 : index
    %swap3A_1742 = vector.load %arg2[%swap3A_1740, %swap3A_1741] : memref<16384x128xf32, #tpu.memory_space<vmem>>, vector<128x64xf32>
    tpu.vector_store %arg2[%swap3A_1740, %swap3A_1741], %transpose3A_1739 {strides = array<i32>} : memref<16384x128xf32, #tpu.memory_space<vmem>>, vector<128x64xf32>,
    %transpose3A_1743 = tpu.transpose %get3A_1738, [1, 0] : vector<64x128xf32> -> vector<128x64xf32>
    %swap3A_1744 = arith.constant 15872 : index
    %swap3A_1745 = arith.constant 64 : index
    %swap3A_1746 = vector.load %arg2[%swap3A_1744, %swap3A_1745] : memref<16384x128xf32, #tpu.memory_space<vmem>>, vector<128x64xf32>
    tpu.vector_store %arg2[%swap3A_1744, %swap3A_1745], %transpose3A_1743 {strides = array<i32>} : memref<16384x128xf32, #tpu.memory_space<vmem>>, vector<128x64xf32>,
    %get3A_1747 = arith.constant 0 : index
    %get3A_1748 = arith.constant 32000 : index
    %get3A_1749 = vector.load %arg1[%get3A_1747, %get3A_1748] : memref<64x32768xf32, #tpu.memory_space<vmem>>, vector<64x128xf32>
    %get3A_1750 = arith.constant 0 : index
    %get3A_1751 = arith.constant 32128 : index
    %get3A_1752 = vector.load %arg1[%get3A_1750, %get3A_1751] : memref<64x32768xf32, #tpu.memory_space<vmem>>, vector<64x128xf32>
    %transpose3A_1753 = tpu.transpose %get3A_1749, [1, 0] : vector<64x128xf32> -> vector<128x64xf32>
    %swap3A_1754 = arith.constant 16000 : index
    %swap3A_1755 = arith.constant 0 : index
    %swap3A_1756 = vector.load %arg2[%swap3A_1754, %swap3A_1755] : memref<16384x128xf32, #tpu.memory_space<vmem>>, vector<128x64xf32>
    tpu.vector_store %arg2[%swap3A_1754, %swap3A_1755], %transpose3A_1753 {strides = array<i32>} : memref<16384x128xf32, #tpu.memory_space<vmem>>, vector<128x64xf32>,
    %transpose3A_1757 = tpu.transpose %get3A_1752, [1, 0] : vector<64x128xf32> -> vector<128x64xf32>
    %swap3A_1758 = arith.constant 16000 : index
    %swap3A_1759 = arith.constant 64 : index
    %swap3A_1760 = vector.load %arg2[%swap3A_1758, %swap3A_1759] : memref<16384x128xf32, #tpu.memory_space<vmem>>, vector<128x64xf32>
    tpu.vector_store %arg2[%swap3A_1758, %swap3A_1759], %transpose3A_1757 {strides = array<i32>} : memref<16384x128xf32, #tpu.memory_space<vmem>>, vector<128x64xf32>,
    %get3A_1761 = arith.constant 0 : index
    %get3A_1762 = arith.constant 32256 : index
    %get3A_1763 = vector.load %arg1[%get3A_1761, %get3A_1762] : memref<64x32768xf32, #tpu.memory_space<vmem>>, vector<64x128xf32>
    %get3A_1764 = arith.constant 0 : index
    %get3A_1765 = arith.constant 32384 : index
    %get3A_1766 = vector.load %arg1[%get3A_1764, %get3A_1765] : memref<64x32768xf32, #tpu.memory_space<vmem>>, vector<64x128xf32>
    %transpose3A_1767 = tpu.transpose %get3A_1763, [1, 0] : vector<64x128xf32> -> vector<128x64xf32>
    %swap3A_1768 = arith.constant 16128 : index
    %swap3A_1769 = arith.constant 0 : index
    %swap3A_1770 = vector.load %arg2[%swap3A_1768, %swap3A_1769] : memref<16384x128xf32, #tpu.memory_space<vmem>>, vector<128x64xf32>
    tpu.vector_store %arg2[%swap3A_1768, %swap3A_1769], %transpose3A_1767 {strides = array<i32>} : memref<16384x128xf32, #tpu.memory_space<vmem>>, vector<128x64xf32>,
    %transpose3A_1771 = tpu.transpose %get3A_1766, [1, 0] : vector<64x128xf32> -> vector<128x64xf32>
    %swap3A_1772 = arith.constant 16128 : index
    %swap3A_1773 = arith.constant 64 : index
    %swap3A_1774 = vector.load %arg2[%swap3A_1772, %swap3A_1773] : memref<16384x128xf32, #tpu.memory_space<vmem>>, vector<128x64xf32>
    tpu.vector_store %arg2[%swap3A_1772, %swap3A_1773], %transpose3A_1771 {strides = array<i32>} : memref<16384x128xf32, #tpu.memory_space<vmem>>, vector<128x64xf32>,
    %get3A_1775 = arith.constant 0 : index
    %get3A_1776 = arith.constant 32512 : index
    %get3A_1777 = vector.load %arg1[%get3A_1775, %get3A_1776] : memref<64x32768xf32, #tpu.memory_space<vmem>>, vector<64x128xf32>
    %get3A_1778 = arith.constant 0 : index
    %get3A_1779 = arith.constant 32640 : index
    %get3A_1780 = vector.load %arg1[%get3A_1778, %get3A_1779] : memref<64x32768xf32, #tpu.memory_space<vmem>>, vector<64x128xf32>
    %transpose3A_1781 = tpu.transpose %get3A_1777, [1, 0] : vector<64x128xf32> -> vector<128x64xf32>
    %swap3A_1782 = arith.constant 16256 : index
    %swap3A_1783 = arith.constant 0 : index
    %swap3A_1784 = vector.load %arg2[%swap3A_1782, %swap3A_1783] : memref<16384x128xf32, #tpu.memory_space<vmem>>, vector<128x64xf32>
    tpu.vector_store %arg2[%swap3A_1782, %swap3A_1783], %transpose3A_1781 {strides = array<i32>} : memref<16384x128xf32, #tpu.memory_space<vmem>>, vector<128x64xf32>,
    %transpose3A_1785 = tpu.transpose %get3A_1780, [1, 0] : vector<64x128xf32> -> vector<128x64xf32>
    %swap3A_1786 = arith.constant 16256 : index
    %swap3A_1787 = arith.constant 64 : index
    %swap3A_1788 = vector.load %arg2[%swap3A_1786, %swap3A_1787] : memref<16384x128xf32, #tpu.memory_space<vmem>>, vector<128x64xf32>
    tpu.vector_store %arg2[%swap3A_1786, %swap3A_1787], %transpose3A_1785 {strides = array<i32>} : memref<16384x128xf32, #tpu.memory_space<vmem>>, vector<128x64xf32>,
    return
  }
  func.func @transform_0(%arg0: i32) -> (i32, i32) {
    %c0_i32 = arith.constant 0 : i32
    %c0_i32_0 = arith.constant 0 : i32
    return %c0_i32, %arg0 : i32, i32
  }
  func.func @transform_1(%arg0: i32) -> (i32, i32) {
    %c0_i32 = arith.constant 0 : i32
    %c0_i32_0 = arith.constant 0 : i32
    return %arg0, %c0_i32 : i32, i32
  }
}

</mosaic_0001>

<sc_bundles>
// kernel: kernel.4.cloned.1.call-start
scs
__scs_entry_jumppad:
0x0: {  	(pc) =	sbr.rel $0x88, $3  }
0x1: {  	(tag) =	ssettag $0x0;
	lr =	simm.s32 $0x1  }
0x2: {  	[smem:$0x3F9F] =	sst lr;
	_ =	strace $0xD0000000  }
0x3: {  	_ = 	snop  }
0x4: {  	_ = 	snop  }
0x5: {  	_ = 	snop  }
0x6: {  	_ = 	snop  }
0x7: {  	_ = 	snop  }
__scs_overlays_trampoline_lowered:
0x8: {  	[smem:$0x3FAE] =	sst s0  }
0x9: {  	[smem:$0x3FAF] =	sst s1  }
0xa: {  	[smem:$0x3FB0] =	sst s2  }
0xb: {  	[smem:$0x3FB1] =	sst s3  }
0xc: {  	[smem:$0x3FB2] =	sst s4  }
0xd: {  	[smem:$0x3FB3] =	sst s5  }
0xe: {  	[smem:$0x3FB4] =	sst s6  }
0xf: {  	[smem:$0x3FB5] =	sst s7  }
0x10: {  	[smem:$0x3FB6] =	sst s8  }
0x11: {  	[smem:$0x3FB7] =	sst s9;
	s0 =	simm.s32 @!p0 $0x0  }
0x12: {  	s1 =	sld [smem:$0x3F9D];
	s0 =	simm.s32 @p0 $0x1  }
0x13: {  	[smem:$0x3FB8] =	sst s0;
	s0 =	simm.s32 @!p1 $0x0  }
0x14: {  	s2 =	sld [smem:$0x3F9C];
	s0 =	simm.s32 @p1 $0x1  }
0x15: {  	[smem:$0x3FB9] =	sst s0;
	s0 =	simm.s32 @!p2 $0x0  }
0x16: {  	s3 =	sld [smem:$0x3FDB];
	s0 =	simm.s32 @p2 $0x1  }
0x17: {  	s4 =	simm.s32 $0x1BF5;
	[smem:$0x3FBB] =	sst s0  }
0x18: {  	s0 =	sld [smem:$0x3F9E];
	_ =	swait.ge [sflag:s4], $0x0  }
0x19: {  	s7 =	sld [smem:$0x3F9F]  }
0x1a: {  	s8 =	sadd.s32 $0xFFFFE003, lr  }
0x1b: {  	s9 =	sadd.s32 $0xFFFFFEF7, lr;
	s5 =	simm.s32 $0xFFFFFFFF;
	p2 =	slt.u32 s8, $0xFFFFF086  }
0x1c: {  	p1 =	slt.u32 s9, $0xF7A;
	s5 =	simm.s32 @!p2 $0x0  }
0x1d: {  	s5 =	simm.s32 @p1 $0x1;
	p0 =	seq.s32 s7, s2  }
0x1e: {  	s7 =	smul.u32 @!p0 $0xF7A, s2;
	p2 =	seq.s32 @!p0 s5, $0x0  }
0x1f: {  	s9 =	smul.u32 $0xF7A, s1;
	s8 =	simm.s32 @!p0 $0x1BF5;
	p2 =	por !p2, p0  }
0x20: {  	[sflag:s8] =	ssyncset.s32 @!p0 $0xFFFFF086;
	s6 =	sadd.s32 @!p0 s3, s7;
	s7 =	simm.s32 @!p0 $0x108  }
0x21: {  	s3 =	sadd.s32 s3, s9;
	s6 =	sadd.s32 @!p0 $0x88, s6;
	s7 =	simm.s32 @p2 $0x1082  }
0x22: {  	[simem:s7], [sflag:s8] =	dma.local @!p0 [hbm:s6], $0xF7A  }
0x23: {  	s9 =	sor.u32 $0xD0000000, s2;
	s6 =	simm.s32 $0x108;
	_ =	swait.ge @!p0 [sflag:s8], $0x0  }
0x24: {  	s3 =	sadd.s32 $0x88, s3;
	s6 =	simm.s32 @!p1 $0x1082;
	[sflag:s4] =	ssyncset.s32 $0xFFFFF086  }
0x25: {  	[simem:s6], [sflag:s4] =	dma.local [hbm:s3], $0xF7A  }
0x26: {  	[smem:$0x3F9F] =	sst s1;
	(tag) =	ssettag s2;
	_ =	strace s9  }
0x27: {  	s1 =	sld [smem:$0x3FAF]  }
0x28: {  	s2 =	sld [smem:$0x3FB0]  }
0x29: {  	s4 =	sld [smem:$0x3FB2]  }
0x2a: {  	p0 =	seq.s32 s5, $0x0;
	s5 =	sld [smem:$0x3FB3]  }
0x2b: {  	s6 =	sld [smem:$0x3FB4]  }
0x2c: {  	s7 =	sld [smem:$0x3FB5]  }
0x2d: {  	s3 =	simm.s32 $0x108;
	s8 =	sld [smem:$0x3FB6]  }
0x2e: {  	s3 =	simm.s32 @!p0 $0x1082;
	s9 =	sld [smem:$0x3FB7]  }
0x2f: {  	lr =	sadd.s32 s0, s3;
	s0 =	sld [smem:$0x3FAE]  }
0x30: {  	s3 =	sld [smem:$0x3FB1]  }
0x31: {  	[smem:$0x3FBA] =	sst s10  }
0x32: {  	s10 =	sld [smem:$0x3FB8];
	_ =	sdelay $0x3  }
0x33: {  	p0 =	seq.s32 s10, $0x1;
	s10 =	sld [smem:$0x3FBA];
	_ =	sdelay $0x3  }
0x34: {  	[smem:$0x3FBA] =	sst s10  }
0x35: {  	s10 =	sld [smem:$0x3FB9];
	_ =	sdelay $0x3  }
0x36: {  	p1 =	seq.s32 s10, $0x1;
	s10 =	sld [smem:$0x3FBA];
	_ =	sdelay $0x3  }
0x37: {  	[smem:$0x3FBA] =	sst s10  }
0x38: {  	s10 =	sld [smem:$0x3FBB]  }
0x39: {  	_ = 	snop;
	(pc) =	sbr.ind lr, $3  }
0x3a: {  	_ = 	snop  }
0x3b: {  	_ = 	snop  }
0x3c: {  	p2 =	seq.s32 s10, $0x1;
	s10 =	sld [smem:$0x3FBA]  }
0x3d: {  	_ =	shalt  }
0x3e: {  	_ =	shalt  }
0x3f: {  	_ =	shalt  }
0x40: {  	_ =	shalt  }
0x41: {  	_ =	shalt  }
0x42: {  	_ =	shalt  }
0x43: {  	_ =	shalt  }
0x44: {  	_ =	shalt  }
0x45: {  	_ =	shalt  }
0x46: {  	_ =	shalt  }
0x47: {  	_ =	shalt  }
0x48: {  	_ =	shalt  }
0x49: {  	_ =	shalt  }
0x4a: {  	_ =	shalt  }
0x4b: {  	_ =	shalt  }
0x4c: {  	_ =	shalt  }
0x4d: {  	_ =	shalt  }
0x4e: {  	_ =	shalt  }
0x4f: {  	_ =	shalt  }
0x50: {  	_ =	shalt  }
0x51: {  	_ =	shalt  }
0x52: {  	_ =	shalt  }
0x53: {  	_ =	shalt  }
0x54: {  	_ =	shalt  }
0x55: {  	_ =	shalt  }
0x56: {  	_ =	shalt  }
0x57: {  	_ =	shalt  }
0x58: {  	_ =	shalt  }
0x59: {  	_ =	shalt  }
0x5a: {  	_ =	shalt  }
0x5b: {  	_ =	shalt  }
0x5c: {  	_ =	shalt  }
0x5d: {  	_ =	shalt  }
0x5e: {  	_ =	shalt  }
0x5f: {  	_ =	shalt  }
0x60: {  	_ =	shalt  }
0x61: {  	_ =	shalt  }
0x62: {  	_ =	shalt  }
0x63: {  	_ =	shalt  }
0x64: {  	_ =	shalt  }
0x65: {  	_ =	shalt  }
0x66: {  	_ =	shalt  }
0x67: {  	_ =	shalt  }
0x68: {  	_ =	shalt  }
0x69: {  	_ =	shalt  }
0x6a: {  	_ =	shalt  }
0x6b: {  	_ =	shalt  }
0x6c: {  	_ =	shalt  }
0x6d: {  	_ =	shalt  }
0x6e: {  	_ =	shalt  }
0x6f: {  	_ =	shalt  }
0x70: {  	_ =	shalt  }
0x71: {  	_ =	shalt  }
0x72: {  	_ =	shalt  }
0x73: {  	_ =	shalt  }
0x74: {  	_ =	shalt  }
0x75: {  	_ =	shalt  }
0x76: {  	_ =	shalt  }
0x77: {  	_ =	shalt  }
0x78: {  	_ =	shalt  }
0x79: {  	_ =	shalt  }
0x7a: {  	_ =	shalt  }
0x7b: {  	_ =	shalt  }
0x7c: {  	_ =	shalt  }
0x7d: {  	_ =	shalt  }
0x7e: {  	_ =	shalt  }
0x7f: {  	_ =	shalt  }
0x80: {  	_ =	shalt  }
0x81: {  	_ =	shalt  }
0x82: {  	_ =	shalt  }
0x83: {  	_ =	shalt  }
0x84: {  	_ =	shalt  }
0x85: {  	_ =	shalt  }
0x86: {  	_ =	shalt  }
0x87: {  	_ =	shalt  }
.Lfunc_end0:
.L_simem_size_0:
called_computation_lowered:
.L_overlay_start_0:
0x88: {  	s2 =	sld [smem:$0x3FD9]  }
0x89: {  	s3 =	sld [smem:$0x3FFE];
	_ =	sdelay $0x1  }
0x8a: {  	s1 =	srdreg.scid  }
0x8b: {  	s0 =	sand.u32 $0x1, s1  }
0x8c: {  	s17 =	sshll.u32 s0, $0xA;
	s2 =	sadd.s32 s3, s2  }
0x8d: {  	s2 =	sadd.s32 s2, s17  }
0x8e: {  	[smem:$0x3FC6] =	sst s2  }
0x8f: {  	_ = 	snop  }
0x90: {  	s2 =	sld [smem:$0x3FC9]  }
0x91: {  	s18 =	sld [smem:$0x3FD0];
	(tm) =	ssettm $0x1  }
0x92: {  	s4 =	sld [smem:$0x3FFB];
	_ =	sdelay $0x3  }
0x93: {  	_ =	strace s4  }
0x94: {  	s4 =	sld [smem:$0x3FFC];
	_ =	sdelay $0x3  }
0x95: {  	_ =	strace s4  }
0x96: {  	s4 =	sld [smem:$0x3FFD];
	_ =	sdelay $0x3  }
0x97: {  	_ =	strace s4  }
0x98: {  	_ =	strace $0x8FFFFFFF  }
0x99: {  	s19 =	sld [smem:$0x3FDB];
	_ =	sdelay $0x1  }
0x9a: {  	s5 =	simm.s32 $_scs_section_size  }
0x9b: {  	s6 =	simm.s32 $_size__tile_overlayer_lowered;
	s7 =	simm.s32 $_tile_overlayer_lowered  }
0x9c: {  	s22 =	simm.s32 $0x1BFF;
	s21 =	sshll.u32 s7, $0x1;
	s4 =	sadd.s32 s5, s19  }
0x9d: {  	s8 =	simm.s32 $0x0;
	s20 =	sshll.u32 s6, $0x1;
	s6 =	sadd.s32 s21, s4  }
0x9e: {  	[timem:s8], [sflag:s22] =	dma.local [hbm:s6], s20  }
0x9f: {  	_ =	swait.ge [sflag:s22], s20  }
0xa0: {  	s5 =	ssub.s32 $0x0, s20;
	[sflag:s22] =	ssyncset.done $0x0  }
0xa1: {  	[sflag:s22] =	ssyncadd.s32 s5;
	_ =	sdelay $0x1  }
0xa2: {  	s23 =	simm.s32 $0x1B8B  }
0xa3: {  	_ =	swait.ge [sflag:s23], $0x1  }
0xa4: {  	[sflag:s23] =	ssyncset.done $0x0  }
0xa5: {  	s25 =	simm.s32 $0x1B8E;
	s24 =	sld [smem:$0x3FFE];
	[sflag:s23] =	ssyncadd.s32 $0xFFFFFFFF  }
0xa6: {  	s26 =	simm.s32 $execute0_lowered;
	[smem:$0x3FD2] =	sst s25  }
0xa7: {  	s6 =	sshll.u32 s26, $0x1;
	_ =	strace $0x80000046;
	[dreg:$0x1] =	wrdreg $0xFFFFFFFF  }
0xa8: {  	s28 =	simm.s32 $_size_execute0_lowered;
	s4 =	sadd.s32 s4, s6;
	[dreg:$0x0] =	wrdreg $0x0  }
0xa9: {  	s6 =	sshll.u32 s28, $0x1;
	[dreg:$0x2] =	wrdreg s4  }
0xaa: {  	[dreg:$0x3] =	wrdreg s6  }
0xab: {  	[dreg:$0x4] =	wrdreg $0xC0  }
0xac: {  	_ =	task [dreg:s8], $0x5FFFF  }
0xad: {  	[dreg:$0x1] =	wrdreg $0xFFFFFFFF  }
0xae: {  	[dreg:$0x0] =	wrdreg $0x60  }
0xaf: {  	[dreg:$0x2] =	wrdreg s2  }
0xb0: {  	[dreg:$0x3] =	wrdreg s24  }
0xb1: {  	[dreg:$0x4] =	wrdreg s18  }
0xb2: {  	[dreg:$0x5] =	wrdreg $0x9  }
0xb3: {  	_ =	task.clear_ibuf [dreg:s8], $0x6FFFF;
	_ =	strace $0x90000046  }
0xb4: {  	s29 =	simm.s32 $0x9;
	_ =	strace $0x80000048  }
0xb5: {  	_ =	swait.ge [sflag:s29], $0x1  }
0xb6: {  	[sflag:s29] =	ssyncadd.s32 $0xFFFFFFFF  }
0xb7: {  	_ =	strace $0x90000048  }
0xb8: {  	_ =	sfence  }
0xb9: {  	s30 =	sld [smem:$0x0];
	_ =	sdelay $0x2  }
0xba: {  	s31 =	sshll.u32 s1, $0xD;
	s1 =	sshrl.u32 s1, $0x2  }
0xbb: {  	s3 =	sand.u32 $0x4000, s31;
	s1 =	sadd.s32 s1, s30  }
0xbc: {  	s0 =	sor.u32 s3, s0;
	s1 =	sshll.u32 s1, $0x11  }
0xbd: {  	s0 =	sor.u32 s1, s0  }
0xbe: {  	s0 =	sadd.s32 $0x8F2B, s0  }
0xbf: {  	[sflag:s0] =	ssyncadd.remote.s32 $0x1  }
0xc0: {  	_ =	sfence.sel $0xFFFF  }
0xc1: {  	[dreg:$0x0] =	wrdreg $0xFFFFFFFF;
	(pc) =	sbr.abs _section_cstart, $3  }
0xc2: {  	[dreg:$0x1] =	wrdreg $0xFFFFFFFF  }
0xc3: {  	_ =	task.clear_ibuf [dreg:s8], $0x2FFFF;
	_ =	strace $0x9FFFFFFF  }
0xc4: {  	(tm) =	ssettm $0x7FFFFFFF  }
0xc5: {  	_ =	shalt  }
tec
execute0_lowered:
.L_overlay_start_1:
0x0: {  	(tag) =	ssettag $0x1  }
0x1: {  	s4 =	rddreg [dreg:$0x0]  }
0x2: {  	s3 =	rddreg [dreg:$0x1]  }
0x3: {  	s5 =	rddreg [dreg:$0x2]  }
0x4: {  	s0 =	rddreg [dreg:$0x3];
	s2 =	simm.s32 $0x0;
	s6 =	srdreg.scid  }
0x5: {  	s1 =	stileid.u32;
	s10 =	simm.s32 $0x600;
	s11 =	simm.s32 $0x280  }
0x6: {  	s12 =	simm.s32 $0x4600;
	s13 =	simm.s32 $0x300;
	s14 =	simm.s32 $0x8600  }
0x7: {  	s15 =	simm.s32 $0x380;
	s16 =	simm.s32 $0xC600;
	s17 =	simm.s32 $0x1  }
0x8: {  	s18 =	simm.s32 $0x1000;
	s19 =	simm.s32 $0x20000;
	s20 =	simm.s32 $0x10600  }
0x9: {  	s21 =	simm.s32 $0x0;
	[smem:$0x7FF] =	sst s2;
	s6 =	sand.u32 $0x1, s6  }
0xa: {  	s8 =	sshll.u32 s1, $0xA;
	s7 =	ssub.s32 $0x2, s6;
	s6 =	sshll.u32 s6, $0x9  }
0xb: {  	s3 =	sadd.s32 $0x400, s3;
	s9 =	sshrl.u32 s7, $0x1;
	s6 =	sor.u32 s6, s8  }
0xc: {  	_ =	strace $0x80000047;
	s7 =	ssub.s32 s7, s9;
	s8 =	sshrl.u32 s6, $0x3  }
0xd: {  	v0 =	vlaneseq.u32;
	s5 =	sadd.s32 s5, s6;
	s9 =	simm.s32 $0x200;
	s4 =	sadd.s32 s4, s8  }
0xe: {  	v0 =	vmul.u32 $0x80, v0;
	s6 =	smax.u32 s7, $0x1;
	s7 =	simm.s32 $0x2;
	s8 =	simm.s32 $0x80  }
.LBB2_1:
0xf: {  	[tilespmem:s2], [sflag:$0x2] =	stream.linear.gather [hbm4b:s4+s2], $0x200, $0x38;
	[tilespmem:$0x18600] =	vst v63  }
0x10: {  	_ =	swait.ge [sflag:s7], $0x200  }
0x11: {  	[sflag:s7] =	ssyncset.done $0x0  }
0x12: {  	s22 =	simm.s32 $0x40;
	[sflag:s7] =	ssyncadd.s32 $0xFFFFFE00  }
0x13: {  	v1 =	vld [tilespmem:s22+$0xFFFFFFC0];
	_ =	sdelay $0x4  }
0x14: {  	v2 =	vshrl.u32 v1, $0x1  }
0x15: {  	v1 =	vand.u32 $0x7F, v1;
	v3 =	vand.u32 $0x7FFFFF80, v2  }
0x16: {  	s23 =	simm.s32 $0x240;
	v1 =	vor.u32 v1, v3  }
0x17: {  	s24 =	simm.s32 $0x440;
	[tilespmem:s23+$0xFFFFFFC0] =	vst v1;
	v1 =	vand.u32 $0x40, v2  }
0x18: {  	[tilespmem:s24+$0xFFFFFFC0] =	vst v1  }
0x19: {  	v1 =	vld [tilespmem:s22+$0xFFFFFFD0];
	_ =	sdelay $0x4  }
0x1a: {  	v2 =	vshrl.u32 v1, $0x1  }
0x1b: {  	v1 =	vand.u32 $0x7F, v1;
	v3 =	vand.u32 $0x7FFFFF80, v2  }
0x1c: {  	v1 =	vor.u32 v1, v3  }
0x1d: {  	[tilespmem:s23+$0xFFFFFFD0] =	vst v1;
	v1 =	vand.u32 $0x40, v2  }
0x1e: {  	[tilespmem:s24+$0xFFFFFFD0] =	vst v1  }
0x1f: {  	v1 =	vld [tilespmem:s22+$0xFFFFFFE0];
	_ =	sdelay $0x4  }
0x20: {  	v2 =	vshrl.u32 v1, $0x1  }
0x21: {  	v1 =	vand.u32 $0x7F, v1;
	v3 =	vand.u32 $0x7FFFFF80, v2  }
0x22: {  	v1 =	vor.u32 v1, v3  }
0x23: {  	[tilespmem:s23+$0xFFFFFFE0] =	vst v1;
	v1 =	vand.u32 $0x40, v2  }
0x24: {  	[tilespmem:s24+$0xFFFFFFE0] =	vst v1  }
0x25: {  	v1 =	vld [tilespmem:s22+$0xFFFFFFF0];
	_ =	sdelay $0x4  }
0x26: {  	v2 =	vshrl.u32 v1, $0x1  }
0x27: {  	v1 =	vand.u32 $0x7F, v1;
	v3 =	vand.u32 $0x7FFFFF80, v2  }
0x28: {  	v1 =	vor.u32 v1, v3  }
0x29: {  	[tilespmem:s23+$0xFFFFFFF0] =	vst v1;
	v1 =	vand.u32 $0x40, v2  }
0x2a: {  	[tilespmem:s24+$0xFFFFFFF0] =	vst v1  }
0x2b: {  	v1 =	vld [tilespmem:s22+$0x0];
	_ =	sdelay $0x4  }
0x2c: {  	v2 =	vshrl.u32 v1, $0x1  }
0x2d: {  	v1 =	vand.u32 $0x7F, v1;
	v3 =	vand.u32 $0x7FFFFF80, v2  }
0x2e: {  	v1 =	vor.u32 v1, v3  }
0x2f: {  	[tilespmem:s23+$0x0] =	vst v1;
	v1 =	vand.u32 $0x40, v2  }
0x30: {  	[tilespmem:s24+$0x0] =	vst v1  }
0x31: {  	v1 =	vld [tilespmem:s22+$0x10];
	_ =	sdelay $0x4  }
0x32: {  	v2 =	vshrl.u32 v1, $0x1  }
0x33: {  	v1 =	vand.u32 $0x7F, v1;
	v3 =	vand.u32 $0x7FFFFF80, v2  }
0x34: {  	v1 =	vor.u32 v1, v3  }
0x35: {  	[tilespmem:s23+$0x10] =	vst v1;
	v1 =	vand.u32 $0x40, v2  }
0x36: {  	[tilespmem:s24+$0x10] =	vst v1  }
0x37: {  	v1 =	vld [tilespmem:s22+$0x20];
	_ =	sdelay $0x4  }
0x38: {  	v2 =	vshrl.u32 v1, $0x1  }
0x39: {  	v1 =	vand.u32 $0x7F, v1;
	v3 =	vand.u32 $0x7FFFFF80, v2  }
0x3a: {  	v1 =	vor.u32 v1, v3  }
0x3b: {  	[tilespmem:s23+$0x20] =	vst v1;
	v1 =	vand.u32 $0x40, v2  }
0x3c: {  	[tilespmem:s24+$0x20] =	vst v1  }
0x3d: {  	v1 =	vld [tilespmem:s22+$0x30];
	_ =	sdelay $0x4  }
0x3e: {  	v2 =	vshrl.u32 v1, $0x1  }
0x3f: {  	v1 =	vand.u32 $0x7F, v1;
	v3 =	vand.u32 $0x7FFFFF80, v2  }
0x40: {  	v1 =	vor.u32 v1, v3  }
0x41: {  	s25 =	simm.s32 $0x0;
	s26 =	simm.s32 $0x4C0;
	[tilespmem:s23+$0x30] =	vst v1;
	v1 =	vand.u32 $0x40, v2  }
.LBB2_2:
0x42: {  	s25 =	sadd.s32 $0x8, s25;
	[tilespmem:s24+$0x30] =	vst v1;
	s22 =	sadd.s32 $0x80, s22;
	s23 =	sadd.s32 $0x80, s23  }
0x43: {  	s24 =	smov.u32 s26;
	v1 =	vld [tilespmem:s22+$0xFFFFFFC0];
	p0 =	slt.u32 s25, $0x18;
	_ =	sdelay $0x4  }
0x44: {  	v2 =	vshrl.u32 v1, $0x1  }
0x45: {  	v1 =	vand.u32 $0x7F, v1;
	v3 =	vand.u32 $0x7FFFFF80, v2  }
0x46: {  	v1 =	vor.u32 v1, v3  }
0x47: {  	[tilespmem:s23+$0xFFFFFFC0] =	vst v1;
	v1 =	vand.u32 $0x40, v2  }
0x48: {  	[tilespmem:s26+$0xFFFFFFC0] =	vst v1  }
0x49: {  	v1 =	vld [tilespmem:s22+$0xFFFFFFD0];
	_ =	sdelay $0x4  }
0x4a: {  	v2 =	vshrl.u32 v1, $0x1  }
0x4b: {  	v1 =	vand.u32 $0x7F, v1;
	v3 =	vand.u32 $0x7FFFFF80, v2  }
0x4c: {  	v1 =	vor.u32 v1, v3  }
0x4d: {  	[tilespmem:s23+$0xFFFFFFD0] =	vst v1;
	v1 =	vand.u32 $0x40, v2  }
0x4e: {  	[tilespmem:s26+$0xFFFFFFD0] =	vst v1  }
0x4f: {  	v1 =	vld [tilespmem:s22+$0xFFFFFFE0];
	_ =	sdelay $0x4  }
0x50: {  	v2 =	vshrl.u32 v1, $0x1  }
0x51: {  	v1 =	vand.u32 $0x7F, v1;
	v3 =	vand.u32 $0x7FFFFF80, v2  }
0x52: {  	v1 =	vor.u32 v1, v3  }
0x53: {  	[tilespmem:s23+$0xFFFFFFE0] =	vst v1;
	v1 =	vand.u32 $0x40, v2  }
0x54: {  	[tilespmem:s26+$0xFFFFFFE0] =	vst v1  }
0x55: {  	v1 =	vld [tilespmem:s22+$0xFFFFFFF0];
	_ =	sdelay $0x4  }
0x56: {  	v2 =	vshrl.u32 v1, $0x1  }
0x57: {  	v1 =	vand.u32 $0x7F, v1;
	v3 =	vand.u32 $0x7FFFFF80, v2  }
0x58: {  	v1 =	vor.u32 v1, v3  }
0x59: {  	[tilespmem:s23+$0xFFFFFFF0] =	vst v1;
	v1 =	vand.u32 $0x40, v2  }
0x5a: {  	[tilespmem:s26+$0xFFFFFFF0] =	vst v1  }
0x5b: {  	v1 =	vld [tilespmem:s22+$0x0];
	_ =	sdelay $0x4  }
0x5c: {  	v2 =	vshrl.u32 v1, $0x1  }
0x5d: {  	v1 =	vand.u32 $0x7F, v1;
	v3 =	vand.u32 $0x7FFFFF80, v2  }
0x5e: {  	v1 =	vor.u32 v1, v3  }
0x5f: {  	[tilespmem:s23+$0x0] =	vst v1;
	v1 =	vand.u32 $0x40, v2  }
0x60: {  	[tilespmem:s26+$0x0] =	vst v1  }
0x61: {  	v1 =	vld [tilespmem:s22+$0x10];
	_ =	sdelay $0x4  }
0x62: {  	v2 =	vshrl.u32 v1, $0x1  }
0x63: {  	v1 =	vand.u32 $0x7F, v1;
	v3 =	vand.u32 $0x7FFFFF80, v2  }
0x64: {  	v1 =	vor.u32 v1, v3  }
0x65: {  	[tilespmem:s23+$0x10] =	vst v1;
	v1 =	vand.u32 $0x40, v2  }
0x66: {  	[tilespmem:s26+$0x10] =	vst v1  }
0x67: {  	v1 =	vld [tilespmem:s22+$0x20];
	_ =	sdelay $0x4  }
0x68: {  	v2 =	vshrl.u32 v1, $0x1  }
0x69: {  	v1 =	vand.u32 $0x7F, v1;
	v3 =	vand.u32 $0x7FFFFF80, v2  }
0x6a: {  	v1 =	vor.u32 v1, v3  }
0x6b: {  	[tilespmem:s23+$0x20] =	vst v1;
	v1 =	vand.u32 $0x40, v2  }
0x6c: {  	[tilespmem:s26+$0x20] =	vst v1  }
0x6d: {  	v1 =	vld [tilespmem:s22+$0x30];
	_ =	sdelay $0x3  }
.Ltmp0:
0x6e: {  	(pc) =	sbr.rel @p0 .LBB2_2-.Ltmp0, $4  }
0x6f: {  	v2 =	vshrl.u32 v1, $0x1  }
0x70: {  	v1 =	vand.u32 $0x7F, v1;
	v3 =	vand.u32 $0x7FFFFF80, v2  }
0x71: {  	v1 =	vor.u32 v1, v3  }
0x72: {  	s26 =	sadd.s32 $0x80, s26;
	[tilespmem:s23+$0x30] =	vst v1;
	v1 =	vand.u32 $0x40, v2  }
0x73: {  	[tilespmem:s24+$0x30] =	vst v1  }
0x74: {  	[tilespmem:s10], [sflag:$0x1] =	stream.indirect.gather [hbm4b:s3+s8], $0x80, s9, s8, $0xb8;
	[tilespmem:$0x18600] =	vst v63  }
0x75: {  	_ = 	snop  }
0x76: {  	[tilespmem:s12], [sflag:$0x1] =	stream.indirect.gather [hbm4b:s3+s8], $0x80, s11, s8, $0xb8;
	[tilespmem:$0x18600] =	vst v63  }
0x77: {  	_ = 	snop  }
0x78: {  	[tilespmem:s14], [sflag:$0x1] =	stream.indirect.gather [hbm4b:s3+s8], $0x80, s13, s8, $0xb8;
	[tilespmem:$0x18600] =	vst v63  }
0x79: {  	_ = 	snop  }
0x7a: {  	[tilespmem:s16], [sflag:$0x1] =	stream.indirect.gather [hbm4b:s3+s8], $0x80, s15, s8, $0xb8;
	[tilespmem:$0x18600] =	vst v63  }
0x7b: {  	_ =	swait.ge [sflag:s17], $0x10000  }
0x7c: {  	s22 =	simm.s32 $0x0;
	[sflag:s17] =	ssyncset.done $0x0  }
0x7d: {  	s23 =	simm.s32 $0x400;
	s24 =	simm.s32 $0x0;
	[sflag:s17] =	ssyncadd.s32 $0xFFFF0000  }
.LBB2_4:
0x7e: {  	v2 =	vld [tilespmem:s23+$0x0];
	_ =	sdelay $0x2  }
0x7f: {  	v1 =	vmov s24  }
0x80: {  	v1 =	vshll.u32 v1, $0x7  }
0x81: {  	v1 =	vor.u32 v0, v1;
	v3 =	vand.u32 $0xFFFFFF80, v2  }
0x82: {  	v4 =	vand.u32 $0x7F, v2;
	v3 =	vadd.s32 v1, v3  }
0x83: {  	v3 =	vor.u32 v4, v3;
	_ =	sdelay $0x2  }
0x84: {  	v27 =	vadd.s32 $0x1, v2  }
0x85: {  	v5 =	vand.u32 $0xFFFFFF80, v27  }
0x86: {  	v4 =	vand.u32 $0x7F, v27;
	v5 =	vadd.s32 v1, v5;
	v3 =	vld.idx.msk [tilespmem:v3+s10+$0x0], $0xffff  }
0x87: {  	v4 =	vor.u32 v4, v5;
	_ =	sdelay $0x1  }
0x88: {  	s25 =	sand.u32 $0x70, s24;
	s26 =	sand.u32 $0xC00, s22  }
0x89: {  	s25 =	sor.u32 s25, s26;
	v28 =	vadd.s32 $0x2, v2  }
0x8a: {  	[tilespmem:s25+$0x10600] =	vst v3;
	v3 =	vand.u32 $0xFFFFFF80, v28  }
0x8b: {  	v5 =	vand.u32 $0x7F, v28;
	v4 =	vld.idx.msk [tilespmem:v4+s10+$0x0], $0xffff;
	v3 =	vadd.s32 v1, v3  }
0x8c: {  	v3 =	vor.u32 v5, v3;
	_ =	sdelay $0x2  }
0x8d: {  	s26 =	sadd.s32 $0x10600, s25;
	v29 =	vadd.s32 $0x3, v2  }
0x8e: {  	v30 =	vand.u32 $0xFFFFFF80, v29;
	[tilespmem:s26+$0x80] =	vst v4  }
0x8f: {  	v5 =	vand.u32 $0x7F, v29;
	v4 =	vadd.s32 v1, v30;
	v3 =	vld.idx.msk [tilespmem:v3+s10+$0x0], $0xffff  }
0x90: {  	v4 =	vor.u32 v5, v4;
	_ =	sdelay $0x2  }
0x91: {  	v31 =	vadd.s32 $0x4, v2  }
0x92: {  	[tilespmem:s26+$0x100] =	vst v3;
	v3 =	vand.u32 $0xFFFFFF80, v31  }
0x93: {  	v5 =	vand.u32 $0x7F, v31;
	v4 =	vld.idx.msk [tilespmem:v4+s10+$0x0], $0xffff;
	v3 =	vadd.s32 v1, v3  }
0x94: {  	v3 =	vor.u32 v5, v3;
	_ =	sdelay $0x2  }
0x95: {  	v32 =	vadd.s32 $0x5, v2  }
0x96: {  	v33 =	vand.u32 $0xFFFFFF80, v32;
	[tilespmem:s26+$0x180] =	vst v4  }
0x97: {  	v5 =	vand.u32 $0x7F, v32;
	v4 =	vadd.s32 v1, v33;
	v3 =	vld.idx.msk [tilespmem:v3+s10+$0x0], $0xffff  }
0x98: {  	v4 =	vor.u32 v5, v4;
	_ =	sdelay $0x2  }
0x99: {  	v34 =	vadd.s32 $0x6, v2  }
0x9a: {  	[tilespmem:s26+$0x200] =	vst v3;
	v3 =	vand.u32 $0xFFFFFF80, v34  }
0x9b: {  	v5 =	vand.u32 $0x7F, v34;
	v4 =	vld.idx.msk [tilespmem:v4+s10+$0x0], $0xffff;
	v3 =	vadd.s32 v1, v3  }
0x9c: {  	v3 =	vor.u32 v5, v3;
	_ =	sdelay $0x2  }
0x9d: {  	v35 =	vadd.s32 $0x7, v2  }
0x9e: {  	v36 =	vand.u32 $0xFFFFFF80, v35;
	[tilespmem:s26+$0x280] =	vst v4  }
0x9f: {  	v5 =	vand.u32 $0x7F, v35;
	v4 =	vadd.s32 v1, v36;
	v3 =	vld.idx.msk [tilespmem:v3+s10+$0x0], $0xffff  }
0xa0: {  	v4 =	vor.u32 v5, v4;
	_ =	sdelay $0x2  }
0xa1: {  	v37 =	vadd.s32 $0x8, v2  }
0xa2: {  	[tilespmem:s26+$0x300] =	vst v3;
	v3 =	vand.u32 $0xFFFFFF80, v37  }
0xa3: {  	v5 =	vand.u32 $0x7F, v37;
	v4 =	vld.idx.msk [tilespmem:v4+s10+$0x0], $0xffff;
	v3 =	vadd.s32 v1, v3  }
0xa4: {  	v3 =	vor.u32 v5, v3;
	_ =	sdelay $0x1  }
0xa5: {  	s31 =	sor.u32 s22, s24  }
0xa6: {  	v38 =	vadd.s32 $0x9, v2;
	s26 =	sor.u32 $0x380, s31  }
0xa7: {  	v39 =	vand.u32 $0xFFFFFF80, v38;
	[tilespmem:s26+$0x10600] =	vst v4  }
0xa8: {  	v5 =	vand.u32 $0x7F, v38;
	v4 =	vadd.s32 v1, v39;
	v3 =	vld.idx.msk [tilespmem:v3+s10+$0x0], $0xffff  }
0xa9: {  	v4 =	vor.u32 v5, v4;
	_ =	sdelay $0x2  }
0xaa: {  	v40 =	vadd.s32 $0xA, v2  }
0xab: {  	[tilespmem:s25+$0x11600] =	vst v3;
	v3 =	vand.u32 $0xFFFFFF80, v40  }
0xac: {  	v5 =	vand.u32 $0x7F, v40;
	v4 =	vld.idx.msk [tilespmem:v4+s10+$0x0], $0xffff;
	v3 =	vadd.s32 v1, v3  }
0xad: {  	v3 =	vor.u32 v5, v3;
	_ =	sdelay $0x2  }
0xae: {  	v41 =	vadd.s32 $0xB, v2  }
0xaf: {  	v42 =	vand.u32 $0xFFFFFF80, v41;
	[tilespmem:s25+$0x11680] =	vst v4  }
0xb0: {  	v5 =	vand.u32 $0x7F, v41;
	v4 =	vadd.s32 v1, v42;
	v3 =	vld.idx.msk [tilespmem:v3+s10+$0x0], $0xffff  }
0xb1: {  	v4 =	vor.u32 v5, v4;
	_ =	sdelay $0x2  }
0xb2: {  	v43 =	vadd.s32 $0xC, v2  }
0xb3: {  	[tilespmem:s25+$0x11700] =	vst v3;
	v3 =	vand.u32 $0xFFFFFF80, v43  }
0xb4: {  	v5 =	vand.u32 $0x7F, v43;
	v4 =	vld.idx.msk [tilespmem:v4+s10+$0x0], $0xffff;
	v3 =	vadd.s32 v1, v3  }
0xb5: {  	v3 =	vor.u32 v5, v3;
	_ =	sdelay $0x2  }
0xb6: {  	v44 =	vadd.s32 $0xD, v2  }
0xb7: {  	v45 =	vand.u32 $0xFFFFFF80, v44;
	[tilespmem:s25+$0x11780] =	vst v4  }
0xb8: {  	v5 =	vand.u32 $0x7F, v44;
	v4 =	vadd.s32 v1, v45;
	v3 =	vld.idx.msk [tilespmem:v3+s10+$0x0], $0xffff  }
0xb9: {  	v4 =	vor.u32 v5, v4;
	_ =	sdelay $0x2  }
0xba: {  	v46 =	vadd.s32 $0xE, v2  }
0xbb: {  	[tilespmem:s25+$0x11800] =	vst v3;
	v3 =	vand.u32 $0xFFFFFF80, v46  }
0xbc: {  	v5 =	vand.u32 $0x7F, v46;
	v4 =	vld.idx.msk [tilespmem:v4+s10+$0x0], $0xffff;
	v3 =	vadd.s32 v1, v3  }
0xbd: {  	v3 =	vor.u32 v5, v3;
	_ =	sdelay $0x2  }
0xbe: {  	v47 =	vadd.s32 $0xF, v2  }
0xbf: {  	v48 =	vand.u32 $0xFFFFFF80, v47;
	[tilespmem:s25+$0x11880] =	vst v4  }
0xc0: {  	v5 =	vand.u32 $0x7F, v47;
	v4 =	vadd.s32 v1, v48;
	v3 =	vld.idx.msk [tilespmem:v3+s10+$0x0], $0xffff  }
0xc1: {  	v4 =	vor.u32 v5, v4;
	_ =	sdelay $0x2  }
0xc2: {  	v49 =	vadd.s32 $0x10, v2  }
0xc3: {  	[tilespmem:s25+$0x11900] =	vst v3;
	v3 =	vand.u32 $0xFFFFFF80, v49  }
0xc4: {  	v5 =	vand.u32 $0x7F, v49;
	v4 =	vld.idx.msk [tilespmem:v4+s10+$0x0], $0xffff;
	v3 =	vadd.s32 v1, v3  }
0xc5: {  	v3 =	vor.u32 v5, v3;
	_ =	sdelay $0x2  }
0xc6: {  	v50 =	vadd.s32 $0x11, v2  }
0xc7: {  	v51 =	vand.u32 $0xFFFFFF80, v50;
	[tilespmem:s25+$0x11980] =	vst v4  }
0xc8: {  	v5 =	vand.u32 $0x7F, v50;
	v4 =	vadd.s32 v1, v51;
	v3 =	vld.idx.msk [tilespmem:v3+s10+$0x0], $0xffff  }
0xc9: {  	v4 =	vor.u32 v5, v4;
	_ =	sdelay $0x2  }
0xca: {  	v52 =	vadd.s32 $0x12, v2  }
0xcb: {  	[tilespmem:s25+$0x12600] =	vst v3;
	v3 =	vand.u32 $0xFFFFFF80, v52  }
0xcc: {  	v5 =	vand.u32 $0x7F, v52;
	v4 =	vld.idx.msk [tilespmem:v4+s10+$0x0], $0xffff;
	v3 =	vadd.s32 v1, v3  }
0xcd: {  	v3 =	vor.u32 v5, v3;
	_ =	sdelay $0x2  }
0xce: {  	v53 =	vadd.s32 $0x13, v2  }
0xcf: {  	v54 =	vand.u32 $0xFFFFFF80, v53;
	[tilespmem:s25+$0x12680] =	vst v4  }
0xd0: {  	v5 =	vand.u32 $0x7F, v53;
	v4 =	vadd.s32 v1, v54;
	v3 =	vld.idx.msk [tilespmem:v3+s10+$0x0], $0xffff  }
0xd1: {  	v4 =	vor.u32 v5, v4;
	_ =	sdelay $0x2  }
0xd2: {  	v55 =	vadd.s32 $0x14, v2  }
0xd3: {  	[tilespmem:s25+$0x12700] =	vst v3;
	v3 =	vand.u32 $0xFFFFFF80, v55  }
0xd4: {  	v5 =	vand.u32 $0x7F, v55;
	v4 =	vld.idx.msk [tilespmem:v4+s10+$0x0], $0xffff;
	v3 =	vadd.s32 v1, v3  }
0xd5: {  	v3 =	vor.u32 v5, v3;
	_ =	sdelay $0x2  }
0xd6: {  	v56 =	vadd.s32 $0x15, v2  }
0xd7: {  	v57 =	vand.u32 $0xFFFFFF80, v56;
	[tilespmem:s25+$0x12780] =	vst v4  }
0xd8: {  	v5 =	vand.u32 $0x7F, v56;
	v4 =	vadd.s32 v1, v57;
	v3 =	vld.idx.msk [tilespmem:v3+s10+$0x0], $0xffff  }
0xd9: {  	v4 =	vor.u32 v5, v4;
	_ =	sdelay $0x2  }
0xda: {  	v58 =	vadd.s32 $0x16, v2  }
0xdb: {  	[tilespmem:s25+$0x12800] =	vst v3;
	v3 =	vand.u32 $0xFFFFFF80, v58  }
0xdc: {  	v5 =	vand.u32 $0x7F, v58;
	v4 =	vld.idx.msk [tilespmem:v4+s10+$0x0], $0xffff;
	v3 =	vadd.s32 v1, v3  }
0xdd: {  	v3 =	vor.u32 v5, v3;
	_ =	sdelay $0x2  }
0xde: {  	v59 =	vadd.s32 $0x17, v2  }
0xdf: {  	v60 =	vand.u32 $0xFFFFFF80, v59;
	[tilespmem:s25+$0x12880] =	vst v4  }
0xe0: {  	v5 =	vand.u32 $0x7F, v59;
	v4 =	vadd.s32 v1, v60;
	v3 =	vld.idx.msk [tilespmem:v3+s10+$0x0], $0xffff  }
0xe1: {  	v4 =	vor.u32 v5, v4;
	_ =	sdelay $0x2  }
0xe2: {  	v61 =	vadd.s32 $0x18, v2  }
0xe3: {  	[tilespmem:s25+$0x12900] =	vst v3;
	v3 =	vand.u32 $0xFFFFFF80, v61  }
0xe4: {  	v5 =	vand.u32 $0x7F, v61;
	v4 =	vld.idx.msk [tilespmem:v4+s10+$0x0], $0xffff;
	v3 =	vadd.s32 v1, v3  }
0xe5: {  	v3 =	vor.u32 v5, v3;
	_ =	sdelay $0x2  }
0xe6: {  	v62 =	vadd.s32 $0x19, v2  }
0xe7: {  	v63 =	vand.u32 $0xFFFFFF80, v62;
	[tilespmem:s25+$0x12980] =	vst v4  }
0xe8: {  	v5 =	vand.u32 $0x7F, v62;
	v4 =	vadd.s32 v1, v63;
	v3 =	vld.idx.msk [tilespmem:v3+s10+$0x0], $0xffff  }
0xe9: {  	v4 =	vor.u32 v5, v4;
	_ =	sdelay $0x2  }
0xea: {  	v8 =	vadd.s32 $0x1A, v2  }
0xeb: {  	[tilespmem:s25+$0x13600] =	vst v3;
	v3 =	vand.u32 $0xFFFFFF80, v8  }
0xec: {  	v5 =	vand.u32 $0x7F, v8;
	v4 =	vld.idx.msk [tilespmem:v4+s10+$0x0], $0xffff;
	v3 =	vadd.s32 v1, v3  }
0xed: {  	v3 =	vor.u32 v5, v3;
	_ =	sdelay $0x2  }
0xee: {  	v9 =	vadd.s32 $0x1B, v2  }
0xef: {  	v10 =	vand.u32 $0xFFFFFF80, v9;
	[tilespmem:s25+$0x13680] =	vst v4  }
0xf0: {  	v5 =	vand.u32 $0x7F, v9;
	v4 =	vadd.s32 v1, v10;
	v3 =	vld.idx.msk [tilespmem:v3+s10+$0x0], $0xffff  }
0xf1: {  	v4 =	vor.u32 v5, v4;
	_ =	sdelay $0x2  }
0xf2: {  	v11 =	vadd.s32 $0x1C, v2  }
0xf3: {  	[tilespmem:s25+$0x13700] =	vst v3;
	v3 =	vand.u32 $0xFFFFFF80, v11  }
0xf4: {  	v5 =	vand.u32 $0x7F, v11;
	v4 =	vld.idx.msk [tilespmem:v4+s10+$0x0], $0xffff;
	v3 =	vadd.s32 v1, v3  }
0xf5: {  	v3 =	vor.u32 v5, v3;
	_ =	sdelay $0x2  }
0xf6: {  	v12 =	vadd.s32 $0x1D, v2  }
0xf7: {  	v13 =	vand.u32 $0xFFFFFF80, v12;
	[tilespmem:s25+$0x13780] =	vst v4  }
0xf8: {  	v5 =	vand.u32 $0x7F, v12;
	v4 =	vadd.s32 v1, v13;
	v3 =	vld.idx.msk [tilespmem:v3+s10+$0x0], $0xffff  }
0xf9: {  	v4 =	vor.u32 v5, v4;
	_ =	sdelay $0x2  }
0xfa: {  	v14 =	vadd.s32 $0x1E, v2  }
0xfb: {  	[tilespmem:s25+$0x13800] =	vst v3;
	v3 =	vand.u32 $0xFFFFFF80, v14  }
0xfc: {  	v5 =	vand.u32 $0x7F, v14;
	v4 =	vld.idx.msk [tilespmem:v4+s10+$0x0], $0xffff;
	v3 =	vadd.s32 v1, v3  }
0xfd: {  	v3 =	vor.u32 v5, v3;
	_ =	sdelay $0x2  }
0xfe: {  	v15 =	vadd.s32 $0x1F, v2  }
0xff: {  	v16 =	vand.u32 $0xFFFFFF80, v15;
	[tilespmem:s25+$0x13880] =	vst v4  }
0x100: {  	v5 =	vand.u32 $0x7F, v15;
	v4 =	vadd.s32 v1, v16;
	v3 =	vld.idx.msk [tilespmem:v3+s10+$0x0], $0xffff  }
0x101: {  	v4 =	vor.u32 v5, v4;
	_ =	sdelay $0x2  }
0x102: {  	v17 =	vadd.s32 $0x20, v2  }
0x103: {  	[tilespmem:s25+$0x13900] =	vst v3;
	v3 =	vand.u32 $0xFFFFFF80, v17  }
0x104: {  	v5 =	vand.u32 $0x7F, v17;
	v4 =	vld.idx.msk [tilespmem:v4+s10+$0x0], $0xffff;
	v3 =	vadd.s32 v1, v3  }
0x105: {  	v3 =	vor.u32 v5, v3;
	_ =	sdelay $0x2  }
0x106: {  	v18 =	vadd.s32 $0x21, v2  }
0x107: {  	v19 =	vand.u32 $0xFFFFFF80, v18;
	[tilespmem:s25+$0x13980] =	vst v4  }
0x108: {  	v5 =	vand.u32 $0x7F, v18;
	v4 =	vadd.s32 v1, v19;
	v3 =	vld.idx.msk [tilespmem:v3+s10+$0x0], $0xffff  }
0x109: {  	v4 =	vor.u32 v5, v4;
	_ =	sdelay $0x2  }
0x10a: {  	v20 =	vadd.s32 $0x22, v2  }
0x10b: {  	[tilespmem:s25+$0x14600] =	vst v3;
	v3 =	vand.u32 $0xFFFFFF80, v20  }
0x10c: {  	v5 =	vand.u32 $0x7F, v20;
	v4 =	vld.idx.msk [tilespmem:v4+s10+$0x0], $0xffff;
	v3 =	vadd.s32 v1, v3  }
0x10d: {  	v3 =	vor.u32 v5, v3;
	_ =	sdelay $0x2  }
0x10e: {  	v21 =	vadd.s32 $0x23, v2  }
0x10f: {  	v22 =	vand.u32 $0xFFFFFF80, v21;
	[tilespmem:s25+$0x14680] =	vst v4  }
0x110: {  	v5 =	vand.u32 $0x7F, v21;
	v4 =	vadd.s32 v1, v22;
	v3 =	vld.idx.msk [tilespmem:v3+s10+$0x0], $0xffff  }
0x111: {  	v4 =	vor.u32 v5, v4;
	_ =	sdelay $0x2  }
0x112: {  	v23 =	vadd.s32 $0x24, v2  }
0x113: {  	[tilespmem:s25+$0x14700] =	vst v3;
	v3 =	vand.u32 $0xFFFFFF80, v23  }
0x114: {  	v5 =	vand.u32 $0x7F, v23;
	v4 =	vld.idx.msk [tilespmem:v4+s10+$0x0], $0xffff;
	v3 =	vadd.s32 v1, v3  }
0x115: {  	v3 =	vor.u32 v5, v3;
	_ =	sdelay $0x2  }
0x116: {  	v24 =	vadd.s32 $0x25, v2  }
0x117: {  	v25 =	vand.u32 $0xFFFFFF80, v24;
	[tilespmem:s25+$0x14780] =	vst v4  }
0x118: {  	v5 =	vand.u32 $0x7F, v24;
	v4 =	vadd.s32 v1, v25;
	v3 =	vld.idx.msk [tilespmem:v3+s10+$0x0], $0xffff  }
0x119: {  	v4 =	vor.u32 v5, v4;
	_ =	sdelay $0x2  }
0x11a: {  	v26 =	vadd.s32 $0x26, v2  }
0x11b: {  	[tilespmem:s25+$0x14800] =	vst v3;
	v3 =	vand.u32 $0xFFFFFF80, v26  }
0x11c: {  	v5 =	vand.u32 $0x7F, v26;
	v4 =	vld.idx.msk [tilespmem:v4+s10+$0x0], $0xffff;
	v3 =	vadd.s32 v1, v3  }
0x11d: {  	v3 =	vor.u32 v5, v3;
	_ =	sdelay $0x2  }
0x11e: {  	v27 =	vadd.s32 $0x27, v2  }
0x11f: {  	v28 =	vand.u32 $0xFFFFFF80, v27;
	[tilespmem:s25+$0x14880] =	vst v4  }
0x120: {  	v5 =	vand.u32 $0x7F, v27;
	v4 =	vadd.s32 v1, v28;
	v3 =	vld.idx.msk [tilespmem:v3+s10+$0x0], $0xffff  }
0x121: {  	v4 =	vor.u32 v5, v4;
	_ =	sdelay $0x2  }
0x122: {  	v29 =	vadd.s32 $0x28, v2  }
0x123: {  	[tilespmem:s25+$0x14900] =	vst v3;
	v3 =	vand.u32 $0xFFFFFF80, v29  }
0x124: {  	v5 =	vand.u32 $0x7F, v29;
	v4 =	vld.idx.msk [tilespmem:v4+s10+$0x0], $0xffff;
	v3 =	vadd.s32 v1, v3  }
0x125: {  	v3 =	vor.u32 v5, v3;
	_ =	sdelay $0x2  }
0x126: {  	v30 =	vadd.s32 $0x29, v2  }
0x127: {  	v31 =	vand.u32 $0xFFFFFF80, v30;
	[tilespmem:s25+$0x14980] =	vst v4  }
0x128: {  	v5 =	vand.u32 $0x7F, v30;
	v4 =	vadd.s32 v1, v31;
	v3 =	vld.idx.msk [tilespmem:v3+s10+$0x0], $0xffff  }
0x129: {  	v4 =	vor.u32 v5, v4;
	_ =	sdelay $0x2  }
0x12a: {  	v32 =	vadd.s32 $0x2A, v2  }
0x12b: {  	[tilespmem:s25+$0x15600] =	vst v3;
	v3 =	vand.u32 $0xFFFFFF80, v32  }
0x12c: {  	v5 =	vand.u32 $0x7F, v32;
	v4 =	vld.idx.msk [tilespmem:v4+s10+$0x0], $0xffff;
	v3 =	vadd.s32 v1, v3  }
0x12d: {  	v3 =	vor.u32 v5, v3;
	_ =	sdelay $0x2  }
0x12e: {  	v33 =	vadd.s32 $0x2B, v2  }
0x12f: {  	v34 =	vand.u32 $0xFFFFFF80, v33;
	[tilespmem:s25+$0x15680] =	vst v4  }
0x130: {  	v5 =	vand.u32 $0x7F, v33;
	v4 =	vadd.s32 v1, v34;
	v3 =	vld.idx.msk [tilespmem:v3+s10+$0x0], $0xffff  }
0x131: {  	v4 =	vor.u32 v5, v4;
	_ =	sdelay $0x2  }
0x132: {  	v35 =	vadd.s32 $0x2C, v2  }
0x133: {  	[tilespmem:s25+$0x15700] =	vst v3;
	v3 =	vand.u32 $0xFFFFFF80, v35  }
0x134: {  	v5 =	vand.u32 $0x7F, v35;
	v4 =	vld.idx.msk [tilespmem:v4+s10+$0x0], $0xffff;
	v3 =	vadd.s32 v1, v3  }
0x135: {  	v3 =	vor.u32 v5, v3;
	_ =	sdelay $0x2  }
0x136: {  	v36 =	vadd.s32 $0x2D, v2  }
0x137: {  	v37 =	vand.u32 $0xFFFFFF80, v36;
	[tilespmem:s25+$0x15780] =	vst v4  }
0x138: {  	v5 =	vand.u32 $0x7F, v36;
	v4 =	vadd.s32 v1, v37;
	v3 =	vld.idx.msk [tilespmem:v3+s10+$0x0], $0xffff  }
0x139: {  	v4 =	vor.u32 v5, v4;
	_ =	sdelay $0x2  }
0x13a: {  	v38 =	vadd.s32 $0x2E, v2  }
0x13b: {  	[tilespmem:s25+$0x15800] =	vst v3;
	v3 =	vand.u32 $0xFFFFFF80, v38  }
0x13c: {  	v5 =	vand.u32 $0x7F, v38;
	v4 =	vld.idx.msk [tilespmem:v4+s10+$0x0], $0xffff;
	v3 =	vadd.s32 v1, v3  }
0x13d: {  	v3 =	vor.u32 v5, v3;
	_ =	sdelay $0x2  }
0x13e: {  	v39 =	vadd.s32 $0x2F, v2  }
0x13f: {  	v40 =	vand.u32 $0xFFFFFF80, v39;
	[tilespmem:s25+$0x15880] =	vst v4  }
0x140: {  	v5 =	vand.u32 $0x7F, v39;
	v4 =	vadd.s32 v1, v40;
	v3 =	vld.idx.msk [tilespmem:v3+s10+$0x0], $0xffff  }
0x141: {  	v4 =	vor.u32 v5, v4;
	_ =	sdelay $0x2  }
0x142: {  	v41 =	vadd.s32 $0x30, v2  }
0x143: {  	[tilespmem:s25+$0x15900] =	vst v3;
	v3 =	vand.u32 $0xFFFFFF80, v41  }
0x144: {  	v5 =	vand.u32 $0x7F, v41;
	v4 =	vld.idx.msk [tilespmem:v4+s10+$0x0], $0xffff;
	v3 =	vadd.s32 v1, v3  }
0x145: {  	v3 =	vor.u32 v5, v3;
	_ =	sdelay $0x2  }
0x146: {  	v42 =	vadd.s32 $0x31, v2  }
0x147: {  	v43 =	vand.u32 $0xFFFFFF80, v42;
	[tilespmem:s25+$0x15980] =	vst v4  }
0x148: {  	v5 =	vand.u32 $0x7F, v42;
	v4 =	vadd.s32 v1, v43;
	v3 =	vld.idx.msk [tilespmem:v3+s10+$0x0], $0xffff  }
0x149: {  	v4 =	vor.u32 v5, v4;
	_ =	sdelay $0x2  }
0x14a: {  	v44 =	vadd.s32 $0x32, v2  }
0x14b: {  	[tilespmem:s25+$0x16600] =	vst v3;
	v3 =	vand.u32 $0xFFFFFF80, v44  }
0x14c: {  	v5 =	vand.u32 $0x7F, v44;
	v4 =	vld.idx.msk [tilespmem:v4+s10+$0x0], $0xffff;
	v3 =	vadd.s32 v1, v3  }
0x14d: {  	v3 =	vor.u32 v5, v3;
	_ =	sdelay $0x2  }
0x14e: {  	v45 =	vadd.s32 $0x33, v2  }
0x14f: {  	v46 =	vand.u32 $0xFFFFFF80, v45;
	[tilespmem:s25+$0x16680] =	vst v4  }
0x150: {  	v5 =	vand.u32 $0x7F, v45;
	v4 =	vadd.s32 v1, v46;
	v3 =	vld.idx.msk [tilespmem:v3+s10+$0x0], $0xffff  }
0x151: {  	v4 =	vor.u32 v5, v4;
	_ =	sdelay $0x2  }
0x152: {  	v47 =	vadd.s32 $0x34, v2  }
0x153: {  	[tilespmem:s25+$0x16700] =	vst v3;
	v3 =	vand.u32 $0xFFFFFF80, v47  }
0x154: {  	v5 =	vand.u32 $0x7F, v47;
	v4 =	vld.idx.msk [tilespmem:v4+s10+$0x0], $0xffff;
	v3 =	vadd.s32 v1, v3  }
0x155: {  	v3 =	vor.u32 v5, v3;
	_ =	sdelay $0x2  }
0x156: {  	v48 =	vadd.s32 $0x35, v2  }
0x157: {  	v49 =	vand.u32 $0xFFFFFF80, v48;
	[tilespmem:s25+$0x16780] =	vst v4  }
0x158: {  	v5 =	vand.u32 $0x7F, v48;
	v4 =	vadd.s32 v1, v49;
	v3 =	vld.idx.msk [tilespmem:v3+s10+$0x0], $0xffff  }
0x159: {  	v4 =	vor.u32 v5, v4;
	_ =	sdelay $0x2  }
0x15a: {  	v50 =	vadd.s32 $0x36, v2  }
0x15b: {  	[tilespmem:s25+$0x16800] =	vst v3;
	v3 =	vand.u32 $0xFFFFFF80, v50  }
0x15c: {  	v5 =	vand.u32 $0x7F, v50;
	v4 =	vld.idx.msk [tilespmem:v4+s10+$0x0], $0xffff;
	v3 =	vadd.s32 v1, v3  }
0x15d: {  	v3 =	vor.u32 v5, v3;
	_ =	sdelay $0x2  }
0x15e: {  	v51 =	vadd.s32 $0x37, v2  }
0x15f: {  	v52 =	vand.u32 $0xFFFFFF80, v51;
	[tilespmem:s25+$0x16880] =	vst v4  }
0x160: {  	v5 =	vand.u32 $0x7F, v51;
	v4 =	vadd.s32 v1, v52;
	v3 =	vld.idx.msk [tilespmem:v3+s10+$0x0], $0xffff  }
0x161: {  	v4 =	vor.u32 v5, v4;
	_ =	sdelay $0x2  }
0x162: {  	v53 =	vadd.s32 $0x38, v2  }
0x163: {  	[tilespmem:s25+$0x16900] =	vst v3;
	v3 =	vand.u32 $0xFFFFFF80, v53  }
0x164: {  	v5 =	vand.u32 $0x7F, v53;
	v4 =	vld.idx.msk [tilespmem:v4+s10+$0x0], $0xffff;
	v3 =	vadd.s32 v1, v3  }
0x165: {  	v3 =	vor.u32 v5, v3;
	_ =	sdelay $0x2  }
0x166: {  	v54 =	vadd.s32 $0x39, v2  }
0x167: {  	v55 =	vand.u32 $0xFFFFFF80, v54;
	[tilespmem:s25+$0x16980] =	vst v4  }
0x168: {  	v5 =	vand.u32 $0x7F, v54;
	v4 =	vadd.s32 v1, v55;
	v3 =	vld.idx.msk [tilespmem:v3+s10+$0x0], $0xffff  }
0x169: {  	v4 =	vor.u32 v5, v4;
	_ =	sdelay $0x2  }
0x16a: {  	v56 =	vadd.s32 $0x3A, v2  }
0x16b: {  	[tilespmem:s25+$0x17600] =	vst v3;
	v3 =	vand.u32 $0xFFFFFF80, v56  }
0x16c: {  	v5 =	vand.u32 $0x7F, v56;
	v4 =	vld.idx.msk [tilespmem:v4+s10+$0x0], $0xffff;
	v3 =	vadd.s32 v1, v3  }
0x16d: {  	v3 =	vor.u32 v5, v3;
	_ =	sdelay $0x2  }
0x16e: {  	v57 =	vadd.s32 $0x3B, v2  }
0x16f: {  	v58 =	vand.u32 $0xFFFFFF80, v57;
	[tilespmem:s25+$0x17680] =	vst v4  }
0x170: {  	v5 =	vand.u32 $0x7F, v57;
	v4 =	vadd.s32 v1, v58;
	v3 =	vld.idx.msk [tilespmem:v3+s10+$0x0], $0xffff  }
0x171: {  	v4 =	vor.u32 v5, v4;
	_ =	sdelay $0x2  }
0x172: {  	v59 =	vadd.s32 $0x3C, v2  }
0x173: {  	[tilespmem:s25+$0x17700] =	vst v3;
	v3 =	vand.u32 $0xFFFFFF80, v59  }
0x174: {  	v5 =	vand.u32 $0x7F, v59;
	v4 =	vld.idx.msk [tilespmem:v4+s10+$0x0], $0xffff;
	v3 =	vadd.s32 v1, v3  }
0x175: {  	v3 =	vor.u32 v5, v3;
	_ =	sdelay $0x2  }
0x176: {  	v60 =	vadd.s32 $0x3D, v2  }
0x177: {  	v61 =	vand.u32 $0xFFFFFF80, v60;
	[tilespmem:s25+$0x17780] =	vst v4  }
0x178: {  	v5 =	vand.u32 $0x7F, v60;
	v4 =	vadd.s32 v1, v61;
	v3 =	vld.idx.msk [tilespmem:v3+s10+$0x0], $0xffff  }
0x179: {  	v4 =	vor.u32 v5, v4;
	_ =	sdelay $0x2  }
0x17a: {  	v62 =	vadd.s32 $0x3E, v2  }
0x17b: {  	[tilespmem:s25+$0x17800] =	vst v3;
	v3 =	vand.u32 $0xFFFFFF80, v62  }
0x17c: {  	v5 =	vand.u32 $0x7F, v62;
	v4 =	vld.idx.msk [tilespmem:v4+s10+$0x0], $0xffff;
	v3 =	vadd.s32 v1, v3  }
0x17d: {  	v3 =	vor.u32 v5, v3;
	_ =	sdelay $0x2  }
0x17e: {  	v2 =	vadd.s32 $0x3F, v2  }
0x17f: {  	v63 =	vand.u32 $0xFFFFFF80, v2;
	[tilespmem:s25+$0x17880] =	vst v4  }
0x180: {  	v2 =	vand.u32 $0x7F, v2;
	v1 =	vadd.s32 v1, v63;
	v3 =	vld.idx.msk [tilespmem:v3+s10+$0x0], $0xffff  }
0x181: {  	v1 =	vor.u32 v2, v1;
	_ =	sdelay $0x3  }
0x182: {  	[tilespmem:s25+$0x17900] =	vst v3  }
0x183: {  	p0 =	sne.s32 s24, $0x1F0;
	v1 =	vld.idx.msk [tilespmem:v1+s10+$0x0], $0xffff  }
.Ltmp1:
0x184: {  	_ = 	snop;
	(pc) =	sbr.rel @p0 .LBB2_4-.Ltmp1, $2  }
0x185: {  	_ =	sdelay $0x2  }
0x186: {  	s22 =	sadd.s32 $0x80, s22;
	s23 =	sadd.s32 $0x10, s23;
	s24 =	sadd.s32 $0x10, s24;
	[tilespmem:s25+$0x17980] =	vst v1  }
0x187: {  	s21 =	sadd.s32 $0x1, s21  }
0x188: {  	p0 =	sne.s32 s21, s6  }
.Ltmp2:
0x189: {  	_ = 	snop;
	(pc) =	sbr.rel @p0 .LBB2_1-.Ltmp2, $4  }
0x18a: {  	[hbm4b:s5+s18] =	stream.strided.scatter [tilespmem:s20], [sflag:$0x2], $0x8000, s19, s18, $0x38;
	[tilespmem:$0x18600] =	vst v63  }
0x18b: {  	_ =	swait.ge [sflag:s7], $0x8000  }
0x18c: {  	[sflag:s7] =	ssyncset.done $0x0  }
0x18d: {  	[sflag:s7] =	ssyncadd.s32 $0xFFFF8000  }
0x18e: {  	_ =	sfence.sel $0x180000  }
0x18f: {  	[bflag:$0x0] =	sbarrier.arrive $0xFFFF  }
0x190: {  	p0 =	sne.s32 s1, $0x0;
	_ =	strace $0x90000047  }
0x191: {  	s0 =	sadd.s32 @!p0 $0x100000, s0;
	[bflag:$0x2] =	sbarrier.arrive $0xFFFF  }
0x192: {  	[sflag:s0] =	ssyncadd.tile.s32 @!p0 $0x1;
	_ =	shalt  }
.Lfunc_end2:
_tile_overlayer_lowered:
.L_overlay_start_2:
0x193: {  	(tag) =	ssettag $0x2  }
0x194: {  	s0 =	rddreg [dreg:$0x0];
	s2 =	stileid.u32  }
0x195: {  	s1 =	rddreg [dreg:$0x1];
	p0 =	sne.s32 s2, $0x0  }
0x196: {  	s3 =	rddreg [dreg:$0x2];
	[bflag:$0x3] =	sbarrier.arrive $0xFFFF;
	s2 =	simm.s32 @!p0 $0x1C02  }
0x197: {  	[timem:s3], [sflag:s2] =	dma.local @!p0 [hbm:s0], s1  }
0x198: {  	s0 =	simm.s32 @!p0 $0x2  }
0x199: {  	_ =	swait.ge @!p0 [sflag:s0], s1  }
0x19a: {  	s1 =	ssub.s32 @!p0 $0x0, s1;
	[sflag:s0] =	ssyncset.done @!p0 $0x0  }
0x19b: {  	[sflag:s0] =	ssyncadd.s32 @!p0 s1  }
0x19c: {  	[bflag:$0x3] =	sbarrier.arrive $0xFFFF  }
0x19d: {  	_ =	shalt  }

</sc_bundles>
